<compile_context>
chip_gen: v7x
topology: tpu7x:2x2x1
jax: 0.10.2.dev20260603
libtpu: 0.0.44.dev20260713+nightly
codegen_flags: <defaults>
</compile_context>

<pallas_src>
import jax
import jax.numpy as jnp
from jax import lax
from jax.experimental import pallas as pl
from jax.experimental.pallas import tpu as pltpu
from jax.experimental.pallas import tpu_sc as plsc

N = 10000
E = 320000
D = 128
ALPHA = 0.2

NC = 2
NS = 16
L = 16
NW = NC * NS
C = 64
NCH = E // C
BASE_PAIRS = NCH // 2 // NW
EXTRA = NCH // 2 - BASE_PAIRS * NW
N_PAD = 10112
RPW = N_PAD // NS


def _dense_body(h_ref, w_ref, a2_ref, wh_ref, wh12_ref):
    wh = jnp.dot(h_ref[...], w_ref[...],
                 preferred_element_type=jnp.float32,
                 precision=lax.Precision.DEFAULT)
    wh_ref[...] = wh
    wh12_ref[...] = lax.dot_general(
        a2_ref[...], wh, (((0,), (1,)), ((), ())),
        preferred_element_type=jnp.float32,
        precision=lax.Precision.DEFAULT)


def _dense(h, W, a2):
    return pl.pallas_call(
        _dense_body,
        out_shape=[
            jax.ShapeDtypeStruct((N, D), jnp.float32),
            jax.ShapeDtypeStruct((2, N), jnp.float32),
        ],
    )(h, W, a2)


def _edge_body(wh_hbm, wh12_hbm, erow_hbm, ecol_hbm, unnorm_hbm, rowsum_hbm,
               wh12_v, rs_v, v_v, rowe_a, cole_a, rowe_b, cole_b,
               ridx_a, ridx_b, rows_a, rows_b, unnorm_sh,
               gsem_a, gsem_b, esem_a, esem_b):
    cid = lax.axis_index("c")
    sid = lax.axis_index("s")
    wid = sid * NC + cid

    zeros = jnp.zeros((L,), jnp.float32)
    zero16i = jnp.zeros((L,), jnp.int32)
    one16i = jnp.ones((L,), jnp.int32)

    npairs = BASE_PAIRS + jnp.where(wid < EXTRA, 1, 0)
    start = 2 * (BASE_PAIRS * wid + lax.min(wid, EXTRA))

    @pl.loop(0, N_PAD // L)
    def _(i):
        rs_v[pl.ds(i * L, L)] = zeros

    @pl.loop(0, C)
    def _(i):
        for j in range(D // L):
            rows_a[i, pl.ds(j * L, L)] = zeros

    for k in range(RPW // C):
        pltpu.sync_copy(rows_a, unnorm_sh.at[pl.ds(sid * RPW + k * C, C)])
    pltpu.sync_copy(rows_a.at[pl.ds(0, RPW - (RPW // C) * C)],
                    unnorm_sh.at[pl.ds(sid * RPW + (RPW // C) * C,
                                       RPW - (RPW // C) * C)])

    pltpu.sync_copy(wh12_hbm, wh12_v)
    pltpu.sync_copy(erow_hbm.at[pl.ds(start * C, C)], rowe_a)
    pltpu.sync_copy(ecol_hbm.at[pl.ds(start * C, C)], cole_a)
    pltpu.sync_copy(erow_hbm.at[pl.ds((start + 1) * C, C)], rowe_b)
    pltpu.sync_copy(ecol_hbm.at[pl.ds((start + 1) * C, C)], cole_b)
    pltpu.async_copy(wh_hbm.at[cole_a], rows_a, gsem_a)
    pltpu.async_copy(wh_hbm.at[cole_b], rows_b, gsem_b)

    plsc.subcore_barrier()

    def compute_v_and_scale(rowe, cole, ridx, rows):
        @plsc.parallel_loop(0, C // L, 1, unroll=C // L)
        def _(g):
            r16 = rowe[pl.ds(g * L, L)]
            c16 = cole[pl.ds(g * L, L)]
            ridx[pl.ds(g * L, L)] = r16
            ee = (plsc.load_gather(wh12_v, [zero16i, r16])
                  + plsc.load_gather(wh12_v, [one16i, c16]))
            ee = jnp.where(ee >= 0, ee, ALPHA * ee)
            vv = jnp.exp(ee)
            v_v[pl.ds(g * L, L)] = vv
            plsc.addupdate_scatter(rs_v, [r16], vv)

        @plsc.parallel_loop(0, C, 1, unroll=16)
        def _(i):
            b = plsc.load_gather(v_v, [jnp.zeros((L,), jnp.int32) + i])
            for k in range(D // L):
                sl = (i, pl.ds(k * L, L))
                rows[sl] = rows[sl] * b

    @pl.loop(0, npairs)
    def _(i):
        c = start + 2 * i
        not_last = i < npairs - 1

        pltpu.make_async_copy(wh_hbm.at[cole_a], rows_a, gsem_a).wait()
        compute_v_and_scale(rowe_a, cole_a, ridx_a, rows_a)

        @pl.when(not_last)
        def _():
            pltpu.async_copy(erow_hbm.at[pl.ds((c + 2) * C, C)],
                             rowe_a, esem_a)
            pltpu.async_copy(ecol_hbm.at[pl.ds((c + 2) * C, C)],
                             cole_a, esem_a)

        pltpu.sync_copy(rows_a, unnorm_sh.at[ridx_a], add=True)

        @pl.when(not_last)
        def _():
            pltpu.make_async_copy(erow_hbm.at[pl.ds((c + 2) * C, C)],
                                  rowe_a, esem_a).wait()
            pltpu.make_async_copy(ecol_hbm.at[pl.ds((c + 2) * C, C)],
                                  cole_a, esem_a).wait()
            pltpu.async_copy(wh_hbm.at[cole_a], rows_a, gsem_a)

        pltpu.make_async_copy(wh_hbm.at[cole_b], rows_b, gsem_b).wait()
        compute_v_and_scale(rowe_b, cole_b, ridx_b, rows_b)

        @pl.when(not_last)
        def _():
            pltpu.async_copy(erow_hbm.at[pl.ds((c + 3) * C, C)],
                             rowe_b, esem_b)
            pltpu.async_copy(ecol_hbm.at[pl.ds((c + 3) * C, C)],
                             cole_b, esem_b)

        pltpu.sync_copy(rows_b, unnorm_sh.at[ridx_b], add=True)

        @pl.when(not_last)
        def _():
            pltpu.make_async_copy(erow_hbm.at[pl.ds((c + 3) * C, C)],
                                  rowe_b, esem_b).wait()
            pltpu.make_async_copy(ecol_hbm.at[pl.ds((c + 3) * C, C)],
                                  cole_b, esem_b).wait()
            pltpu.async_copy(wh_hbm.at[cole_b], rows_b, gsem_b)

    plsc.subcore_barrier()

    pltpu.sync_copy(unnorm_sh.at[pl.ds(sid * RPW, RPW)],
                    unnorm_hbm.at[cid, pl.ds(sid * RPW, RPW)])
    pltpu.sync_copy(rs_v, rowsum_hbm.at[pl.ds(wid * N_PAD, N_PAD)])


def _edge_pass(wh, wh12, erow, ecol):
    mesh = plsc.VectorSubcoreMesh(core_axis_name="c", subcore_axis_name="s")
    kern = pl.kernel(
        _edge_body,
        out_type=[
            jax.ShapeDtypeStruct((NC, N_PAD, D), jnp.float32),
            jax.ShapeDtypeStruct((NW * N_PAD,), jnp.float32),
        ],
        mesh=mesh,
        compiler_params=pltpu.CompilerParams(needs_layout_passes=False),
        scratch_types=[
            pltpu.VMEM((2, N), jnp.float32),
            pltpu.VMEM((N_PAD,), jnp.float32),
            pltpu.VMEM((C + L,), jnp.float32),
            pltpu.VMEM((C,), jnp.int32),
            pltpu.VMEM((C,), jnp.int32),
            pltpu.VMEM((C,), jnp.int32),
            pltpu.VMEM((C,), jnp.int32),
            pltpu.VMEM((C,), jnp.int32),
            pltpu.VMEM((C,), jnp.int32),
            pltpu.VMEM((C, D), jnp.float32),
            pltpu.VMEM((C, D), jnp.float32),
            pltpu.VMEM_SHARED((N_PAD, D), jnp.float32),
            pltpu.SemaphoreType.DMA,
            pltpu.SemaphoreType.DMA,
            pltpu.SemaphoreType.DMA,
            pltpu.SemaphoreType.DMA,
        ],
    )
    return kern(wh, wh12, erow, ecol)


def _combine_body(u_ref, rs_ref, out_ref):
    rs = jnp.sum(rs_ref[...], axis=0)[:N]
    u = u_ref[0, :N] + u_ref[1, :N]
    rs_col = rs[:, None]
    safe = jnp.where(rs_col > 0, rs_col, 1.0)
    x = jnp.where(rs_col > 0, u / safe, 0.0)
    out_ref[...] = jnp.where(x > 0, x, jnp.exp(jnp.minimum(x, 0.0)) - 1.0)


def _combine(unnorm, rowsum2d):
    return pl.pallas_call(
        _combine_body,
        out_shape=jax.ShapeDtypeStruct((N, D), jnp.float32),
    )(unnorm, rowsum2d)


def kernel(h, edge_index, W, a):
    a2 = jnp.concatenate([a[:D], a[D:]], axis=1)
    wh, wh12 = _dense(h, W, a2)
    unnorm, rowsum = _edge_pass(wh, wh12, edge_index[0], edge_index[1])
    return _combine(unnorm, rowsum.reshape(NW, N_PAD))

# --- scband reference (transcript-rebuilt; emitter-appended) ---
"""Pipeline reference for scband-graph-attention-layer-14817637171440 (READ-ONLY COPY).

The authoritative reference and input builder live on the scoring server;
editing this copy changes nothing except your own understanding.
"""

import jax, jax.numpy as jnp
import numpy as np

N = 10000
E = 320000
D_IN = 128
D_OUT = 128
ALPHA = 0.2

def setup_inputs(seed: int = 0) -> dict:
    key = jax.random.key(seed)
    k1, k2, k3, k4 = jax.random.split(key, 4)
    h = jax.random.normal(k1, (N, D_IN), dtype=jnp.float32)
    edge_index = jax.random.randint(k2, (2, E), 0, N, dtype=jnp.int32)
    # xavier_uniform with gain=1.414
    limW = 1.414 * np.sqrt(6.0 / (D_IN + D_OUT))
    W = jax.random.uniform(k3, (D_IN, D_OUT), dtype=jnp.float32, minval=-limW, maxval=limW)
    lima = 1.414 * np.sqrt(6.0 / (2 * D_OUT + 1))
    a = jax.random.uniform(k4, (2 * D_OUT, 1), dtype=jnp.float32, minval=-lima, maxval=lima)
    return {"h": h, "edge_index": edge_index, "W": W, "a": a}

def reference(h, edge_index, W, a):
    Wh = h @ W
    Wh1 = (Wh @ a[:D_OUT]).squeeze(-1)  # [N]
    Wh2 = (Wh @ a[D_OUT:]).squeeze(-1)  # [N]
    row = edge_index[0]
    col = edge_index[1]
    # e_ij = LeakyReLU(Wh1[row] + Wh2[col]) on sparse edges
    e = jax.nn.leaky_relu(Wh1[row] + Wh2[col], negative_slope=ALPHA)  # [E]
    # sparse row-wise softmax (max-subtracted, as in the torch code)
    rowmax = jax.ops.segment_max(e, row, num_segments=N)
    rowmax = jnp.where(jnp.isfinite(rowmax), rowmax, 0.0)
    v = jnp.exp(e - rowmax[row])
    rowsum = jax.ops.segment_sum(v, row, num_segments=N)
    att = v / rowsum[row]
    # h_prime = A_softmax @ Wh  (sparse matmul as gather + scatter-add)
    h_prime = jax.ops.segment_sum(att[:, None] * Wh[col], row, num_segments=N)
    # concat=True -> ELU
    return jax.nn.elu(h_prime)

if __name__ == "__main__":
    import jax
    _d = setup_inputs()
    print(jax.jit(kernel)(*tuple(_d.values())))

</pallas_src>

<mosaic_0001>
#map = affine_map<(d0, d1) -> (0, 0)>
#map1 = affine_map<(d0, d1) -> (0)>
#map2 = affine_map<(d0, d1) -> (0, 0, 0)>
module attributes {stable_mosaic.version = 14 : i64} {
  func.func @_edge_body(%arg0: i32, %arg1: i32, %arg2: memref<10000x128xf32, #tpu.memory_space<hbm>>, %arg3: memref<2x10000xf32, #tpu.memory_space<hbm>>, %arg4: memref<320000xi32, #tpu.memory_space<hbm>>, %arg5: memref<320000xi32, #tpu.memory_space<hbm>>, %arg6: memref<2x10112x128xf32, #tpu.memory_space<hbm>>, %arg7: memref<323584xf32, #tpu.memory_space<hbm>>, %arg8: memref<2x10000xf32, #tpu.memory_space<vmem>>, %arg9: memref<10112xf32, #tpu.memory_space<vmem>>, %arg10: memref<80xf32, #tpu.memory_space<vmem>>, %arg11: memref<64xi32, #tpu.memory_space<vmem>>, %arg12: memref<64xi32, #tpu.memory_space<vmem>>, %arg13: memref<64xi32, #tpu.memory_space<vmem>>, %arg14: memref<64xi32, #tpu.memory_space<vmem>>, %arg15: memref<64xi32, #tpu.memory_space<vmem>>, %arg16: memref<64xi32, #tpu.memory_space<vmem>>, %arg17: memref<64x128xf32, #tpu.memory_space<vmem>>, %arg18: memref<64x128xf32, #tpu.memory_space<vmem>>, %arg19: memref<10112x128xf32, #tpu.memory_space<vmem_shared>>, %arg20: memref<!tpu.dma_semaphore, #tpu.memory_space<semaphore_mem>>, %arg21: memref<!tpu.dma_semaphore, #tpu.memory_space<semaphore_mem>>, %arg22: memref<!tpu.dma_semaphore, #tpu.memory_space<semaphore_mem>>, %arg23: memref<!tpu.dma_semaphore, #tpu.memory_space<semaphore_mem>>) attributes {dimension_semantics = [#tpu.dimension_semantics<core_parallel>, #tpu.dimension_semantics<subcore_parallel>], iteration_bounds = array<i64: 2, 16>, scalar_prefetch = 0 : i64, scratch_operands = 16 : i64, tpu.core_type = #tpu.core_type<sc_vector_subcore>, window_params = [{transform_indices = #map}, {transform_indices = #map}, {transform_indices = #map1}, {transform_indices = #map1}, {transform_indices = #map2}, {transform_indices = #map1}]} {
    %mul3A = arith.constant 2 : i32
    %mul3A_0 = arith.muli %arg1, %mul3A : i32
    %add3A = arith.addi %mul3A_0, %arg0 : i32
    %broadcast_in_dim3A = arith.constant 0.000000e+00 : f32
    %broadcast_in_dim3A_1 = vector.broadcast %broadcast_in_dim3A : f32 to vector<16xf32>
    %broadcast_in_dim3A_2 = arith.constant 0 : i32
    %broadcast_in_dim3A_3 = vector.broadcast %broadcast_in_dim3A_2 : i32 to vector<16xi32>
    %broadcast_in_dim3A_4 = arith.constant 1 : i32
    %broadcast_in_dim3A_5 = vector.broadcast %broadcast_in_dim3A_4 : i32 to vector<16xi32>
    %lt3A = arith.constant 4 : i32
    %lt3A_6 = arith.cmpi slt, %add3A, %lt3A : i32
    %jit3A = arith.constant 1 : i32
    %jit3A_7 = arith.constant 0 : i32
    %select_n3A = arith.select %lt3A_6, %jit3A, %jit3A_7 : i32
    %add3A_8 = arith.constant 78 : i32
    %add3A_9 = arith.addi %add3A_8, %select_n3A : i32
    %mul3A_10 = arith.constant 78 : i32
    %mul3A_11 = arith.muli %mul3A_10, %add3A : i32
    %min3A = arith.constant 4 : i32
    %min3A_12 = arith.minsi %add3A, %min3A : i32
    %add3A_13 = arith.addi %mul3A_11, %min3A_12 : i32
    %mul3A_14 = arith.constant 2 : i32
    %mul3A_15 = arith.muli %mul3A_14, %add3A_13 : i32
    %scan3A = arith.constant 0 : i32
    %scan3A_16 = arith.constant 632 : i32
    %scan3A_17 = arith.addi %scan3A, %scan3A_16 : i32
    %scan3A_18 = arith.constant 1 : i32
    scf.for %scan3A_105 = %scan3A to %scan3A_17 step %scan3A_18  : i32 {
      %mul3A_106 = arith.constant 1 : i32
      %mul3A_107 = arith.muli %scan3A_105, %mul3A_106 : i32
      %add3A_108 = arith.constant 0 : i32
      %add3A_109 = arith.addi %add3A_108, %mul3A_107 : i32
      %mul3A_110 = arith.constant 16 : i32
      %mul3A_111 = arith.muli %add3A_109, %mul3A_110 : i32
      %swap3A = arith.index_cast %mul3A_111 : i32 to index
      %swap3A_112 = tpu.vector_load %arg9[%swap3A] {strides = array<i32>} : memref<10112xf32, #tpu.memory_space<vmem>>, vector<16xf32>,
      tpu.vector_store %arg9[%swap3A], %broadcast_in_dim3A_1 {strides = array<i32>} : memref<10112xf32, #tpu.memory_space<vmem>>, vector<16xf32>,
    }
    %scan3A_19 = arith.constant 632 : i32
    %scan3A_20 = arith.constant 0 : i32
    %scan3A_21 = arith.constant 64 : i32
    %scan3A_22 = arith.addi %scan3A_20, %scan3A_21 : i32
    %scan3A_23 = arith.constant 1 : i32
    scf.for %scan3A_105 = %scan3A_20 to %scan3A_22 step %scan3A_23  : i32 {
      %mul3A_106 = arith.constant 1 : i32
      %mul3A_107 = arith.muli %scan3A_105, %mul3A_106 : i32
      %add3A_108 = arith.constant 0 : i32
      %add3A_109 = arith.addi %add3A_108, %mul3A_107 : i32
      %swap3A = arith.index_cast %add3A_109 : i32 to index
      %swap3A_110 = arith.constant 0 : index
      %swap3A_111 = tpu.vector_load %arg17[%swap3A, %swap3A_110] {strides = array<i32>} : memref<64x128xf32, #tpu.memory_space<vmem>>, vector<16xf32>,
      tpu.vector_store %arg17[%swap3A, %swap3A_110], %broadcast_in_dim3A_1 {strides = array<i32>} : memref<64x128xf32, #tpu.memory_space<vmem>>, vector<16xf32>,
      %swap3A_112 = arith.index_cast %add3A_109 : i32 to index
      %swap3A_113 = arith.constant 16 : index
      %swap3A_114 = tpu.vector_load %arg17[%swap3A_112, %swap3A_113] {strides = array<i32>} : memref<64x128xf32, #tpu.memory_space<vmem>>, vector<16xf32>,
      tpu.vector_store %arg17[%swap3A_112, %swap3A_113], %broadcast_in_dim3A_1 {strides = array<i32>} : memref<64x128xf32, #tpu.memory_space<vmem>>, vector<16xf32>,
      %swap3A_115 = arith.index_cast %add3A_109 : i32 to index
      %swap3A_116 = arith.constant 32 : index
      %swap3A_117 = tpu.vector_load %arg17[%swap3A_115, %swap3A_116] {strides = array<i32>} : memref<64x128xf32, #tpu.memory_space<vmem>>, vector<16xf32>,
      tpu.vector_store %arg17[%swap3A_115, %swap3A_116], %broadcast_in_dim3A_1 {strides = array<i32>} : memref<64x128xf32, #tpu.memory_space<vmem>>, vector<16xf32>,
      %swap3A_118 = arith.index_cast %add3A_109 : i32 to index
      %swap3A_119 = arith.constant 48 : index
      %swap3A_120 = tpu.vector_load %arg17[%swap3A_118, %swap3A_119] {strides = array<i32>} : memref<64x128xf32, #tpu.memory_space<vmem>>, vector<16xf32>,
      tpu.vector_store %arg17[%swap3A_118, %swap3A_119], %broadcast_in_dim3A_1 {strides = array<i32>} : memref<64x128xf32, #tpu.memory_space<vmem>>, vector<16xf32>,
      %swap3A_121 = arith.index_cast %add3A_109 : i32 to index
      %swap3A_122 = arith.constant 64 : index
      %swap3A_123 = tpu.vector_load %arg17[%swap3A_121, %swap3A_122] {strides = array<i32>} : memref<64x128xf32, #tpu.memory_space<vmem>>, vector<16xf32>,
      tpu.vector_store %arg17[%swap3A_121, %swap3A_122], %broadcast_in_dim3A_1 {strides = array<i32>} : memref<64x128xf32, #tpu.memory_space<vmem>>, vector<16xf32>,
      %swap3A_124 = arith.index_cast %add3A_109 : i32 to index
      %swap3A_125 = arith.constant 80 : index
      %swap3A_126 = tpu.vector_load %arg17[%swap3A_124, %swap3A_125] {strides = array<i32>} : memref<64x128xf32, #tpu.memory_space<vmem>>, vector<16xf32>,
      tpu.vector_store %arg17[%swap3A_124, %swap3A_125], %broadcast_in_dim3A_1 {strides = array<i32>} : memref<64x128xf32, #tpu.memory_space<vmem>>, vector<16xf32>,
      %swap3A_127 = arith.index_cast %add3A_109 : i32 to index
      %swap3A_128 = arith.constant 96 : index
      %swap3A_129 = tpu.vector_load %arg17[%swap3A_127, %swap3A_128] {strides = array<i32>} : memref<64x128xf32, #tpu.memory_space<vmem>>, vector<16xf32>,
      tpu.vector_store %arg17[%swap3A_127, %swap3A_128], %broadcast_in_dim3A_1 {strides = array<i32>} : memref<64x128xf32, #tpu.memory_space<vmem>>, vector<16xf32>,
      %swap3A_130 = arith.index_cast %add3A_109 : i32 to index
      %swap3A_131 = arith.constant 112 : index
      %swap3A_132 = tpu.vector_load %arg17[%swap3A_130, %swap3A_131] {strides = array<i32>} : memref<64x128xf32, #tpu.memory_space<vmem>>, vector<16xf32>,
      tpu.vector_store %arg17[%swap3A_130, %swap3A_131], %broadcast_in_dim3A_1 {strides = array<i32>} : memref<64x128xf32, #tpu.memory_space<vmem>>, vector<16xf32>,
    }
    %scan3A_24 = arith.constant 64 : i32
    %mul3A_25 = arith.constant 632 : i32
    %mul3A_26 = arith.muli %arg1, %mul3A_25 : i32
    %add3A_27 = arith.constant 0 : i32
    %add3A_28 = arith.addi %mul3A_26, %add3A_27 : i32
    "tpu.region"() ({
      %run_scoped3A = tpu.sem_alloc : memref<!tpu.dma_semaphore, #tpu.memory_space<semaphore_mem>>
      %dma_start3A_105 = arith.constant 0 : i32
      %dma_start3A_106 = tpu.memref_slice %arg19[%add3A_28, %dma_start3A_105] : memref<10112x128xf32, #tpu.memory_space<vmem_shared>> -> memref<64x128xf32, #tpu.memory_space<vmem_shared>>
      %dma_start3A_107 = arith.constant 0 : i32
      %dma_start3A_108 = tpu.memref_slice %arg19[%add3A_28, %dma_start3A_107] : memref<10112x128xf32, #tpu.memory_space<vmem_shared>> -> memref<64x128xf32, #tpu.memory_space<vmem_shared>>
      tpu.enqueue_dma source(%arg17 : memref<64x128xf32, #tpu.memory_space<vmem>>) target(%dma_start3A_108 : memref<64x128xf32, #tpu.memory_space<vmem_shared>>) target_semaphore(%run_scoped3A : memref<!tpu.dma_semaphore, #tpu.memory_space<semaphore_mem>>)
      %dma_wait3A = arith.constant 0 : i32
      %dma_wait3A_109 = tpu.memref_slice %arg19[%add3A_28, %dma_wait3A] : memref<10112x128xf32, #tpu.memory_space<vmem_shared>> -> memref<64x128xf32, #tpu.memory_space<vmem_shared>>
      %dma_wait3A_110 = arith.constant 0 : i32
      %dma_wait3A_111 = tpu.memref_slice %arg19[%add3A_28, %dma_wait3A_110] : memref<10112x128xf32, #tpu.memory_space<vmem_shared>> -> memref<64x128xf32, #tpu.memory_space<vmem_shared>>
      tpu.wait_dma2 semaphore(%run_scoped3A : memref<!tpu.dma_semaphore, #tpu.memory_space<semaphore_mem>>) src(%arg17 : memref<64x128xf32, #tpu.memory_space<vmem>>) dst(%dma_wait3A_111 : memref<64x128xf32, #tpu.memory_space<vmem_shared>>)
      tpu.yield
    }) : () -> ()
    %mul3A_29 = arith.constant 632 : i32
    %mul3A_30 = arith.muli %arg1, %mul3A_29 : i32
    %add3A_31 = arith.constant 64 : i32
    %add3A_32 = arith.addi %mul3A_30, %add3A_31 : i32
    "tpu.region"() ({
      %run_scoped3A = tpu.sem_alloc : memref<!tpu.dma_semaphore, #tpu.memory_space<semaphore_mem>>
      %dma_start3A_105 = arith.constant 0 : i32
      %dma_start3A_106 = tpu.memref_slice %arg19[%add3A_32, %dma_start3A_105] : memref<10112x128xf32, #tpu.memory_space<vmem_shared>> -> memref<64x128xf32, #tpu.memory_space<vmem_shared>>
      %dma_start3A_107 = arith.constant 0 : i32
      %dma_start3A_108 = tpu.memref_slice %arg19[%add3A_32, %dma_start3A_107] : memref<10112x128xf32, #tpu.memory_space<vmem_shared>> -> memref<64x128xf32, #tpu.memory_space<vmem_shared>>
      tpu.enqueue_dma source(%arg17 : memref<64x128xf32, #tpu.memory_space<vmem>>) target(%dma_start3A_108 : memref<64x128xf32, #tpu.memory_space<vmem_shared>>) target_semaphore(%run_scoped3A : memref<!tpu.dma_semaphore, #tpu.memory_space<semaphore_mem>>)
      %dma_wait3A = arith.constant 0 : i32
      %dma_wait3A_109 = tpu.memref_slice %arg19[%add3A_32, %dma_wait3A] : memref<10112x128xf32, #tpu.memory_space<vmem_shared>> -> memref<64x128xf32, #tpu.memory_space<vmem_shared>>
      %dma_wait3A_110 = arith.constant 0 : i32
      %dma_wait3A_111 = tpu.memref_slice %arg19[%add3A_32, %dma_wait3A_110] : memref<10112x128xf32, #tpu.memory_space<vmem_shared>> -> memref<64x128xf32, #tpu.memory_space<vmem_shared>>
      tpu.wait_dma2 semaphore(%run_scoped3A : memref<!tpu.dma_semaphore, #tpu.memory_space<semaphore_mem>>) src(%arg17 : memref<64x128xf32, #tpu.memory_space<vmem>>) dst(%dma_wait3A_111 : memref<64x128xf32, #tpu.memory_space<vmem_shared>>)
      tpu.yield
    }) : () -> ()
    %mul3A_33 = arith.constant 632 : i32
    %mul3A_34 = arith.muli %arg1, %mul3A_33 : i32
    %add3A_35 = arith.constant 128 : i32
    %add3A_36 = arith.addi %mul3A_34, %add3A_35 : i32
    "tpu.region"() ({
      %run_scoped3A = tpu.sem_alloc : memref<!tpu.dma_semaphore, #tpu.memory_space<semaphore_mem>>
      %dma_start3A_105 = arith.constant 0 : i32
      %dma_start3A_106 = tpu.memref_slice %arg19[%add3A_36, %dma_start3A_105] : memref<10112x128xf32, #tpu.memory_space<vmem_shared>> -> memref<64x128xf32, #tpu.memory_space<vmem_shared>>
      %dma_start3A_107 = arith.constant 0 : i32
      %dma_start3A_108 = tpu.memref_slice %arg19[%add3A_36, %dma_start3A_107] : memref<10112x128xf32, #tpu.memory_space<vmem_shared>> -> memref<64x128xf32, #tpu.memory_space<vmem_shared>>
      tpu.enqueue_dma source(%arg17 : memref<64x128xf32, #tpu.memory_space<vmem>>) target(%dma_start3A_108 : memref<64x128xf32, #tpu.memory_space<vmem_shared>>) target_semaphore(%run_scoped3A : memref<!tpu.dma_semaphore, #tpu.memory_space<semaphore_mem>>)
      %dma_wait3A = arith.constant 0 : i32
      %dma_wait3A_109 = tpu.memref_slice %arg19[%add3A_36, %dma_wait3A] : memref<10112x128xf32, #tpu.memory_space<vmem_shared>> -> memref<64x128xf32, #tpu.memory_space<vmem_shared>>
      %dma_wait3A_110 = arith.constant 0 : i32
      %dma_wait3A_111 = tpu.memref_slice %arg19[%add3A_36, %dma_wait3A_110] : memref<10112x128xf32, #tpu.memory_space<vmem_shared>> -> memref<64x128xf32, #tpu.memory_space<vmem_shared>>
      tpu.wait_dma2 semaphore(%run_scoped3A : memref<!tpu.dma_semaphore, #tpu.memory_space<semaphore_mem>>) src(%arg17 : memref<64x128xf32, #tpu.memory_space<vmem>>) dst(%dma_wait3A_111 : memref<64x128xf32, #tpu.memory_space<vmem_shared>>)
      tpu.yield
    }) : () -> ()
    %mul3A_37 = arith.constant 632 : i32
    %mul3A_38 = arith.muli %arg1, %mul3A_37 : i32
    %add3A_39 = arith.constant 192 : i32
    %add3A_40 = arith.addi %mul3A_38, %add3A_39 : i32
    "tpu.region"() ({
      %run_scoped3A = tpu.sem_alloc : memref<!tpu.dma_semaphore, #tpu.memory_space<semaphore_mem>>
      %dma_start3A_105 = arith.constant 0 : i32
      %dma_start3A_106 = tpu.memref_slice %arg19[%add3A_40, %dma_start3A_105] : memref<10112x128xf32, #tpu.memory_space<vmem_shared>> -> memref<64x128xf32, #tpu.memory_space<vmem_shared>>
      %dma_start3A_107 = arith.constant 0 : i32
      %dma_start3A_108 = tpu.memref_slice %arg19[%add3A_40, %dma_start3A_107] : memref<10112x128xf32, #tpu.memory_space<vmem_shared>> -> memref<64x128xf32, #tpu.memory_space<vmem_shared>>
      tpu.enqueue_dma source(%arg17 : memref<64x128xf32, #tpu.memory_space<vmem>>) target(%dma_start3A_108 : memref<64x128xf32, #tpu.memory_space<vmem_shared>>) target_semaphore(%run_scoped3A : memref<!tpu.dma_semaphore, #tpu.memory_space<semaphore_mem>>)
      %dma_wait3A = arith.constant 0 : i32
      %dma_wait3A_109 = tpu.memref_slice %arg19[%add3A_40, %dma_wait3A] : memref<10112x128xf32, #tpu.memory_space<vmem_shared>> -> memref<64x128xf32, #tpu.memory_space<vmem_shared>>
      %dma_wait3A_110 = arith.constant 0 : i32
      %dma_wait3A_111 = tpu.memref_slice %arg19[%add3A_40, %dma_wait3A_110] : memref<10112x128xf32, #tpu.memory_space<vmem_shared>> -> memref<64x128xf32, #tpu.memory_space<vmem_shared>>
      tpu.wait_dma2 semaphore(%run_scoped3A : memref<!tpu.dma_semaphore, #tpu.memory_space<semaphore_mem>>) src(%arg17 : memref<64x128xf32, #tpu.memory_space<vmem>>) dst(%dma_wait3A_111 : memref<64x128xf32, #tpu.memory_space<vmem_shared>>)
      tpu.yield
    }) : () -> ()
    %mul3A_41 = arith.constant 632 : i32
    %mul3A_42 = arith.muli %arg1, %mul3A_41 : i32
    %add3A_43 = arith.constant 256 : i32
    %add3A_44 = arith.addi %mul3A_42, %add3A_43 : i32
    "tpu.region"() ({
      %run_scoped3A = tpu.sem_alloc : memref<!tpu.dma_semaphore, #tpu.memory_space<semaphore_mem>>
      %dma_start3A_105 = arith.constant 0 : i32
      %dma_start3A_106 = tpu.memref_slice %arg19[%add3A_44, %dma_start3A_105] : memref<10112x128xf32, #tpu.memory_space<vmem_shared>> -> memref<64x128xf32, #tpu.memory_space<vmem_shared>>
      %dma_start3A_107 = arith.constant 0 : i32
      %dma_start3A_108 = tpu.memref_slice %arg19[%add3A_44, %dma_start3A_107] : memref<10112x128xf32, #tpu.memory_space<vmem_shared>> -> memref<64x128xf32, #tpu.memory_space<vmem_shared>>
      tpu.enqueue_dma source(%arg17 : memref<64x128xf32, #tpu.memory_space<vmem>>) target(%dma_start3A_108 : memref<64x128xf32, #tpu.memory_space<vmem_shared>>) target_semaphore(%run_scoped3A : memref<!tpu.dma_semaphore, #tpu.memory_space<semaphore_mem>>)
      %dma_wait3A = arith.constant 0 : i32
      %dma_wait3A_109 = tpu.memref_slice %arg19[%add3A_44, %dma_wait3A] : memref<10112x128xf32, #tpu.memory_space<vmem_shared>> -> memref<64x128xf32, #tpu.memory_space<vmem_shared>>
      %dma_wait3A_110 = arith.constant 0 : i32
      %dma_wait3A_111 = tpu.memref_slice %arg19[%add3A_44, %dma_wait3A_110] : memref<10112x128xf32, #tpu.memory_space<vmem_shared>> -> memref<64x128xf32, #tpu.memory_space<vmem_shared>>
      tpu.wait_dma2 semaphore(%run_scoped3A : memref<!tpu.dma_semaphore, #tpu.memory_space<semaphore_mem>>) src(%arg17 : memref<64x128xf32, #tpu.memory_space<vmem>>) dst(%dma_wait3A_111 : memref<64x128xf32, #tpu.memory_space<vmem_shared>>)
      tpu.yield
    }) : () -> ()
    %mul3A_45 = arith.constant 632 : i32
    %mul3A_46 = arith.muli %arg1, %mul3A_45 : i32
    %add3A_47 = arith.constant 320 : i32
    %add3A_48 = arith.addi %mul3A_46, %add3A_47 : i32
    "tpu.region"() ({
      %run_scoped3A = tpu.sem_alloc : memref<!tpu.dma_semaphore, #tpu.memory_space<semaphore_mem>>
      %dma_start3A_105 = arith.constant 0 : i32
      %dma_start3A_106 = tpu.memref_slice %arg19[%add3A_48, %dma_start3A_105] : memref<10112x128xf32, #tpu.memory_space<vmem_shared>> -> memref<64x128xf32, #tpu.memory_space<vmem_shared>>
      %dma_start3A_107 = arith.constant 0 : i32
      %dma_start3A_108 = tpu.memref_slice %arg19[%add3A_48, %dma_start3A_107] : memref<10112x128xf32, #tpu.memory_space<vmem_shared>> -> memref<64x128xf32, #tpu.memory_space<vmem_shared>>
      tpu.enqueue_dma source(%arg17 : memref<64x128xf32, #tpu.memory_space<vmem>>) target(%dma_start3A_108 : memref<64x128xf32, #tpu.memory_space<vmem_shared>>) target_semaphore(%run_scoped3A : memref<!tpu.dma_semaphore, #tpu.memory_space<semaphore_mem>>)
      %dma_wait3A = arith.constant 0 : i32
      %dma_wait3A_109 = tpu.memref_slice %arg19[%add3A_48, %dma_wait3A] : memref<10112x128xf32, #tpu.memory_space<vmem_shared>> -> memref<64x128xf32, #tpu.memory_space<vmem_shared>>
      %dma_wait3A_110 = arith.constant 0 : i32
      %dma_wait3A_111 = tpu.memref_slice %arg19[%add3A_48, %dma_wait3A_110] : memref<10112x128xf32, #tpu.memory_space<vmem_shared>> -> memref<64x128xf32, #tpu.memory_space<vmem_shared>>
      tpu.wait_dma2 semaphore(%run_scoped3A : memref<!tpu.dma_semaphore, #tpu.memory_space<semaphore_mem>>) src(%arg17 : memref<64x128xf32, #tpu.memory_space<vmem>>) dst(%dma_wait3A_111 : memref<64x128xf32, #tpu.memory_space<vmem_shared>>)
      tpu.yield
    }) : () -> ()
    %mul3A_49 = arith.constant 632 : i32
    %mul3A_50 = arith.muli %arg1, %mul3A_49 : i32
    %add3A_51 = arith.constant 384 : i32
    %add3A_52 = arith.addi %mul3A_50, %add3A_51 : i32
    "tpu.region"() ({
      %run_scoped3A = tpu.sem_alloc : memref<!tpu.dma_semaphore, #tpu.memory_space<semaphore_mem>>
      %dma_start3A_105 = arith.constant 0 : i32
      %dma_start3A_106 = tpu.memref_slice %arg19[%add3A_52, %dma_start3A_105] : memref<10112x128xf32, #tpu.memory_space<vmem_shared>> -> memref<64x128xf32, #tpu.memory_space<vmem_shared>>
      %dma_start3A_107 = arith.constant 0 : i32
      %dma_start3A_108 = tpu.memref_slice %arg19[%add3A_52, %dma_start3A_107] : memref<10112x128xf32, #tpu.memory_space<vmem_shared>> -> memref<64x128xf32, #tpu.memory_space<vmem_shared>>
      tpu.enqueue_dma source(%arg17 : memref<64x128xf32, #tpu.memory_space<vmem>>) target(%dma_start3A_108 : memref<64x128xf32, #tpu.memory_space<vmem_shared>>) target_semaphore(%run_scoped3A : memref<!tpu.dma_semaphore, #tpu.memory_space<semaphore_mem>>)
      %dma_wait3A = arith.constant 0 : i32
      %dma_wait3A_109 = tpu.memref_slice %arg19[%add3A_52, %dma_wait3A] : memref<10112x128xf32, #tpu.memory_space<vmem_shared>> -> memref<64x128xf32, #tpu.memory_space<vmem_shared>>
      %dma_wait3A_110 = arith.constant 0 : i32
      %dma_wait3A_111 = tpu.memref_slice %arg19[%add3A_52, %dma_wait3A_110] : memref<10112x128xf32, #tpu.memory_space<vmem_shared>> -> memref<64x128xf32, #tpu.memory_space<vmem_shared>>
      tpu.wait_dma2 semaphore(%run_scoped3A : memref<!tpu.dma_semaphore, #tpu.memory_space<semaphore_mem>>) src(%arg17 : memref<64x128xf32, #tpu.memory_space<vmem>>) dst(%dma_wait3A_111 : memref<64x128xf32, #tpu.memory_space<vmem_shared>>)
      tpu.yield
    }) : () -> ()
    %mul3A_53 = arith.constant 632 : i32
    %mul3A_54 = arith.muli %arg1, %mul3A_53 : i32
    %add3A_55 = arith.constant 448 : i32
    %add3A_56 = arith.addi %mul3A_54, %add3A_55 : i32
    "tpu.region"() ({
      %run_scoped3A = tpu.sem_alloc : memref<!tpu.dma_semaphore, #tpu.memory_space<semaphore_mem>>
      %dma_start3A_105 = arith.constant 0 : i32
      %dma_start3A_106 = tpu.memref_slice %arg19[%add3A_56, %dma_start3A_105] : memref<10112x128xf32, #tpu.memory_space<vmem_shared>> -> memref<64x128xf32, #tpu.memory_space<vmem_shared>>
      %dma_start3A_107 = arith.constant 0 : i32
      %dma_start3A_108 = tpu.memref_slice %arg19[%add3A_56, %dma_start3A_107] : memref<10112x128xf32, #tpu.memory_space<vmem_shared>> -> memref<64x128xf32, #tpu.memory_space<vmem_shared>>
      tpu.enqueue_dma source(%arg17 : memref<64x128xf32, #tpu.memory_space<vmem>>) target(%dma_start3A_108 : memref<64x128xf32, #tpu.memory_space<vmem_shared>>) target_semaphore(%run_scoped3A : memref<!tpu.dma_semaphore, #tpu.memory_space<semaphore_mem>>)
      %dma_wait3A = arith.constant 0 : i32
      %dma_wait3A_109 = tpu.memref_slice %arg19[%add3A_56, %dma_wait3A] : memref<10112x128xf32, #tpu.memory_space<vmem_shared>> -> memref<64x128xf32, #tpu.memory_space<vmem_shared>>
      %dma_wait3A_110 = arith.constant 0 : i32
      %dma_wait3A_111 = tpu.memref_slice %arg19[%add3A_56, %dma_wait3A_110] : memref<10112x128xf32, #tpu.memory_space<vmem_shared>> -> memref<64x128xf32, #tpu.memory_space<vmem_shared>>
      tpu.wait_dma2 semaphore(%run_scoped3A : memref<!tpu.dma_semaphore, #tpu.memory_space<semaphore_mem>>) src(%arg17 : memref<64x128xf32, #tpu.memory_space<vmem>>) dst(%dma_wait3A_111 : memref<64x128xf32, #tpu.memory_space<vmem_shared>>)
      tpu.yield
    }) : () -> ()
    %mul3A_57 = arith.constant 632 : i32
    %mul3A_58 = arith.muli %arg1, %mul3A_57 : i32
    %add3A_59 = arith.constant 512 : i32
    %add3A_60 = arith.addi %mul3A_58, %add3A_59 : i32
    "tpu.region"() ({
      %run_scoped3A = tpu.sem_alloc : memref<!tpu.dma_semaphore, #tpu.memory_space<semaphore_mem>>
      %dma_start3A_105 = arith.constant 0 : i32
      %dma_start3A_106 = tpu.memref_slice %arg19[%add3A_60, %dma_start3A_105] : memref<10112x128xf32, #tpu.memory_space<vmem_shared>> -> memref<64x128xf32, #tpu.memory_space<vmem_shared>>
      %dma_start3A_107 = arith.constant 0 : i32
      %dma_start3A_108 = tpu.memref_slice %arg19[%add3A_60, %dma_start3A_107] : memref<10112x128xf32, #tpu.memory_space<vmem_shared>> -> memref<64x128xf32, #tpu.memory_space<vmem_shared>>
      tpu.enqueue_dma source(%arg17 : memref<64x128xf32, #tpu.memory_space<vmem>>) target(%dma_start3A_108 : memref<64x128xf32, #tpu.memory_space<vmem_shared>>) target_semaphore(%run_scoped3A : memref<!tpu.dma_semaphore, #tpu.memory_space<semaphore_mem>>)
      %dma_wait3A = arith.constant 0 : i32
      %dma_wait3A_109 = tpu.memref_slice %arg19[%add3A_60, %dma_wait3A] : memref<10112x128xf32, #tpu.memory_space<vmem_shared>> -> memref<64x128xf32, #tpu.memory_space<vmem_shared>>
      %dma_wait3A_110 = arith.constant 0 : i32
      %dma_wait3A_111 = tpu.memref_slice %arg19[%add3A_60, %dma_wait3A_110] : memref<10112x128xf32, #tpu.memory_space<vmem_shared>> -> memref<64x128xf32, #tpu.memory_space<vmem_shared>>
      tpu.wait_dma2 semaphore(%run_scoped3A : memref<!tpu.dma_semaphore, #tpu.memory_space<semaphore_mem>>) src(%arg17 : memref<64x128xf32, #tpu.memory_space<vmem>>) dst(%dma_wait3A_111 : memref<64x128xf32, #tpu.memory_space<vmem_shared>>)
      tpu.yield
    }) : () -> ()
    %mul3A_61 = arith.constant 632 : i32
    %mul3A_62 = arith.muli %arg1, %mul3A_61 : i32
    %add3A_63 = arith.constant 576 : i32
    %add3A_64 = arith.addi %mul3A_62, %add3A_63 : i32
    "tpu.region"() ({
      %run_scoped3A = tpu.sem_alloc : memref<!tpu.dma_semaphore, #tpu.memory_space<semaphore_mem>>
      %dma_start3A_105 = arith.constant 0 : i32
      %dma_start3A_106 = arith.constant 0 : i32
      %dma_start3A_107 = tpu.memref_slice %arg17[%dma_start3A_105, %dma_start3A_106] : memref<64x128xf32, #tpu.memory_space<vmem>> -> memref<56x128xf32, #tpu.memory_space<vmem>>
      %dma_start3A_108 = arith.constant 0 : i32
      %dma_start3A_109 = tpu.memref_slice %arg19[%add3A_64, %dma_start3A_108] : memref<10112x128xf32, #tpu.memory_space<vmem_shared>> -> memref<56x128xf32, #tpu.memory_space<vmem_shared>>
      %dma_start3A_110 = arith.constant 0 : i32
      %dma_start3A_111 = tpu.memref_slice %arg19[%add3A_64, %dma_start3A_110] : memref<10112x128xf32, #tpu.memory_space<vmem_shared>> -> memref<56x128xf32, #tpu.memory_space<vmem_shared>>
      %dma_start3A_112 = arith.constant 0 : i32
      %dma_start3A_113 = arith.constant 0 : i32
      %dma_start3A_114 = tpu.memref_slice %arg17[%dma_start3A_112, %dma_start3A_113] : memref<64x128xf32, #tpu.memory_space<vmem>> -> memref<56x128xf32, #tpu.memory_space<vmem>>
      tpu.enqueue_dma source(%dma_start3A_114 : memref<56x128xf32, #tpu.memory_space<vmem>>) target(%dma_start3A_111 : memref<56x128xf32, #tpu.memory_space<vmem_shared>>) target_semaphore(%run_scoped3A : memref<!tpu.dma_semaphore, #tpu.memory_space<semaphore_mem>>)
      %dma_wait3A = arith.constant 0 : i32
      %dma_wait3A_115 = arith.constant 0 : i32
      %dma_wait3A_116 = tpu.memref_slice %arg17[%dma_wait3A, %dma_wait3A_115] : memref<64x128xf32, #tpu.memory_space<vmem>> -> memref<56x128xf32, #tpu.memory_space<vmem>>
      %dma_wait3A_117 = arith.constant 0 : i32
      %dma_wait3A_118 = tpu.memref_slice %arg19[%add3A_64, %dma_wait3A_117] : memref<10112x128xf32, #tpu.memory_space<vmem_shared>> -> memref<56x128xf32, #tpu.memory_space<vmem_shared>>
      %dma_wait3A_119 = arith.constant 0 : i32
      %dma_wait3A_120 = tpu.memref_slice %arg19[%add3A_64, %dma_wait3A_119] : memref<10112x128xf32, #tpu.memory_space<vmem_shared>> -> memref<56x128xf32, #tpu.memory_space<vmem_shared>>
      %dma_wait3A_121 = arith.constant 0 : i32
      %dma_wait3A_122 = arith.constant 0 : i32
      %dma_wait3A_123 = tpu.memref_slice %arg17[%dma_wait3A_121, %dma_wait3A_122] : memref<64x128xf32, #tpu.memory_space<vmem>> -> memref<56x128xf32, #tpu.memory_space<vmem>>
      tpu.wait_dma2 semaphore(%run_scoped3A : memref<!tpu.dma_semaphore, #tpu.memory_space<semaphore_mem>>) src(%dma_wait3A_123 : memref<56x128xf32, #tpu.memory_space<vmem>>) dst(%dma_wait3A_120 : memref<56x128xf32, #tpu.memory_space<vmem_shared>>)
      tpu.yield
    }) : () -> ()
    "tpu.region"() ({
      %run_scoped3A = tpu.sem_alloc : memref<!tpu.dma_semaphore, #tpu.memory_space<semaphore_mem>>
      tpu.enqueue_dma source(%arg3 : memref<2x10000xf32, #tpu.memory_space<hbm>>) target(%arg8 : memref<2x10000xf32, #tpu.memory_space<vmem>>) target_semaphore(%run_scoped3A : memref<!tpu.dma_semaphore, #tpu.memory_space<semaphore_mem>>)
      tpu.wait_dma2 semaphore(%run_scoped3A : memref<!tpu.dma_semaphore, #tpu.memory_space<semaphore_mem>>) src(%arg3 : memref<2x10000xf32, #tpu.memory_space<hbm>>) dst(%arg8 : memref<2x10000xf32, #tpu.memory_space<vmem>>)
      tpu.yield
    }) : () -> ()
    %mul3A_65 = arith.constant 64 : i32
    %mul3A_66 = arith.muli %mul3A_15, %mul3A_65 : i32
    "tpu.region"() ({
      %run_scoped3A = tpu.sem_alloc : memref<!tpu.dma_semaphore, #tpu.memory_space<semaphore_mem>>
      %dma_start3A_105 = tpu.memref_slice %arg4[%mul3A_66] : memref<320000xi32, #tpu.memory_space<hbm>> -> memref<64xi32, #tpu.memory_space<hbm>>
      %dma_start3A_106 = tpu.memref_slice %arg4[%mul3A_66] : memref<320000xi32, #tpu.memory_space<hbm>> -> memref<64xi32, #tpu.memory_space<hbm>>
      tpu.enqueue_dma source(%dma_start3A_106 : memref<64xi32, #tpu.memory_space<hbm>>) target(%arg11 : memref<64xi32, #tpu.memory_space<vmem>>) target_semaphore(%run_scoped3A : memref<!tpu.dma_semaphore, #tpu.memory_space<semaphore_mem>>)
      %dma_wait3A = tpu.memref_slice %arg4[%mul3A_66] : memref<320000xi32, #tpu.memory_space<hbm>> -> memref<64xi32, #tpu.memory_space<hbm>>
      %dma_wait3A_107 = tpu.memref_slice %arg4[%mul3A_66] : memref<320000xi32, #tpu.memory_space<hbm>> -> memref<64xi32, #tpu.memory_space<hbm>>
      tpu.wait_dma2 semaphore(%run_scoped3A : memref<!tpu.dma_semaphore, #tpu.memory_space<semaphore_mem>>) src(%dma_wait3A_107 : memref<64xi32, #tpu.memory_space<hbm>>) dst(%arg11 : memref<64xi32, #tpu.memory_space<vmem>>)
      tpu.yield
    }) : () -> ()
    %mul3A_67 = arith.constant 64 : i32
    %mul3A_68 = arith.muli %mul3A_15, %mul3A_67 : i32
    "tpu.region"() ({
      %run_scoped3A = tpu.sem_alloc : memref<!tpu.dma_semaphore, #tpu.memory_space<semaphore_mem>>
      %dma_start3A_105 = tpu.memref_slice %arg5[%mul3A_68] : memref<320000xi32, #tpu.memory_space<hbm>> -> memref<64xi32, #tpu.memory_space<hbm>>
      %dma_start3A_106 = tpu.memref_slice %arg5[%mul3A_68] : memref<320000xi32, #tpu.memory_space<hbm>> -> memref<64xi32, #tpu.memory_space<hbm>>
      tpu.enqueue_dma source(%dma_start3A_106 : memref<64xi32, #tpu.memory_space<hbm>>) target(%arg12 : memref<64xi32, #tpu.memory_space<vmem>>) target_semaphore(%run_scoped3A : memref<!tpu.dma_semaphore, #tpu.memory_space<semaphore_mem>>)
      %dma_wait3A = tpu.memref_slice %arg5[%mul3A_68] : memref<320000xi32, #tpu.memory_space<hbm>> -> memref<64xi32, #tpu.memory_space<hbm>>
      %dma_wait3A_107 = tpu.memref_slice %arg5[%mul3A_68] : memref<320000xi32, #tpu.memory_space<hbm>> -> memref<64xi32, #tpu.memory_space<hbm>>
      tpu.wait_dma2 semaphore(%run_scoped3A : memref<!tpu.dma_semaphore, #tpu.memory_space<semaphore_mem>>) src(%dma_wait3A_107 : memref<64xi32, #tpu.memory_space<hbm>>) dst(%arg12 : memref<64xi32, #tpu.memory_space<vmem>>)
      tpu.yield
    }) : () -> ()
    %add3A_69 = arith.constant 1 : i32
    %add3A_70 = arith.addi %mul3A_15, %add3A_69 : i32
    %mul3A_71 = arith.constant 64 : i32
    %mul3A_72 = arith.muli %add3A_70, %mul3A_71 : i32
    "tpu.region"() ({
      %run_scoped3A = tpu.sem_alloc : memref<!tpu.dma_semaphore, #tpu.memory_space<semaphore_mem>>
      %dma_start3A_105 = tpu.memref_slice %arg4[%mul3A_72] : memref<320000xi32, #tpu.memory_space<hbm>> -> memref<64xi32, #tpu.memory_space<hbm>>
      %dma_start3A_106 = tpu.memref_slice %arg4[%mul3A_72] : memref<320000xi32, #tpu.memory_space<hbm>> -> memref<64xi32, #tpu.memory_space<hbm>>
      tpu.enqueue_dma source(%dma_start3A_106 : memref<64xi32, #tpu.memory_space<hbm>>) target(%arg13 : memref<64xi32, #tpu.memory_space<vmem>>) target_semaphore(%run_scoped3A : memref<!tpu.dma_semaphore, #tpu.memory_space<semaphore_mem>>)
      %dma_wait3A = tpu.memref_slice %arg4[%mul3A_72] : memref<320000xi32, #tpu.memory_space<hbm>> -> memref<64xi32, #tpu.memory_space<hbm>>
      %dma_wait3A_107 = tpu.memref_slice %arg4[%mul3A_72] : memref<320000xi32, #tpu.memory_space<hbm>> -> memref<64xi32, #tpu.memory_space<hbm>>
      tpu.wait_dma2 semaphore(%run_scoped3A : memref<!tpu.dma_semaphore, #tpu.memory_space<semaphore_mem>>) src(%dma_wait3A_107 : memref<64xi32, #tpu.memory_space<hbm>>) dst(%arg13 : memref<64xi32, #tpu.memory_space<vmem>>)
      tpu.yield
    }) : () -> ()
    %add3A_73 = arith.constant 1 : i32
    %add3A_74 = arith.addi %mul3A_15, %add3A_73 : i32
    %mul3A_75 = arith.constant 64 : i32
    %mul3A_76 = arith.muli %add3A_74, %mul3A_75 : i32
    "tpu.region"() ({
      %run_scoped3A = tpu.sem_alloc : memref<!tpu.dma_semaphore, #tpu.memory_space<semaphore_mem>>
      %dma_start3A_105 = tpu.memref_slice %arg5[%mul3A_76] : memref<320000xi32, #tpu.memory_space<hbm>> -> memref<64xi32, #tpu.memory_space<hbm>>
      %dma_start3A_106 = tpu.memref_slice %arg5[%mul3A_76] : memref<320000xi32, #tpu.memory_space<hbm>> -> memref<64xi32, #tpu.memory_space<hbm>>
      tpu.enqueue_dma source(%dma_start3A_106 : memref<64xi32, #tpu.memory_space<hbm>>) target(%arg14 : memref<64xi32, #tpu.memory_space<vmem>>) target_semaphore(%run_scoped3A : memref<!tpu.dma_semaphore, #tpu.memory_space<semaphore_mem>>)
      %dma_wait3A = tpu.memref_slice %arg5[%mul3A_76] : memref<320000xi32, #tpu.memory_space<hbm>> -> memref<64xi32, #tpu.memory_space<hbm>>
      %dma_wait3A_107 = tpu.memref_slice %arg5[%mul3A_76] : memref<320000xi32, #tpu.memory_space<hbm>> -> memref<64xi32, #tpu.memory_space<hbm>>
      tpu.wait_dma2 semaphore(%run_scoped3A : memref<!tpu.dma_semaphore, #tpu.memory_space<semaphore_mem>>) src(%dma_wait3A_107 : memref<64xi32, #tpu.memory_space<hbm>>) dst(%arg14 : memref<64xi32, #tpu.memory_space<vmem>>)
      tpu.yield
    }) : () -> ()
    %dma_start3A = arith.constant 0 : i32
    %dma_start3A_77 = arith.constant 0 : i32
    %dma_start3A_78 = tpu.memref_slice %arg2[%dma_start3A, %dma_start3A_77] : memref<10000x128xf32, #tpu.memory_space<hbm>> -> memref<10000x128xf32, #tpu.memory_space<hbm>>
    tpu.enqueue_indirect_dma source(%dma_start3A_78 : memref<10000x128xf32, #tpu.memory_space<hbm>>) target(%arg17 : memref<64x128xf32, #tpu.memory_space<vmem>>) offsets(%arg12 : memref<64xi32, #tpu.memory_space<vmem>>) semaphore(%arg20 : memref<!tpu.dma_semaphore, #tpu.memory_space<semaphore_mem>>)
    %dma_start3A_79 = arith.constant 0 : i32
    %dma_start3A_80 = arith.constant 0 : i32
    %dma_start3A_81 = tpu.memref_slice %arg2[%dma_start3A_79, %dma_start3A_80] : memref<10000x128xf32, #tpu.memory_space<hbm>> -> memref<10000x128xf32, #tpu.memory_space<hbm>>
    tpu.enqueue_indirect_dma source(%dma_start3A_81 : memref<10000x128xf32, #tpu.memory_space<hbm>>) target(%arg18 : memref<64x128xf32, #tpu.memory_space<vmem>>) offsets(%arg14 : memref<64xi32, #tpu.memory_space<vmem>>) semaphore(%arg21 : memref<!tpu.dma_semaphore, #tpu.memory_space<semaphore_mem>>)
    %barrier3A = arith.constant 0 : index
    tpu.barrier barrier_id(%barrier3A)
    %sub3A = arith.constant 0 : i32
    %sub3A_82 = arith.subi %add3A_9, %sub3A : i32
    %sub3A_83 = arith.constant 1 : i32
    %sub3A_84 = arith.constant 1 : i32
    %sub3A_85 = arith.subi %sub3A_83, %sub3A_84 : i32
    %add3A_86 = arith.addi %sub3A_82, %sub3A_85 : i32
    %div3A = arith.constant 1 : i32
    %div3A_87 = arith.divsi %add3A_86, %div3A : i32
    %while3A = arith.constant 1 : i32
    %while3A_88 = arith.constant 0 : i32
    %while3A_89 = arith.constant 0 : i32
    %while3A_90 = arith.subi %div3A_87, %while3A_89 : i32
    %while3A_91 = arith.addi %while3A_89, %while3A_90 : i32
    %while3A_92 = arith.constant 1 : i32
    %while3A_93 = arith.divsi %while3A_90, %while3A_92 : i32
    %while3A_94 = arith.muli %while3A_93, %while3A_92 : i32
    %while3A_95 = arith.addi %while3A_89, %while3A_94 : i32
    %while3A_96 = arith.constant 1 : i32
    scf.for %while3A_105 = %while3A_89 to %while3A_95 step %while3A_96  : i32 {
      %mul3A_106 = arith.muli %while3A_105, %while3A : i32
      %add3A_107 = arith.addi %while3A_88, %mul3A_106 : i32
      %mul3A_108 = arith.constant 2 : i32
      %mul3A_109 = arith.muli %mul3A_108, %add3A_107 : i32
      %add3A_110 = arith.addi %mul3A_15, %mul3A_109 : i32
      %sub3A_111 = arith.constant 1 : i32
      %sub3A_112 = arith.subi %add3A_9, %sub3A_111 : i32
      %lt3A_113 = arith.cmpi slt, %add3A_107, %sub3A_112 : i32
      %dma_wait3A = arith.constant 0 : i32
      %dma_wait3A_114 = arith.constant 0 : i32
      %dma_wait3A_115 = tpu.memref_slice %arg2[%dma_wait3A, %dma_wait3A_114] : memref<10000x128xf32, #tpu.memory_space<hbm>> -> memref<10000x128xf32, #tpu.memory_space<hbm>>
      tpu.wait_indirect_dma semaphore(%arg20 : memref<!tpu.dma_semaphore, #tpu.memory_space<semaphore_mem>>) src(%dma_wait3A_115 : memref<10000x128xf32, #tpu.memory_space<hbm>>) dst(%arg17 : memref<64x128xf32, #tpu.memory_space<vmem>>)
      %parallel_loop3A = arith.constant 0 : i32
      %parallel_loop3A_116 = arith.constant 4 : i32
      %parallel_loop3A_117 = arith.constant 1 : i32
      scf.for %parallel_loop3A_140 = %parallel_loop3A to %parallel_loop3A_116 step %parallel_loop3A_117  : i32 {
        %parallel_loop3A_141 = arith.constant 16 : i32
        %parallel_loop3A_142 = arith.muli %parallel_loop3A_140, %parallel_loop3A_141 : i32
        %parallel_loop3A_143 = arith.index_cast %parallel_loop3A_142 : i32 to index
        %parallel_loop3A_144 = tpu.vector_load %arg11[%parallel_loop3A_143] {strides = array<i32>} : memref<64xi32, #tpu.memory_space<vmem>>, vector<16xi32>,
        %parallel_loop3A_145 = arith.constant 16 : i32
        %parallel_loop3A_146 = arith.muli %parallel_loop3A_140, %parallel_loop3A_145 : i32
        %parallel_loop3A_147 = arith.index_cast %parallel_loop3A_146 : i32 to index
        %parallel_loop3A_148 = tpu.vector_load %arg12[%parallel_loop3A_147] {strides = array<i32>} : memref<64xi32, #tpu.memory_space<vmem>>, vector<16xi32>,
        %parallel_loop3A_149 = arith.constant 16 : i32
        %parallel_loop3A_150 = arith.muli %parallel_loop3A_140, %parallel_loop3A_149 : i32
        %parallel_loop3A_151 = arith.index_cast %parallel_loop3A_150 : i32 to index
        %parallel_loop3A_152 = tpu.vector_load %arg15[%parallel_loop3A_151] {strides = array<i32>} : memref<64xi32, #tpu.memory_space<vmem>>, vector<16xi32>,
        tpu.vector_store %arg15[%parallel_loop3A_151], %parallel_loop3A_144 {strides = array<i32>} : memref<64xi32, #tpu.memory_space<vmem>>, vector<16xi32>,
        %parallel_loop3A_153 = tpu.vector_load_idx %arg8[%broadcast_in_dim3A_3, %parallel_loop3A_144] : memref<2x10000xf32, #tpu.memory_space<vmem>>[vector<16xi32>, vector<16xi32>], vector<16xf32>,
        %parallel_loop3A_154 = tpu.vector_load_idx %arg8[%broadcast_in_dim3A_5, %parallel_loop3A_148] : memref<2x10000xf32, #tpu.memory_space<vmem>>[vector<16xi32>, vector<16xi32>], vector<16xf32>,
        %parallel_loop3A_155 = arith.addf %parallel_loop3A_153, %parallel_loop3A_154 : vector<16xf32>
        %parallel_loop3A_156 = arith.constant 0.000000e+00 : f32
        %parallel_loop3A_157 = vector.broadcast %parallel_loop3A_156 : f32 to vector<16xf32>
        %parallel_loop3A_158 = arith.cmpf oge, %parallel_loop3A_155, %parallel_loop3A_157 : vector<16xf32>
        %parallel_loop3A_159 = arith.constant 2.000000e-01 : f32
        %parallel_loop3A_160 = vector.broadcast %parallel_loop3A_159 : f32 to vector<16xf32>
        %parallel_loop3A_161 = arith.mulf %parallel_loop3A_160, %parallel_loop3A_155 : vector<16xf32>
        %parallel_loop3A_162 = arith.select %parallel_loop3A_158, %parallel_loop3A_155, %parallel_loop3A_161 : vector<16xi1>, vector<16xf32>
        %parallel_loop3A_163 = math.exp %parallel_loop3A_162 : vector<16xf32>
        %parallel_loop3A_164 = arith.constant 16 : i32
        %parallel_loop3A_165 = arith.muli %parallel_loop3A_140, %parallel_loop3A_164 : i32
        %parallel_loop3A_166 = arith.index_cast %parallel_loop3A_165 : i32 to index
        %parallel_loop3A_167 = tpu.vector_load %arg10[%parallel_loop3A_166] {strides = array<i32>} : memref<80xf32, #tpu.memory_space<vmem>>, vector<16xf32>,
        tpu.vector_store %arg10[%parallel_loop3A_166], %parallel_loop3A_163 {strides = array<i32>} : memref<80xf32, #tpu.memory_space<vmem>>, vector<16xf32>,
        tpu.vector_store_idx %arg9[%parallel_loop3A_144], %parallel_loop3A_163 {add = true} : memref<10112xf32, #tpu.memory_space<vmem>>[vector<16xi32>], vector<16xf32>,
      } {sc.loop_unroll_factor = 4 : i64, sc.parallel_access}
      %parallel_loop3A_118 = arith.constant 0 : i32
      %parallel_loop3A_119 = arith.constant 64 : i32
      %parallel_loop3A_120 = arith.constant 1 : i32
      scf.for %parallel_loop3A_140 = %parallel_loop3A_118 to %parallel_loop3A_119 step %parallel_loop3A_120  : i32 {
        %parallel_loop3A_141 = arith.constant 0 : i32
        %parallel_loop3A_142 = vector.broadcast %parallel_loop3A_141 : i32 to vector<16xi32>
        %parallel_loop3A_143 = vector.broadcast %parallel_loop3A_140 : i32 to vector<16xi32>
        %parallel_loop3A_144 = arith.addi %parallel_loop3A_142, %parallel_loop3A_143 : vector<16xi32>
        %parallel_loop3A_145 = tpu.vector_load_idx %arg10[%parallel_loop3A_144] : memref<80xf32, #tpu.memory_space<vmem>>[vector<16xi32>], vector<16xf32>,
        %parallel_loop3A_146 = arith.index_cast %parallel_loop3A_140 : i32 to index
        %parallel_loop3A_147 = arith.constant 0 : index
        %parallel_loop3A_148 = tpu.vector_load %arg17[%parallel_loop3A_146, %parallel_loop3A_147] {strides = array<i32>} : memref<64x128xf32, #tpu.memory_space<vmem>>, vector<16xf32>,
        %parallel_loop3A_149 = arith.mulf %parallel_loop3A_148, %parallel_loop3A_145 : vector<16xf32>
        %parallel_loop3A_150 = arith.index_cast %parallel_loop3A_140 : i32 to index
        %parallel_loop3A_151 = arith.constant 0 : index
        %parallel_loop3A_152 = tpu.vector_load %arg17[%parallel_loop3A_150, %parallel_loop3A_151] {strides = array<i32>} : memref<64x128xf32, #tpu.memory_space<vmem>>, vector<16xf32>,
        tpu.vector_store %arg17[%parallel_loop3A_150, %parallel_loop3A_151], %parallel_loop3A_149 {strides = array<i32>} : memref<64x128xf32, #tpu.memory_space<vmem>>, vector<16xf32>,
        %parallel_loop3A_153 = arith.index_cast %parallel_loop3A_140 : i32 to index
        %parallel_loop3A_154 = arith.constant 16 : index
        %parallel_loop3A_155 = tpu.vector_load %arg17[%parallel_loop3A_153, %parallel_loop3A_154] {strides = array<i32>} : memref<64x128xf32, #tpu.memory_space<vmem>>, vector<16xf32>,
        %parallel_loop3A_156 = arith.mulf %parallel_loop3A_155, %parallel_loop3A_145 : vector<16xf32>
        %parallel_loop3A_157 = arith.index_cast %parallel_loop3A_140 : i32 to index
        %parallel_loop3A_158 = arith.constant 16 : index
        %parallel_loop3A_159 = tpu.vector_load %arg17[%parallel_loop3A_157, %parallel_loop3A_158] {strides = array<i32>} : memref<64x128xf32, #tpu.memory_space<vmem>>, vector<16xf32>,
        tpu.vector_store %arg17[%parallel_loop3A_157, %parallel_loop3A_158], %parallel_loop3A_156 {strides = array<i32>} : memref<64x128xf32, #tpu.memory_space<vmem>>, vector<16xf32>,
        %parallel_loop3A_160 = arith.index_cast %parallel_loop3A_140 : i32 to index
        %parallel_loop3A_161 = arith.constant 32 : index
        %parallel_loop3A_162 = tpu.vector_load %arg17[%parallel_loop3A_160, %parallel_loop3A_161] {strides = array<i32>} : memref<64x128xf32, #tpu.memory_space<vmem>>, vector<16xf32>,
        %parallel_loop3A_163 = arith.mulf %parallel_loop3A_162, %parallel_loop3A_145 : vector<16xf32>
        %parallel_loop3A_164 = arith.index_cast %parallel_loop3A_140 : i32 to index
        %parallel_loop3A_165 = arith.constant 32 : index
        %parallel_loop3A_166 = tpu.vector_load %arg17[%parallel_loop3A_164, %parallel_loop3A_165] {strides = array<i32>} : memref<64x128xf32, #tpu.memory_space<vmem>>, vector<16xf32>,
        tpu.vector_store %arg17[%parallel_loop3A_164, %parallel_loop3A_165], %parallel_loop3A_163 {strides = array<i32>} : memref<64x128xf32, #tpu.memory_space<vmem>>, vector<16xf32>,
        %parallel_loop3A_167 = arith.index_cast %parallel_loop3A_140 : i32 to index
        %parallel_loop3A_168 = arith.constant 48 : index
        %parallel_loop3A_169 = tpu.vector_load %arg17[%parallel_loop3A_167, %parallel_loop3A_168] {strides = array<i32>} : memref<64x128xf32, #tpu.memory_space<vmem>>, vector<16xf32>,
        %parallel_loop3A_170 = arith.mulf %parallel_loop3A_169, %parallel_loop3A_145 : vector<16xf32>
        %parallel_loop3A_171 = arith.index_cast %parallel_loop3A_140 : i32 to index
        %parallel_loop3A_172 = arith.constant 48 : index
        %parallel_loop3A_173 = tpu.vector_load %arg17[%parallel_loop3A_171, %parallel_loop3A_172] {strides = array<i32>} : memref<64x128xf32, #tpu.memory_space<vmem>>, vector<16xf32>,
        tpu.vector_store %arg17[%parallel_loop3A_171, %parallel_loop3A_172], %parallel_loop3A_170 {strides = array<i32>} : memref<64x128xf32, #tpu.memory_space<vmem>>, vector<16xf32>,
        %parallel_loop3A_174 = arith.index_cast %parallel_loop3A_140 : i32 to index
        %parallel_loop3A_175 = arith.constant 64 : index
        %parallel_loop3A_176 = tpu.vector_load %arg17[%parallel_loop3A_174, %parallel_loop3A_175] {strides = array<i32>} : memref<64x128xf32, #tpu.memory_space<vmem>>, vector<16xf32>,
        %parallel_loop3A_177 = arith.mulf %parallel_loop3A_176, %parallel_loop3A_145 : vector<16xf32>
        %parallel_loop3A_178 = arith.index_cast %parallel_loop3A_140 : i32 to index
        %parallel_loop3A_179 = arith.constant 64 : index
        %parallel_loop3A_180 = tpu.vector_load %arg17[%parallel_loop3A_178, %parallel_loop3A_179] {strides = array<i32>} : memref<64x128xf32, #tpu.memory_space<vmem>>, vector<16xf32>,
        tpu.vector_store %arg17[%parallel_loop3A_178, %parallel_loop3A_179], %parallel_loop3A_177 {strides = array<i32>} : memref<64x128xf32, #tpu.memory_space<vmem>>, vector<16xf32>,
        %parallel_loop3A_181 = arith.index_cast %parallel_loop3A_140 : i32 to index
        %parallel_loop3A_182 = arith.constant 80 : index
        %parallel_loop3A_183 = tpu.vector_load %arg17[%parallel_loop3A_181, %parallel_loop3A_182] {strides = array<i32>} : memref<64x128xf32, #tpu.memory_space<vmem>>, vector<16xf32>,
        %parallel_loop3A_184 = arith.mulf %parallel_loop3A_183, %parallel_loop3A_145 : vector<16xf32>
        %parallel_loop3A_185 = arith.index_cast %parallel_loop3A_140 : i32 to index
        %parallel_loop3A_186 = arith.constant 80 : index
        %parallel_loop3A_187 = tpu.vector_load %arg17[%parallel_loop3A_185, %parallel_loop3A_186] {strides = array<i32>} : memref<64x128xf32, #tpu.memory_space<vmem>>, vector<16xf32>,
        tpu.vector_store %arg17[%parallel_loop3A_185, %parallel_loop3A_186], %parallel_loop3A_184 {strides = array<i32>} : memref<64x128xf32, #tpu.memory_space<vmem>>, vector<16xf32>,
        %parallel_loop3A_188 = arith.index_cast %parallel_loop3A_140 : i32 to index
        %parallel_loop3A_189 = arith.constant 96 : index
        %parallel_loop3A_190 = tpu.vector_load %arg17[%parallel_loop3A_188, %parallel_loop3A_189] {strides = array<i32>} : memref<64x128xf32, #tpu.memory_space<vmem>>, vector<16xf32>,
        %parallel_loop3A_191 = arith.mulf %parallel_loop3A_190, %parallel_loop3A_145 : vector<16xf32>
        %parallel_loop3A_192 = arith.index_cast %parallel_loop3A_140 : i32 to index
        %parallel_loop3A_193 = arith.constant 96 : index
        %parallel_loop3A_194 = tpu.vector_load %arg17[%parallel_loop3A_192, %parallel_loop3A_193] {strides = array<i32>} : memref<64x128xf32, #tpu.memory_space<vmem>>, vector<16xf32>,
        tpu.vector_store %arg17[%parallel_loop3A_192, %parallel_loop3A_193], %parallel_loop3A_191 {strides = array<i32>} : memref<64x128xf32, #tpu.memory_space<vmem>>, vector<16xf32>,
        %parallel_loop3A_195 = arith.index_cast %parallel_loop3A_140 : i32 to index
        %parallel_loop3A_196 = arith.constant 112 : index
        %parallel_loop3A_197 = tpu.vector_load %arg17[%parallel_loop3A_195, %parallel_loop3A_196] {strides = array<i32>} : memref<64x128xf32, #tpu.memory_space<vmem>>, vector<16xf32>,
        %parallel_loop3A_198 = arith.mulf %parallel_loop3A_197, %parallel_loop3A_145 : vector<16xf32>
        %parallel_loop3A_199 = arith.index_cast %parallel_loop3A_140 : i32 to index
        %parallel_loop3A_200 = arith.constant 112 : index
        %parallel_loop3A_201 = tpu.vector_load %arg17[%parallel_loop3A_199, %parallel_loop3A_200] {strides = array<i32>} : memref<64x128xf32, #tpu.memory_space<vmem>>, vector<16xf32>,
        tpu.vector_store %arg17[%parallel_loop3A_199, %parallel_loop3A_200], %parallel_loop3A_198 {strides = array<i32>} : memref<64x128xf32, #tpu.memory_space<vmem>>, vector<16xf32>,
      } {sc.loop_unroll_factor = 16 : i64, sc.parallel_access}
      %convert_element_type3A = arith.extui %lt3A_113 : i1 to i32
      %cond3A = arith.constant 0 : i32
      %cond3A_121 = arith.cmpi ne, %convert_element_type3A, %cond3A : i32
      scf.if %cond3A_121 {
        %add3A_140 = arith.constant 2 : i32
        %add3A_141 = arith.addi %add3A_110, %add3A_140 : i32
        %mul3A_142 = arith.constant 64 : i32
        %mul3A_143 = arith.muli %add3A_141, %mul3A_142 : i32
        %dma_start3A_144 = tpu.memref_slice %arg4[%mul3A_143] : memref<320000xi32, #tpu.memory_space<hbm>> -> memref<64xi32, #tpu.memory_space<hbm>>
        %dma_start3A_145 = tpu.memref_slice %arg4[%mul3A_143] : memref<320000xi32, #tpu.memory_space<hbm>> -> memref<64xi32, #tpu.memory_space<hbm>>
        tpu.enqueue_dma source(%dma_start3A_145 : memref<64xi32, #tpu.memory_space<hbm>>) target(%arg11 : memref<64xi32, #tpu.memory_space<vmem>>) target_semaphore(%arg22 : memref<!tpu.dma_semaphore, #tpu.memory_space<semaphore_mem>>)
        %add3A_146 = arith.constant 2 : i32
        %add3A_147 = arith.addi %add3A_110, %add3A_146 : i32
        %mul3A_148 = arith.constant 64 : i32
        %mul3A_149 = arith.muli %add3A_147, %mul3A_148 : i32
        %dma_start3A_150 = tpu.memref_slice %arg5[%mul3A_149] : memref<320000xi32, #tpu.memory_space<hbm>> -> memref<64xi32, #tpu.memory_space<hbm>>
        %dma_start3A_151 = tpu.memref_slice %arg5[%mul3A_149] : memref<320000xi32, #tpu.memory_space<hbm>> -> memref<64xi32, #tpu.memory_space<hbm>>
        tpu.enqueue_dma source(%dma_start3A_151 : memref<64xi32, #tpu.memory_space<hbm>>) target(%arg12 : memref<64xi32, #tpu.memory_space<vmem>>) target_semaphore(%arg22 : memref<!tpu.dma_semaphore, #tpu.memory_space<semaphore_mem>>)
      } else {
      }
      "tpu.region"() ({
        %run_scoped3A = tpu.sem_alloc : memref<!tpu.dma_semaphore, #tpu.memory_space<semaphore_mem>>
        %dma_start3A_140 = arith.constant 0 : i32
        %dma_start3A_141 = arith.constant 0 : i32
        %dma_start3A_142 = tpu.memref_slice %arg19[%dma_start3A_140, %dma_start3A_141] : memref<10112x128xf32, #tpu.memory_space<vmem_shared>> -> memref<10112x128xf32, #tpu.memory_space<vmem_shared>>
        tpu.enqueue_indirect_dma source(%arg17 : memref<64x128xf32, #tpu.memory_space<vmem>>) target(%dma_start3A_142 : memref<10112x128xf32, #tpu.memory_space<vmem_shared>>) offsets(%arg15 : memref<64xi32, #tpu.memory_space<vmem>>) semaphore(%run_scoped3A : memref<!tpu.dma_semaphore, #tpu.memory_space<semaphore_mem>>) {add = true}
        %dma_wait3A_143 = arith.constant 0 : i32
        %dma_wait3A_144 = arith.constant 0 : i32
        %dma_wait3A_145 = tpu.memref_slice %arg19[%dma_wait3A_143, %dma_wait3A_144] : memref<10112x128xf32, #tpu.memory_space<vmem_shared>> -> memref<10112x128xf32, #tpu.memory_space<vmem_shared>>
        tpu.wait_indirect_dma semaphore(%run_scoped3A : memref<!tpu.dma_semaphore, #tpu.memory_space<semaphore_mem>>) src(%arg17 : memref<64x128xf32, #tpu.memory_space<vmem>>) dst(%dma_wait3A_145 : memref<10112x128xf32, #tpu.memory_space<vmem_shared>>)
        tpu.yield
      }) : () -> ()
      %convert_element_type3A_122 = arith.extui %lt3A_113 : i1 to i32
      %cond3A_123 = arith.constant 0 : i32
      %cond3A_124 = arith.cmpi ne, %convert_element_type3A_122, %cond3A_123 : i32
      scf.if %cond3A_124 {
        %add3A_140 = arith.constant 2 : i32
        %add3A_141 = arith.addi %add3A_110, %add3A_140 : i32
        %mul3A_142 = arith.constant 64 : i32
        %mul3A_143 = arith.muli %add3A_141, %mul3A_142 : i32
        %dma_wait3A_144 = tpu.memref_slice %arg4[%mul3A_143] : memref<320000xi32, #tpu.memory_space<hbm>> -> memref<64xi32, #tpu.memory_space<hbm>>
        %dma_wait3A_145 = tpu.memref_slice %arg4[%mul3A_143] : memref<320000xi32, #tpu.memory_space<hbm>> -> memref<64xi32, #tpu.memory_space<hbm>>
        tpu.wait_dma2 semaphore(%arg22 : memref<!tpu.dma_semaphore, #tpu.memory_space<semaphore_mem>>) src(%dma_wait3A_145 : memref<64xi32, #tpu.memory_space<hbm>>) dst(%arg11 : memref<64xi32, #tpu.memory_space<vmem>>)
        %add3A_146 = arith.constant 2 : i32
        %add3A_147 = arith.addi %add3A_110, %add3A_146 : i32
        %mul3A_148 = arith.constant 64 : i32
        %mul3A_149 = arith.muli %add3A_147, %mul3A_148 : i32
        %dma_wait3A_150 = tpu.memref_slice %arg5[%mul3A_149] : memref<320000xi32, #tpu.memory_space<hbm>> -> memref<64xi32, #tpu.memory_space<hbm>>
        %dma_wait3A_151 = tpu.memref_slice %arg5[%mul3A_149] : memref<320000xi32, #tpu.memory_space<hbm>> -> memref<64xi32, #tpu.memory_space<hbm>>
        tpu.wait_dma2 semaphore(%arg22 : memref<!tpu.dma_semaphore, #tpu.memory_space<semaphore_mem>>) src(%dma_wait3A_151 : memref<64xi32, #tpu.memory_space<hbm>>) dst(%arg12 : memref<64xi32, #tpu.memory_space<vmem>>)
        %dma_start3A_152 = arith.constant 0 : i32
        %dma_start3A_153 = arith.constant 0 : i32
        %dma_start3A_154 = tpu.memref_slice %arg2[%dma_start3A_152, %dma_start3A_153] : memref<10000x128xf32, #tpu.memory_space<hbm>> -> memref<10000x128xf32, #tpu.memory_space<hbm>>
        tpu.enqueue_indirect_dma source(%dma_start3A_154 : memref<10000x128xf32, #tpu.memory_space<hbm>>) target(%arg17 : memref<64x128xf32, #tpu.memory_space<vmem>>) offsets(%arg12 : memref<64xi32, #tpu.memory_space<vmem>>) semaphore(%arg20 : memref<!tpu.dma_semaphore, #tpu.memory_space<semaphore_mem>>)
      } else {
      }
      %dma_wait3A_125 = arith.constant 0 : i32
      %dma_wait3A_126 = arith.constant 0 : i32
      %dma_wait3A_127 = tpu.memref_slice %arg2[%dma_wait3A_125, %dma_wait3A_126] : memref<10000x128xf32, #tpu.memory_space<hbm>> -> memref<10000x128xf32, #tpu.memory_space<hbm>>
      tpu.wait_indirect_dma semaphore(%arg21 : memref<!tpu.dma_semaphore, #tpu.memory_space<semaphore_mem>>) src(%dma_wait3A_127 : memref<10000x128xf32, #tpu.memory_space<hbm>>) dst(%arg18 : memref<64x128xf32, #tpu.memory_space<vmem>>)
      %parallel_loop3A_128 = arith.constant 0 : i32
      %parallel_loop3A_129 = arith.constant 4 : i32
      %parallel_loop3A_130 = arith.constant 1 : i32
      scf.for %parallel_loop3A_140 = %parallel_loop3A_128 to %parallel_loop3A_129 step %parallel_loop3A_130  : i32 {
        %parallel_loop3A_141 = arith.constant 16 : i32
        %parallel_loop3A_142 = arith.muli %parallel_loop3A_140, %parallel_loop3A_141 : i32
        %parallel_loop3A_143 = arith.index_cast %parallel_loop3A_142 : i32 to index
        %parallel_loop3A_144 = tpu.vector_load %arg13[%parallel_loop3A_143] {strides = array<i32>} : memref<64xi32, #tpu.memory_space<vmem>>, vector<16xi32>,
        %parallel_loop3A_145 = arith.constant 16 : i32
        %parallel_loop3A_146 = arith.muli %parallel_loop3A_140, %parallel_loop3A_145 : i32
        %parallel_loop3A_147 = arith.index_cast %parallel_loop3A_146 : i32 to index
        %parallel_loop3A_148 = tpu.vector_load %arg14[%parallel_loop3A_147] {strides = array<i32>} : memref<64xi32, #tpu.memory_space<vmem>>, vector<16xi32>,
        %parallel_loop3A_149 = arith.constant 16 : i32
        %parallel_loop3A_150 = arith.muli %parallel_loop3A_140, %parallel_loop3A_149 : i32
        %parallel_loop3A_151 = arith.index_cast %parallel_loop3A_150 : i32 to index
        %parallel_loop3A_152 = tpu.vector_load %arg16[%parallel_loop3A_151] {strides = array<i32>} : memref<64xi32, #tpu.memory_space<vmem>>, vector<16xi32>,
        tpu.vector_store %arg16[%parallel_loop3A_151], %parallel_loop3A_144 {strides = array<i32>} : memref<64xi32, #tpu.memory_space<vmem>>, vector<16xi32>,
        %parallel_loop3A_153 = tpu.vector_load_idx %arg8[%broadcast_in_dim3A_3, %parallel_loop3A_144] : memref<2x10000xf32, #tpu.memory_space<vmem>>[vector<16xi32>, vector<16xi32>], vector<16xf32>,
        %parallel_loop3A_154 = tpu.vector_load_idx %arg8[%broadcast_in_dim3A_5, %parallel_loop3A_148] : memref<2x10000xf32, #tpu.memory_space<vmem>>[vector<16xi32>, vector<16xi32>], vector<16xf32>,
        %parallel_loop3A_155 = arith.addf %parallel_loop3A_153, %parallel_loop3A_154 : vector<16xf32>
        %parallel_loop3A_156 = arith.constant 0.000000e+00 : f32
        %parallel_loop3A_157 = vector.broadcast %parallel_loop3A_156 : f32 to vector<16xf32>
        %parallel_loop3A_158 = arith.cmpf oge, %parallel_loop3A_155, %parallel_loop3A_157 : vector<16xf32>
        %parallel_loop3A_159 = arith.constant 2.000000e-01 : f32
        %parallel_loop3A_160 = vector.broadcast %parallel_loop3A_159 : f32 to vector<16xf32>
        %parallel_loop3A_161 = arith.mulf %parallel_loop3A_160, %parallel_loop3A_155 : vector<16xf32>
        %parallel_loop3A_162 = arith.select %parallel_loop3A_158, %parallel_loop3A_155, %parallel_loop3A_161 : vector<16xi1>, vector<16xf32>
        %parallel_loop3A_163 = math.exp %parallel_loop3A_162 : vector<16xf32>
        %parallel_loop3A_164 = arith.constant 16 : i32
        %parallel_loop3A_165 = arith.muli %parallel_loop3A_140, %parallel_loop3A_164 : i32
        %parallel_loop3A_166 = arith.index_cast %parallel_loop3A_165 : i32 to index
        %parallel_loop3A_167 = tpu.vector_load %arg10[%parallel_loop3A_166] {strides = array<i32>} : memref<80xf32, #tpu.memory_space<vmem>>, vector<16xf32>,
        tpu.vector_store %arg10[%parallel_loop3A_166], %parallel_loop3A_163 {strides = array<i32>} : memref<80xf32, #tpu.memory_space<vmem>>, vector<16xf32>,
        tpu.vector_store_idx %arg9[%parallel_loop3A_144], %parallel_loop3A_163 {add = true} : memref<10112xf32, #tpu.memory_space<vmem>>[vector<16xi32>], vector<16xf32>,
      } {sc.loop_unroll_factor = 4 : i64, sc.parallel_access}
      %parallel_loop3A_131 = arith.constant 0 : i32
      %parallel_loop3A_132 = arith.constant 64 : i32
      %parallel_loop3A_133 = arith.constant 1 : i32
      scf.for %parallel_loop3A_140 = %parallel_loop3A_131 to %parallel_loop3A_132 step %parallel_loop3A_133  : i32 {
        %parallel_loop3A_141 = arith.constant 0 : i32
        %parallel_loop3A_142 = vector.broadcast %parallel_loop3A_141 : i32 to vector<16xi32>
        %parallel_loop3A_143 = vector.broadcast %parallel_loop3A_140 : i32 to vector<16xi32>
        %parallel_loop3A_144 = arith.addi %parallel_loop3A_142, %parallel_loop3A_143 : vector<16xi32>
        %parallel_loop3A_145 = tpu.vector_load_idx %arg10[%parallel_loop3A_144] : memref<80xf32, #tpu.memory_space<vmem>>[vector<16xi32>], vector<16xf32>,
        %parallel_loop3A_146 = arith.index_cast %parallel_loop3A_140 : i32 to index
        %parallel_loop3A_147 = arith.constant 0 : index
        %parallel_loop3A_148 = tpu.vector_load %arg18[%parallel_loop3A_146, %parallel_loop3A_147] {strides = array<i32>} : memref<64x128xf32, #tpu.memory_space<vmem>>, vector<16xf32>,
        %parallel_loop3A_149 = arith.mulf %parallel_loop3A_148, %parallel_loop3A_145 : vector<16xf32>
        %parallel_loop3A_150 = arith.index_cast %parallel_loop3A_140 : i32 to index
        %parallel_loop3A_151 = arith.constant 0 : index
        %parallel_loop3A_152 = tpu.vector_load %arg18[%parallel_loop3A_150, %parallel_loop3A_151] {strides = array<i32>} : memref<64x128xf32, #tpu.memory_space<vmem>>, vector<16xf32>,
        tpu.vector_store %arg18[%parallel_loop3A_150, %parallel_loop3A_151], %parallel_loop3A_149 {strides = array<i32>} : memref<64x128xf32, #tpu.memory_space<vmem>>, vector<16xf32>,
        %parallel_loop3A_153 = arith.index_cast %parallel_loop3A_140 : i32 to index
        %parallel_loop3A_154 = arith.constant 16 : index
        %parallel_loop3A_155 = tpu.vector_load %arg18[%parallel_loop3A_153, %parallel_loop3A_154] {strides = array<i32>} : memref<64x128xf32, #tpu.memory_space<vmem>>, vector<16xf32>,
        %parallel_loop3A_156 = arith.mulf %parallel_loop3A_155, %parallel_loop3A_145 : vector<16xf32>
        %parallel_loop3A_157 = arith.index_cast %parallel_loop3A_140 : i32 to index
        %parallel_loop3A_158 = arith.constant 16 : index
        %parallel_loop3A_159 = tpu.vector_load %arg18[%parallel_loop3A_157, %parallel_loop3A_158] {strides = array<i32>} : memref<64x128xf32, #tpu.memory_space<vmem>>, vector<16xf32>,
        tpu.vector_store %arg18[%parallel_loop3A_157, %parallel_loop3A_158], %parallel_loop3A_156 {strides = array<i32>} : memref<64x128xf32, #tpu.memory_space<vmem>>, vector<16xf32>,
        %parallel_loop3A_160 = arith.index_cast %parallel_loop3A_140 : i32 to index
        %parallel_loop3A_161 = arith.constant 32 : index
        %parallel_loop3A_162 = tpu.vector_load %arg18[%parallel_loop3A_160, %parallel_loop3A_161] {strides = array<i32>} : memref<64x128xf32, #tpu.memory_space<vmem>>, vector<16xf32>,
        %parallel_loop3A_163 = arith.mulf %parallel_loop3A_162, %parallel_loop3A_145 : vector<16xf32>
        %parallel_loop3A_164 = arith.index_cast %parallel_loop3A_140 : i32 to index
        %parallel_loop3A_165 = arith.constant 32 : index
        %parallel_loop3A_166 = tpu.vector_load %arg18[%parallel_loop3A_164, %parallel_loop3A_165] {strides = array<i32>} : memref<64x128xf32, #tpu.memory_space<vmem>>, vector<16xf32>,
        tpu.vector_store %arg18[%parallel_loop3A_164, %parallel_loop3A_165], %parallel_loop3A_163 {strides = array<i32>} : memref<64x128xf32, #tpu.memory_space<vmem>>, vector<16xf32>,
        %parallel_loop3A_167 = arith.index_cast %parallel_loop3A_140 : i32 to index
        %parallel_loop3A_168 = arith.constant 48 : index
        %parallel_loop3A_169 = tpu.vector_load %arg18[%parallel_loop3A_167, %parallel_loop3A_168] {strides = array<i32>} : memref<64x128xf32, #tpu.memory_space<vmem>>, vector<16xf32>,
        %parallel_loop3A_170 = arith.mulf %parallel_loop3A_169, %parallel_loop3A_145 : vector<16xf32>
        %parallel_loop3A_171 = arith.index_cast %parallel_loop3A_140 : i32 to index
        %parallel_loop3A_172 = arith.constant 48 : index
        %parallel_loop3A_173 = tpu.vector_load %arg18[%parallel_loop3A_171, %parallel_loop3A_172] {strides = array<i32>} : memref<64x128xf32, #tpu.memory_space<vmem>>, vector<16xf32>,
        tpu.vector_store %arg18[%parallel_loop3A_171, %parallel_loop3A_172], %parallel_loop3A_170 {strides = array<i32>} : memref<64x128xf32, #tpu.memory_space<vmem>>, vector<16xf32>,
        %parallel_loop3A_174 = arith.index_cast %parallel_loop3A_140 : i32 to index
        %parallel_loop3A_175 = arith.constant 64 : index
        %parallel_loop3A_176 = tpu.vector_load %arg18[%parallel_loop3A_174, %parallel_loop3A_175] {strides = array<i32>} : memref<64x128xf32, #tpu.memory_space<vmem>>, vector<16xf32>,
        %parallel_loop3A_177 = arith.mulf %parallel_loop3A_176, %parallel_loop3A_145 : vector<16xf32>
        %parallel_loop3A_178 = arith.index_cast %parallel_loop3A_140 : i32 to index
        %parallel_loop3A_179 = arith.constant 64 : index
        %parallel_loop3A_180 = tpu.vector_load %arg18[%parallel_loop3A_178, %parallel_loop3A_179] {strides = array<i32>} : memref<64x128xf32, #tpu.memory_space<vmem>>, vector<16xf32>,
        tpu.vector_store %arg18[%parallel_loop3A_178, %parallel_loop3A_179], %parallel_loop3A_177 {strides = array<i32>} : memref<64x128xf32, #tpu.memory_space<vmem>>, vector<16xf32>,
        %parallel_loop3A_181 = arith.index_cast %parallel_loop3A_140 : i32 to index
        %parallel_loop3A_182 = arith.constant 80 : index
        %parallel_loop3A_183 = tpu.vector_load %arg18[%parallel_loop3A_181, %parallel_loop3A_182] {strides = array<i32>} : memref<64x128xf32, #tpu.memory_space<vmem>>, vector<16xf32>,
        %parallel_loop3A_184 = arith.mulf %parallel_loop3A_183, %parallel_loop3A_145 : vector<16xf32>
        %parallel_loop3A_185 = arith.index_cast %parallel_loop3A_140 : i32 to index
        %parallel_loop3A_186 = arith.constant 80 : index
        %parallel_loop3A_187 = tpu.vector_load %arg18[%parallel_loop3A_185, %parallel_loop3A_186] {strides = array<i32>} : memref<64x128xf32, #tpu.memory_space<vmem>>, vector<16xf32>,
        tpu.vector_store %arg18[%parallel_loop3A_185, %parallel_loop3A_186], %parallel_loop3A_184 {strides = array<i32>} : memref<64x128xf32, #tpu.memory_space<vmem>>, vector<16xf32>,
        %parallel_loop3A_188 = arith.index_cast %parallel_loop3A_140 : i32 to index
        %parallel_loop3A_189 = arith.constant 96 : index
        %parallel_loop3A_190 = tpu.vector_load %arg18[%parallel_loop3A_188, %parallel_loop3A_189] {strides = array<i32>} : memref<64x128xf32, #tpu.memory_space<vmem>>, vector<16xf32>,
        %parallel_loop3A_191 = arith.mulf %parallel_loop3A_190, %parallel_loop3A_145 : vector<16xf32>
        %parallel_loop3A_192 = arith.index_cast %parallel_loop3A_140 : i32 to index
        %parallel_loop3A_193 = arith.constant 96 : index
        %parallel_loop3A_194 = tpu.vector_load %arg18[%parallel_loop3A_192, %parallel_loop3A_193] {strides = array<i32>} : memref<64x128xf32, #tpu.memory_space<vmem>>, vector<16xf32>,
        tpu.vector_store %arg18[%parallel_loop3A_192, %parallel_loop3A_193], %parallel_loop3A_191 {strides = array<i32>} : memref<64x128xf32, #tpu.memory_space<vmem>>, vector<16xf32>,
        %parallel_loop3A_195 = arith.index_cast %parallel_loop3A_140 : i32 to index
        %parallel_loop3A_196 = arith.constant 112 : index
        %parallel_loop3A_197 = tpu.vector_load %arg18[%parallel_loop3A_195, %parallel_loop3A_196] {strides = array<i32>} : memref<64x128xf32, #tpu.memory_space<vmem>>, vector<16xf32>,
        %parallel_loop3A_198 = arith.mulf %parallel_loop3A_197, %parallel_loop3A_145 : vector<16xf32>
        %parallel_loop3A_199 = arith.index_cast %parallel_loop3A_140 : i32 to index
        %parallel_loop3A_200 = arith.constant 112 : index
        %parallel_loop3A_201 = tpu.vector_load %arg18[%parallel_loop3A_199, %parallel_loop3A_200] {strides = array<i32>} : memref<64x128xf32, #tpu.memory_space<vmem>>, vector<16xf32>,
        tpu.vector_store %arg18[%parallel_loop3A_199, %parallel_loop3A_200], %parallel_loop3A_198 {strides = array<i32>} : memref<64x128xf32, #tpu.memory_space<vmem>>, vector<16xf32>,
      } {sc.loop_unroll_factor = 16 : i64, sc.parallel_access}
      %convert_element_type3A_134 = arith.extui %lt3A_113 : i1 to i32
      %cond3A_135 = arith.constant 0 : i32
      %cond3A_136 = arith.cmpi ne, %convert_element_type3A_134, %cond3A_135 : i32
      scf.if %cond3A_136 {
        %add3A_140 = arith.constant 3 : i32
        %add3A_141 = arith.addi %add3A_110, %add3A_140 : i32
        %mul3A_142 = arith.constant 64 : i32
        %mul3A_143 = arith.muli %add3A_141, %mul3A_142 : i32
        %dma_start3A_144 = tpu.memref_slice %arg4[%mul3A_143] : memref<320000xi32, #tpu.memory_space<hbm>> -> memref<64xi32, #tpu.memory_space<hbm>>
        %dma_start3A_145 = tpu.memref_slice %arg4[%mul3A_143] : memref<320000xi32, #tpu.memory_space<hbm>> -> memref<64xi32, #tpu.memory_space<hbm>>
        tpu.enqueue_dma source(%dma_start3A_145 : memref<64xi32, #tpu.memory_space<hbm>>) target(%arg13 : memref<64xi32, #tpu.memory_space<vmem>>) target_semaphore(%arg23 : memref<!tpu.dma_semaphore, #tpu.memory_space<semaphore_mem>>)
        %add3A_146 = arith.constant 3 : i32
        %add3A_147 = arith.addi %add3A_110, %add3A_146 : i32
        %mul3A_148 = arith.constant 64 : i32
        %mul3A_149 = arith.muli %add3A_147, %mul3A_148 : i32
        %dma_start3A_150 = tpu.memref_slice %arg5[%mul3A_149] : memref<320000xi32, #tpu.memory_space<hbm>> -> memref<64xi32, #tpu.memory_space<hbm>>
        %dma_start3A_151 = tpu.memref_slice %arg5[%mul3A_149] : memref<320000xi32, #tpu.memory_space<hbm>> -> memref<64xi32, #tpu.memory_space<hbm>>
        tpu.enqueue_dma source(%dma_start3A_151 : memref<64xi32, #tpu.memory_space<hbm>>) target(%arg14 : memref<64xi32, #tpu.memory_space<vmem>>) target_semaphore(%arg23 : memref<!tpu.dma_semaphore, #tpu.memory_space<semaphore_mem>>)
      } else {
      }
      "tpu.region"() ({
        %run_scoped3A = tpu.sem_alloc : memref<!tpu.dma_semaphore, #tpu.memory_space<semaphore_mem>>
        %dma_start3A_140 = arith.constant 0 : i32
        %dma_start3A_141 = arith.constant 0 : i32
        %dma_start3A_142 = tpu.memref_slice %arg19[%dma_start3A_140, %dma_start3A_141] : memref<10112x128xf32, #tpu.memory_space<vmem_shared>> -> memref<10112x128xf32, #tpu.memory_space<vmem_shared>>
        tpu.enqueue_indirect_dma source(%arg18 : memref<64x128xf32, #tpu.memory_space<vmem>>) target(%dma_start3A_142 : memref<10112x128xf32, #tpu.memory_space<vmem_shared>>) offsets(%arg16 : memref<64xi32, #tpu.memory_space<vmem>>) semaphore(%run_scoped3A : memref<!tpu.dma_semaphore, #tpu.memory_space<semaphore_mem>>) {add = true}
        %dma_wait3A_143 = arith.constant 0 : i32
        %dma_wait3A_144 = arith.constant 0 : i32
        %dma_wait3A_145 = tpu.memref_slice %arg19[%dma_wait3A_143, %dma_wait3A_144] : memref<10112x128xf32, #tpu.memory_space<vmem_shared>> -> memref<10112x128xf32, #tpu.memory_space<vmem_shared>>
        tpu.wait_indirect_dma semaphore(%run_scoped3A : memref<!tpu.dma_semaphore, #tpu.memory_space<semaphore_mem>>) src(%arg18 : memref<64x128xf32, #tpu.memory_space<vmem>>) dst(%dma_wait3A_145 : memref<10112x128xf32, #tpu.memory_space<vmem_shared>>)
        tpu.yield
      }) : () -> ()
      %convert_element_type3A_137 = arith.extui %lt3A_113 : i1 to i32
      %cond3A_138 = arith.constant 0 : i32
      %cond3A_139 = arith.cmpi ne, %convert_element_type3A_137, %cond3A_138 : i32
      scf.if %cond3A_139 {
        %add3A_140 = arith.constant 3 : i32
        %add3A_141 = arith.addi %add3A_110, %add3A_140 : i32
        %mul3A_142 = arith.constant 64 : i32
        %mul3A_143 = arith.muli %add3A_141, %mul3A_142 : i32
        %dma_wait3A_144 = tpu.memref_slice %arg4[%mul3A_143] : memref<320000xi32, #tpu.memory_space<hbm>> -> memref<64xi32, #tpu.memory_space<hbm>>
        %dma_wait3A_145 = tpu.memref_slice %arg4[%mul3A_143] : memref<320000xi32, #tpu.memory_space<hbm>> -> memref<64xi32, #tpu.memory_space<hbm>>
        tpu.wait_dma2 semaphore(%arg23 : memref<!tpu.dma_semaphore, #tpu.memory_space<semaphore_mem>>) src(%dma_wait3A_145 : memref<64xi32, #tpu.memory_space<hbm>>) dst(%arg13 : memref<64xi32, #tpu.memory_space<vmem>>)
        %add3A_146 = arith.constant 3 : i32
        %add3A_147 = arith.addi %add3A_110, %add3A_146 : i32
        %mul3A_148 = arith.constant 64 : i32
        %mul3A_149 = arith.muli %add3A_147, %mul3A_148 : i32
        %dma_wait3A_150 = tpu.memref_slice %arg5[%mul3A_149] : memref<320000xi32, #tpu.memory_space<hbm>> -> memref<64xi32, #tpu.memory_space<hbm>>
        %dma_wait3A_151 = tpu.memref_slice %arg5[%mul3A_149] : memref<320000xi32, #tpu.memory_space<hbm>> -> memref<64xi32, #tpu.memory_space<hbm>>
        tpu.wait_dma2 semaphore(%arg23 : memref<!tpu.dma_semaphore, #tpu.memory_space<semaphore_mem>>) src(%dma_wait3A_151 : memref<64xi32, #tpu.memory_space<hbm>>) dst(%arg14 : memref<64xi32, #tpu.memory_space<vmem>>)
        %dma_start3A_152 = arith.constant 0 : i32
        %dma_start3A_153 = arith.constant 0 : i32
        %dma_start3A_154 = tpu.memref_slice %arg2[%dma_start3A_152, %dma_start3A_153] : memref<10000x128xf32, #tpu.memory_space<hbm>> -> memref<10000x128xf32, #tpu.memory_space<hbm>>
        tpu.enqueue_indirect_dma source(%dma_start3A_154 : memref<10000x128xf32, #tpu.memory_space<hbm>>) target(%arg18 : memref<64x128xf32, #tpu.memory_space<vmem>>) offsets(%arg14 : memref<64xi32, #tpu.memory_space<vmem>>) semaphore(%arg21 : memref<!tpu.dma_semaphore, #tpu.memory_space<semaphore_mem>>)
      } else {
      }
    }
    %while3A_97 = arith.constant 1 : i32
    scf.for %while3A_105 = %while3A_95 to %while3A_91 step %while3A_97  : i32 {
      %mul3A_106 = arith.muli %while3A_105, %while3A : i32
      %add3A_107 = arith.addi %while3A_88, %mul3A_106 : i32
      %mul3A_108 = arith.constant 2 : i32
      %mul3A_109 = arith.muli %mul3A_108, %add3A_107 : i32
      %add3A_110 = arith.addi %mul3A_15, %mul3A_109 : i32
      %sub3A_111 = arith.constant 1 : i32
      %sub3A_112 = arith.subi %add3A_9, %sub3A_111 : i32
      %lt3A_113 = arith.cmpi slt, %add3A_107, %sub3A_112 : i32
      %dma_wait3A = arith.constant 0 : i32
      %dma_wait3A_114 = arith.constant 0 : i32
      %dma_wait3A_115 = tpu.memref_slice %arg2[%dma_wait3A, %dma_wait3A_114] : memref<10000x128xf32, #tpu.memory_space<hbm>> -> memref<10000x128xf32, #tpu.memory_space<hbm>>
      tpu.wait_indirect_dma semaphore(%arg20 : memref<!tpu.dma_semaphore, #tpu.memory_space<semaphore_mem>>) src(%dma_wait3A_115 : memref<10000x128xf32, #tpu.memory_space<hbm>>) dst(%arg17 : memref<64x128xf32, #tpu.memory_space<vmem>>)
      %parallel_loop3A = arith.constant 0 : i32
      %parallel_loop3A_116 = arith.constant 4 : i32
      %parallel_loop3A_117 = arith.constant 1 : i32
      scf.for %parallel_loop3A_140 = %parallel_loop3A to %parallel_loop3A_116 step %parallel_loop3A_117  : i32 {
        %parallel_loop3A_141 = arith.constant 16 : i32
        %parallel_loop3A_142 = arith.muli %parallel_loop3A_140, %parallel_loop3A_141 : i32
        %parallel_loop3A_143 = arith.index_cast %parallel_loop3A_142 : i32 to index
        %parallel_loop3A_144 = tpu.vector_load %arg11[%parallel_loop3A_143] {strides = array<i32>} : memref<64xi32, #tpu.memory_space<vmem>>, vector<16xi32>,
        %parallel_loop3A_145 = arith.constant 16 : i32
        %parallel_loop3A_146 = arith.muli %parallel_loop3A_140, %parallel_loop3A_145 : i32
        %parallel_loop3A_147 = arith.index_cast %parallel_loop3A_146 : i32 to index
        %parallel_loop3A_148 = tpu.vector_load %arg12[%parallel_loop3A_147] {strides = array<i32>} : memref<64xi32, #tpu.memory_space<vmem>>, vector<16xi32>,
        %parallel_loop3A_149 = arith.constant 16 : i32
        %parallel_loop3A_150 = arith.muli %parallel_loop3A_140, %parallel_loop3A_149 : i32
        %parallel_loop3A_151 = arith.index_cast %parallel_loop3A_150 : i32 to index
        %parallel_loop3A_152 = tpu.vector_load %arg15[%parallel_loop3A_151] {strides = array<i32>} : memref<64xi32, #tpu.memory_space<vmem>>, vector<16xi32>,
        tpu.vector_store %arg15[%parallel_loop3A_151], %parallel_loop3A_144 {strides = array<i32>} : memref<64xi32, #tpu.memory_space<vmem>>, vector<16xi32>,
        %parallel_loop3A_153 = tpu.vector_load_idx %arg8[%broadcast_in_dim3A_3, %parallel_loop3A_144] : memref<2x10000xf32, #tpu.memory_space<vmem>>[vector<16xi32>, vector<16xi32>], vector<16xf32>,
        %parallel_loop3A_154 = tpu.vector_load_idx %arg8[%broadcast_in_dim3A_5, %parallel_loop3A_148] : memref<2x10000xf32, #tpu.memory_space<vmem>>[vector<16xi32>, vector<16xi32>], vector<16xf32>,
        %parallel_loop3A_155 = arith.addf %parallel_loop3A_153, %parallel_loop3A_154 : vector<16xf32>
        %parallel_loop3A_156 = arith.constant 0.000000e+00 : f32
        %parallel_loop3A_157 = vector.broadcast %parallel_loop3A_156 : f32 to vector<16xf32>
        %parallel_loop3A_158 = arith.cmpf oge, %parallel_loop3A_155, %parallel_loop3A_157 : vector<16xf32>
        %parallel_loop3A_159 = arith.constant 2.000000e-01 : f32
        %parallel_loop3A_160 = vector.broadcast %parallel_loop3A_159 : f32 to vector<16xf32>
        %parallel_loop3A_161 = arith.mulf %parallel_loop3A_160, %parallel_loop3A_155 : vector<16xf32>
        %parallel_loop3A_162 = arith.select %parallel_loop3A_158, %parallel_loop3A_155, %parallel_loop3A_161 : vector<16xi1>, vector<16xf32>
        %parallel_loop3A_163 = math.exp %parallel_loop3A_162 : vector<16xf32>
        %parallel_loop3A_164 = arith.constant 16 : i32
        %parallel_loop3A_165 = arith.muli %parallel_loop3A_140, %parallel_loop3A_164 : i32
        %parallel_loop3A_166 = arith.index_cast %parallel_loop3A_165 : i32 to index
        %parallel_loop3A_167 = tpu.vector_load %arg10[%parallel_loop3A_166] {strides = array<i32>} : memref<80xf32, #tpu.memory_space<vmem>>, vector<16xf32>,
        tpu.vector_store %arg10[%parallel_loop3A_166], %parallel_loop3A_163 {strides = array<i32>} : memref<80xf32, #tpu.memory_space<vmem>>, vector<16xf32>,
        tpu.vector_store_idx %arg9[%parallel_loop3A_144], %parallel_loop3A_163 {add = true} : memref<10112xf32, #tpu.memory_space<vmem>>[vector<16xi32>], vector<16xf32>,
      } {sc.loop_unroll_factor = 4 : i64, sc.parallel_access}
      %parallel_loop3A_118 = arith.constant 0 : i32
      %parallel_loop3A_119 = arith.constant 64 : i32
      %parallel_loop3A_120 = arith.constant 1 : i32
      scf.for %parallel_loop3A_140 = %parallel_loop3A_118 to %parallel_loop3A_119 step %parallel_loop3A_120  : i32 {
        %parallel_loop3A_141 = arith.constant 0 : i32
        %parallel_loop3A_142 = vector.broadcast %parallel_loop3A_141 : i32 to vector<16xi32>
        %parallel_loop3A_143 = vector.broadcast %parallel_loop3A_140 : i32 to vector<16xi32>
        %parallel_loop3A_144 = arith.addi %parallel_loop3A_142, %parallel_loop3A_143 : vector<16xi32>
        %parallel_loop3A_145 = tpu.vector_load_idx %arg10[%parallel_loop3A_144] : memref<80xf32, #tpu.memory_space<vmem>>[vector<16xi32>], vector<16xf32>,
        %parallel_loop3A_146 = arith.index_cast %parallel_loop3A_140 : i32 to index
        %parallel_loop3A_147 = arith.constant 0 : index
        %parallel_loop3A_148 = tpu.vector_load %arg17[%parallel_loop3A_146, %parallel_loop3A_147] {strides = array<i32>} : memref<64x128xf32, #tpu.memory_space<vmem>>, vector<16xf32>,
        %parallel_loop3A_149 = arith.mulf %parallel_loop3A_148, %parallel_loop3A_145 : vector<16xf32>
        %parallel_loop3A_150 = arith.index_cast %parallel_loop3A_140 : i32 to index
        %parallel_loop3A_151 = arith.constant 0 : index
        %parallel_loop3A_152 = tpu.vector_load %arg17[%parallel_loop3A_150, %parallel_loop3A_151] {strides = array<i32>} : memref<64x128xf32, #tpu.memory_space<vmem>>, vector<16xf32>,
        tpu.vector_store %arg17[%parallel_loop3A_150, %parallel_loop3A_151], %parallel_loop3A_149 {strides = array<i32>} : memref<64x128xf32, #tpu.memory_space<vmem>>, vector<16xf32>,
        %parallel_loop3A_153 = arith.index_cast %parallel_loop3A_140 : i32 to index
        %parallel_loop3A_154 = arith.constant 16 : index
        %parallel_loop3A_155 = tpu.vector_load %arg17[%parallel_loop3A_153, %parallel_loop3A_154] {strides = array<i32>} : memref<64x128xf32, #tpu.memory_space<vmem>>, vector<16xf32>,
        %parallel_loop3A_156 = arith.mulf %parallel_loop3A_155, %parallel_loop3A_145 : vector<16xf32>
        %parallel_loop3A_157 = arith.index_cast %parallel_loop3A_140 : i32 to index
        %parallel_loop3A_158 = arith.constant 16 : index
        %parallel_loop3A_159 = tpu.vector_load %arg17[%parallel_loop3A_157, %parallel_loop3A_158] {strides = array<i32>} : memref<64x128xf32, #tpu.memory_space<vmem>>, vector<16xf32>,
        tpu.vector_store %arg17[%parallel_loop3A_157, %parallel_loop3A_158], %parallel_loop3A_156 {strides = array<i32>} : memref<64x128xf32, #tpu.memory_space<vmem>>, vector<16xf32>,
        %parallel_loop3A_160 = arith.index_cast %parallel_loop3A_140 : i32 to index
        %parallel_loop3A_161 = arith.constant 32 : index
        %parallel_loop3A_162 = tpu.vector_load %arg17[%parallel_loop3A_160, %parallel_loop3A_161] {strides = array<i32>} : memref<64x128xf32, #tpu.memory_space<vmem>>, vector<16xf32>,
        %parallel_loop3A_163 = arith.mulf %parallel_loop3A_162, %parallel_loop3A_145 : vector<16xf32>
        %parallel_loop3A_164 = arith.index_cast %parallel_loop3A_140 : i32 to index
        %parallel_loop3A_165 = arith.constant 32 : index
        %parallel_loop3A_166 = tpu.vector_load %arg17[%parallel_loop3A_164, %parallel_loop3A_165] {strides = array<i32>} : memref<64x128xf32, #tpu.memory_space<vmem>>, vector<16xf32>,
        tpu.vector_store %arg17[%parallel_loop3A_164, %parallel_loop3A_165], %parallel_loop3A_163 {strides = array<i32>} : memref<64x128xf32, #tpu.memory_space<vmem>>, vector<16xf32>,
        %parallel_loop3A_167 = arith.index_cast %parallel_loop3A_140 : i32 to index
        %parallel_loop3A_168 = arith.constant 48 : index
        %parallel_loop3A_169 = tpu.vector_load %arg17[%parallel_loop3A_167, %parallel_loop3A_168] {strides = array<i32>} : memref<64x128xf32, #tpu.memory_space<vmem>>, vector<16xf32>,
        %parallel_loop3A_170 = arith.mulf %parallel_loop3A_169, %parallel_loop3A_145 : vector<16xf32>
        %parallel_loop3A_171 = arith.index_cast %parallel_loop3A_140 : i32 to index
        %parallel_loop3A_172 = arith.constant 48 : index
        %parallel_loop3A_173 = tpu.vector_load %arg17[%parallel_loop3A_171, %parallel_loop3A_172] {strides = array<i32>} : memref<64x128xf32, #tpu.memory_space<vmem>>, vector<16xf32>,
        tpu.vector_store %arg17[%parallel_loop3A_171, %parallel_loop3A_172], %parallel_loop3A_170 {strides = array<i32>} : memref<64x128xf32, #tpu.memory_space<vmem>>, vector<16xf32>,
        %parallel_loop3A_174 = arith.index_cast %parallel_loop3A_140 : i32 to index
        %parallel_loop3A_175 = arith.constant 64 : index
        %parallel_loop3A_176 = tpu.vector_load %arg17[%parallel_loop3A_174, %parallel_loop3A_175] {strides = array<i32>} : memref<64x128xf32, #tpu.memory_space<vmem>>, vector<16xf32>,
        %parallel_loop3A_177 = arith.mulf %parallel_loop3A_176, %parallel_loop3A_145 : vector<16xf32>
        %parallel_loop3A_178 = arith.index_cast %parallel_loop3A_140 : i32 to index
        %parallel_loop3A_179 = arith.constant 64 : index
        %parallel_loop3A_180 = tpu.vector_load %arg17[%parallel_loop3A_178, %parallel_loop3A_179] {strides = array<i32>} : memref<64x128xf32, #tpu.memory_space<vmem>>, vector<16xf32>,
        tpu.vector_store %arg17[%parallel_loop3A_178, %parallel_loop3A_179], %parallel_loop3A_177 {strides = array<i32>} : memref<64x128xf32, #tpu.memory_space<vmem>>, vector<16xf32>,
        %parallel_loop3A_181 = arith.index_cast %parallel_loop3A_140 : i32 to index
        %parallel_loop3A_182 = arith.constant 80 : index
        %parallel_loop3A_183 = tpu.vector_load %arg17[%parallel_loop3A_181, %parallel_loop3A_182] {strides = array<i32>} : memref<64x128xf32, #tpu.memory_space<vmem>>, vector<16xf32>,
        %parallel_loop3A_184 = arith.mulf %parallel_loop3A_183, %parallel_loop3A_145 : vector<16xf32>
        %parallel_loop3A_185 = arith.index_cast %parallel_loop3A_140 : i32 to index
        %parallel_loop3A_186 = arith.constant 80 : index
        %parallel_loop3A_187 = tpu.vector_load %arg17[%parallel_loop3A_185, %parallel_loop3A_186] {strides = array<i32>} : memref<64x128xf32, #tpu.memory_space<vmem>>, vector<16xf32>,
        tpu.vector_store %arg17[%parallel_loop3A_185, %parallel_loop3A_186], %parallel_loop3A_184 {strides = array<i32>} : memref<64x128xf32, #tpu.memory_space<vmem>>, vector<16xf32>,
        %parallel_loop3A_188 = arith.index_cast %parallel_loop3A_140 : i32 to index
        %parallel_loop3A_189 = arith.constant 96 : index
        %parallel_loop3A_190 = tpu.vector_load %arg17[%parallel_loop3A_188, %parallel_loop3A_189] {strides = array<i32>} : memref<64x128xf32, #tpu.memory_space<vmem>>, vector<16xf32>,
        %parallel_loop3A_191 = arith.mulf %parallel_loop3A_190, %parallel_loop3A_145 : vector<16xf32>
        %parallel_loop3A_192 = arith.index_cast %parallel_loop3A_140 : i32 to index
        %parallel_loop3A_193 = arith.constant 96 : index
        %parallel_loop3A_194 = tpu.vector_load %arg17[%parallel_loop3A_192, %parallel_loop3A_193] {strides = array<i32>} : memref<64x128xf32, #tpu.memory_space<vmem>>, vector<16xf32>,
        tpu.vector_store %arg17[%parallel_loop3A_192, %parallel_loop3A_193], %parallel_loop3A_191 {strides = array<i32>} : memref<64x128xf32, #tpu.memory_space<vmem>>, vector<16xf32>,
        %parallel_loop3A_195 = arith.index_cast %parallel_loop3A_140 : i32 to index
        %parallel_loop3A_196 = arith.constant 112 : index
        %parallel_loop3A_197 = tpu.vector_load %arg17[%parallel_loop3A_195, %parallel_loop3A_196] {strides = array<i32>} : memref<64x128xf32, #tpu.memory_space<vmem>>, vector<16xf32>,
        %parallel_loop3A_198 = arith.mulf %parallel_loop3A_197, %parallel_loop3A_145 : vector<16xf32>
        %parallel_loop3A_199 = arith.index_cast %parallel_loop3A_140 : i32 to index
        %parallel_loop3A_200 = arith.constant 112 : index
        %parallel_loop3A_201 = tpu.vector_load %arg17[%parallel_loop3A_199, %parallel_loop3A_200] {strides = array<i32>} : memref<64x128xf32, #tpu.memory_space<vmem>>, vector<16xf32>,
        tpu.vector_store %arg17[%parallel_loop3A_199, %parallel_loop3A_200], %parallel_loop3A_198 {strides = array<i32>} : memref<64x128xf32, #tpu.memory_space<vmem>>, vector<16xf32>,
      } {sc.loop_unroll_factor = 16 : i64, sc.parallel_access}
      %convert_element_type3A = arith.extui %lt3A_113 : i1 to i32
      %cond3A = arith.constant 0 : i32
      %cond3A_121 = arith.cmpi ne, %convert_element_type3A, %cond3A : i32
      scf.if %cond3A_121 {
        %add3A_140 = arith.constant 2 : i32
        %add3A_141 = arith.addi %add3A_110, %add3A_140 : i32
        %mul3A_142 = arith.constant 64 : i32
        %mul3A_143 = arith.muli %add3A_141, %mul3A_142 : i32
        %dma_start3A_144 = tpu.memref_slice %arg4[%mul3A_143] : memref<320000xi32, #tpu.memory_space<hbm>> -> memref<64xi32, #tpu.memory_space<hbm>>
        %dma_start3A_145 = tpu.memref_slice %arg4[%mul3A_143] : memref<320000xi32, #tpu.memory_space<hbm>> -> memref<64xi32, #tpu.memory_space<hbm>>
        tpu.enqueue_dma source(%dma_start3A_145 : memref<64xi32, #tpu.memory_space<hbm>>) target(%arg11 : memref<64xi32, #tpu.memory_space<vmem>>) target_semaphore(%arg22 : memref<!tpu.dma_semaphore, #tpu.memory_space<semaphore_mem>>)
        %add3A_146 = arith.constant 2 : i32
        %add3A_147 = arith.addi %add3A_110, %add3A_146 : i32
        %mul3A_148 = arith.constant 64 : i32
        %mul3A_149 = arith.muli %add3A_147, %mul3A_148 : i32
        %dma_start3A_150 = tpu.memref_slice %arg5[%mul3A_149] : memref<320000xi32, #tpu.memory_space<hbm>> -> memref<64xi32, #tpu.memory_space<hbm>>
        %dma_start3A_151 = tpu.memref_slice %arg5[%mul3A_149] : memref<320000xi32, #tpu.memory_space<hbm>> -> memref<64xi32, #tpu.memory_space<hbm>>
        tpu.enqueue_dma source(%dma_start3A_151 : memref<64xi32, #tpu.memory_space<hbm>>) target(%arg12 : memref<64xi32, #tpu.memory_space<vmem>>) target_semaphore(%arg22 : memref<!tpu.dma_semaphore, #tpu.memory_space<semaphore_mem>>)
      } else {
      }
      "tpu.region"() ({
        %run_scoped3A = tpu.sem_alloc : memref<!tpu.dma_semaphore, #tpu.memory_space<semaphore_mem>>
        %dma_start3A_140 = arith.constant 0 : i32
        %dma_start3A_141 = arith.constant 0 : i32
        %dma_start3A_142 = tpu.memref_slice %arg19[%dma_start3A_140, %dma_start3A_141] : memref<10112x128xf32, #tpu.memory_space<vmem_shared>> -> memref<10112x128xf32, #tpu.memory_space<vmem_shared>>
        tpu.enqueue_indirect_dma source(%arg17 : memref<64x128xf32, #tpu.memory_space<vmem>>) target(%dma_start3A_142 : memref<10112x128xf32, #tpu.memory_space<vmem_shared>>) offsets(%arg15 : memref<64xi32, #tpu.memory_space<vmem>>) semaphore(%run_scoped3A : memref<!tpu.dma_semaphore, #tpu.memory_space<semaphore_mem>>) {add = true}
        %dma_wait3A_143 = arith.constant 0 : i32
        %dma_wait3A_144 = arith.constant 0 : i32
        %dma_wait3A_145 = tpu.memref_slice %arg19[%dma_wait3A_143, %dma_wait3A_144] : memref<10112x128xf32, #tpu.memory_space<vmem_shared>> -> memref<10112x128xf32, #tpu.memory_space<vmem_shared>>
        tpu.wait_indirect_dma semaphore(%run_scoped3A : memref<!tpu.dma_semaphore, #tpu.memory_space<semaphore_mem>>) src(%arg17 : memref<64x128xf32, #tpu.memory_space<vmem>>) dst(%dma_wait3A_145 : memref<10112x128xf32, #tpu.memory_space<vmem_shared>>)
        tpu.yield
      }) : () -> ()
      %convert_element_type3A_122 = arith.extui %lt3A_113 : i1 to i32
      %cond3A_123 = arith.constant 0 : i32
      %cond3A_124 = arith.cmpi ne, %convert_element_type3A_122, %cond3A_123 : i32
      scf.if %cond3A_124 {
        %add3A_140 = arith.constant 2 : i32
        %add3A_141 = arith.addi %add3A_110, %add3A_140 : i32
        %mul3A_142 = arith.constant 64 : i32
        %mul3A_143 = arith.muli %add3A_141, %mul3A_142 : i32
        %dma_wait3A_144 = tpu.memref_slice %arg4[%mul3A_143] : memref<320000xi32, #tpu.memory_space<hbm>> -> memref<64xi32, #tpu.memory_space<hbm>>
        %dma_wait3A_145 = tpu.memref_slice %arg4[%mul3A_143] : memref<320000xi32, #tpu.memory_space<hbm>> -> memref<64xi32, #tpu.memory_space<hbm>>
        tpu.wait_dma2 semaphore(%arg22 : memref<!tpu.dma_semaphore, #tpu.memory_space<semaphore_mem>>) src(%dma_wait3A_145 : memref<64xi32, #tpu.memory_space<hbm>>) dst(%arg11 : memref<64xi32, #tpu.memory_space<vmem>>)
        %add3A_146 = arith.constant 2 : i32
        %add3A_147 = arith.addi %add3A_110, %add3A_146 : i32
        %mul3A_148 = arith.constant 64 : i32
        %mul3A_149 = arith.muli %add3A_147, %mul3A_148 : i32
        %dma_wait3A_150 = tpu.memref_slice %arg5[%mul3A_149] : memref<320000xi32, #tpu.memory_space<hbm>> -> memref<64xi32, #tpu.memory_space<hbm>>
        %dma_wait3A_151 = tpu.memref_slice %arg5[%mul3A_149] : memref<320000xi32, #tpu.memory_space<hbm>> -> memref<64xi32, #tpu.memory_space<hbm>>
        tpu.wait_dma2 semaphore(%arg22 : memref<!tpu.dma_semaphore, #tpu.memory_space<semaphore_mem>>) src(%dma_wait3A_151 : memref<64xi32, #tpu.memory_space<hbm>>) dst(%arg12 : memref<64xi32, #tpu.memory_space<vmem>>)
        %dma_start3A_152 = arith.constant 0 : i32
        %dma_start3A_153 = arith.constant 0 : i32
        %dma_start3A_154 = tpu.memref_slice %arg2[%dma_start3A_152, %dma_start3A_153] : memref<10000x128xf32, #tpu.memory_space<hbm>> -> memref<10000x128xf32, #tpu.memory_space<hbm>>
        tpu.enqueue_indirect_dma source(%dma_start3A_154 : memref<10000x128xf32, #tpu.memory_space<hbm>>) target(%arg17 : memref<64x128xf32, #tpu.memory_space<vmem>>) offsets(%arg12 : memref<64xi32, #tpu.memory_space<vmem>>) semaphore(%arg20 : memref<!tpu.dma_semaphore, #tpu.memory_space<semaphore_mem>>)
      } else {
      }
      %dma_wait3A_125 = arith.constant 0 : i32
      %dma_wait3A_126 = arith.constant 0 : i32
      %dma_wait3A_127 = tpu.memref_slice %arg2[%dma_wait3A_125, %dma_wait3A_126] : memref<10000x128xf32, #tpu.memory_space<hbm>> -> memref<10000x128xf32, #tpu.memory_space<hbm>>
      tpu.wait_indirect_dma semaphore(%arg21 : memref<!tpu.dma_semaphore, #tpu.memory_space<semaphore_mem>>) src(%dma_wait3A_127 : memref<10000x128xf32, #tpu.memory_space<hbm>>) dst(%arg18 : memref<64x128xf32, #tpu.memory_space<vmem>>)
      %parallel_loop3A_128 = arith.constant 0 : i32
      %parallel_loop3A_129 = arith.constant 4 : i32
      %parallel_loop3A_130 = arith.constant 1 : i32
      scf.for %parallel_loop3A_140 = %parallel_loop3A_128 to %parallel_loop3A_129 step %parallel_loop3A_130  : i32 {
        %parallel_loop3A_141 = arith.constant 16 : i32
        %parallel_loop3A_142 = arith.muli %parallel_loop3A_140, %parallel_loop3A_141 : i32
        %parallel_loop3A_143 = arith.index_cast %parallel_loop3A_142 : i32 to index
        %parallel_loop3A_144 = tpu.vector_load %arg13[%parallel_loop3A_143] {strides = array<i32>} : memref<64xi32, #tpu.memory_space<vmem>>, vector<16xi32>,
        %parallel_loop3A_145 = arith.constant 16 : i32
        %parallel_loop3A_146 = arith.muli %parallel_loop3A_140, %parallel_loop3A_145 : i32
        %parallel_loop3A_147 = arith.index_cast %parallel_loop3A_146 : i32 to index
        %parallel_loop3A_148 = tpu.vector_load %arg14[%parallel_loop3A_147] {strides = array<i32>} : memref<64xi32, #tpu.memory_space<vmem>>, vector<16xi32>,
        %parallel_loop3A_149 = arith.constant 16 : i32
        %parallel_loop3A_150 = arith.muli %parallel_loop3A_140, %parallel_loop3A_149 : i32
        %parallel_loop3A_151 = arith.index_cast %parallel_loop3A_150 : i32 to index
        %parallel_loop3A_152 = tpu.vector_load %arg16[%parallel_loop3A_151] {strides = array<i32>} : memref<64xi32, #tpu.memory_space<vmem>>, vector<16xi32>,
        tpu.vector_store %arg16[%parallel_loop3A_151], %parallel_loop3A_144 {strides = array<i32>} : memref<64xi32, #tpu.memory_space<vmem>>, vector<16xi32>,
        %parallel_loop3A_153 = tpu.vector_load_idx %arg8[%broadcast_in_dim3A_3, %parallel_loop3A_144] : memref<2x10000xf32, #tpu.memory_space<vmem>>[vector<16xi32>, vector<16xi32>], vector<16xf32>,
        %parallel_loop3A_154 = tpu.vector_load_idx %arg8[%broadcast_in_dim3A_5, %parallel_loop3A_148] : memref<2x10000xf32, #tpu.memory_space<vmem>>[vector<16xi32>, vector<16xi32>], vector<16xf32>,
        %parallel_loop3A_155 = arith.addf %parallel_loop3A_153, %parallel_loop3A_154 : vector<16xf32>
        %parallel_loop3A_156 = arith.constant 0.000000e+00 : f32
        %parallel_loop3A_157 = vector.broadcast %parallel_loop3A_156 : f32 to vector<16xf32>
        %parallel_loop3A_158 = arith.cmpf oge, %parallel_loop3A_155, %parallel_loop3A_157 : vector<16xf32>
        %parallel_loop3A_159 = arith.constant 2.000000e-01 : f32
        %parallel_loop3A_160 = vector.broadcast %parallel_loop3A_159 : f32 to vector<16xf32>
        %parallel_loop3A_161 = arith.mulf %parallel_loop3A_160, %parallel_loop3A_155 : vector<16xf32>
        %parallel_loop3A_162 = arith.select %parallel_loop3A_158, %parallel_loop3A_155, %parallel_loop3A_161 : vector<16xi1>, vector<16xf32>
        %parallel_loop3A_163 = math.exp %parallel_loop3A_162 : vector<16xf32>
        %parallel_loop3A_164 = arith.constant 16 : i32
        %parallel_loop3A_165 = arith.muli %parallel_loop3A_140, %parallel_loop3A_164 : i32
        %parallel_loop3A_166 = arith.index_cast %parallel_loop3A_165 : i32 to index
        %parallel_loop3A_167 = tpu.vector_load %arg10[%parallel_loop3A_166] {strides = array<i32>} : memref<80xf32, #tpu.memory_space<vmem>>, vector<16xf32>,
        tpu.vector_store %arg10[%parallel_loop3A_166], %parallel_loop3A_163 {strides = array<i32>} : memref<80xf32, #tpu.memory_space<vmem>>, vector<16xf32>,
        tpu.vector_store_idx %arg9[%parallel_loop3A_144], %parallel_loop3A_163 {add = true} : memref<10112xf32, #tpu.memory_space<vmem>>[vector<16xi32>], vector<16xf32>,
      } {sc.loop_unroll_factor = 4 : i64, sc.parallel_access}
      %parallel_loop3A_131 = arith.constant 0 : i32
      %parallel_loop3A_132 = arith.constant 64 : i32
      %parallel_loop3A_133 = arith.constant 1 : i32
      scf.for %parallel_loop3A_140 = %parallel_loop3A_131 to %parallel_loop3A_132 step %parallel_loop3A_133  : i32 {
        %parallel_loop3A_141 = arith.constant 0 : i32
        %parallel_loop3A_142 = vector.broadcast %parallel_loop3A_141 : i32 to vector<16xi32>
        %parallel_loop3A_143 = vector.broadcast %parallel_loop3A_140 : i32 to vector<16xi32>
        %parallel_loop3A_144 = arith.addi %parallel_loop3A_142, %parallel_loop3A_143 : vector<16xi32>
        %parallel_loop3A_145 = tpu.vector_load_idx %arg10[%parallel_loop3A_144] : memref<80xf32, #tpu.memory_space<vmem>>[vector<16xi32>], vector<16xf32>,
        %parallel_loop3A_146 = arith.index_cast %parallel_loop3A_140 : i32 to index
        %parallel_loop3A_147 = arith.constant 0 : index
        %parallel_loop3A_148 = tpu.vector_load %arg18[%parallel_loop3A_146, %parallel_loop3A_147] {strides = array<i32>} : memref<64x128xf32, #tpu.memory_space<vmem>>, vector<16xf32>,
        %parallel_loop3A_149 = arith.mulf %parallel_loop3A_148, %parallel_loop3A_145 : vector<16xf32>
        %parallel_loop3A_150 = arith.index_cast %parallel_loop3A_140 : i32 to index
        %parallel_loop3A_151 = arith.constant 0 : index
        %parallel_loop3A_152 = tpu.vector_load %arg18[%parallel_loop3A_150, %parallel_loop3A_151] {strides = array<i32>} : memref<64x128xf32, #tpu.memory_space<vmem>>, vector<16xf32>,
        tpu.vector_store %arg18[%parallel_loop3A_150, %parallel_loop3A_151], %parallel_loop3A_149 {strides = array<i32>} : memref<64x128xf32, #tpu.memory_space<vmem>>, vector<16xf32>,
        %parallel_loop3A_153 = arith.index_cast %parallel_loop3A_140 : i32 to index
        %parallel_loop3A_154 = arith.constant 16 : index
        %parallel_loop3A_155 = tpu.vector_load %arg18[%parallel_loop3A_153, %parallel_loop3A_154] {strides = array<i32>} : memref<64x128xf32, #tpu.memory_space<vmem>>, vector<16xf32>,
        %parallel_loop3A_156 = arith.mulf %parallel_loop3A_155, %parallel_loop3A_145 : vector<16xf32>
        %parallel_loop3A_157 = arith.index_cast %parallel_loop3A_140 : i32 to index
        %parallel_loop3A_158 = arith.constant 16 : index
        %parallel_loop3A_159 = tpu.vector_load %arg18[%parallel_loop3A_157, %parallel_loop3A_158] {strides = array<i32>} : memref<64x128xf32, #tpu.memory_space<vmem>>, vector<16xf32>,
        tpu.vector_store %arg18[%parallel_loop3A_157, %parallel_loop3A_158], %parallel_loop3A_156 {strides = array<i32>} : memref<64x128xf32, #tpu.memory_space<vmem>>, vector<16xf32>,
        %parallel_loop3A_160 = arith.index_cast %parallel_loop3A_140 : i32 to index
        %parallel_loop3A_161 = arith.constant 32 : index
        %parallel_loop3A_162 = tpu.vector_load %arg18[%parallel_loop3A_160, %parallel_loop3A_161] {strides = array<i32>} : memref<64x128xf32, #tpu.memory_space<vmem>>, vector<16xf32>,
        %parallel_loop3A_163 = arith.mulf %parallel_loop3A_162, %parallel_loop3A_145 : vector<16xf32>
        %parallel_loop3A_164 = arith.index_cast %parallel_loop3A_140 : i32 to index
        %parallel_loop3A_165 = arith.constant 32 : index
        %parallel_loop3A_166 = tpu.vector_load %arg18[%parallel_loop3A_164, %parallel_loop3A_165] {strides = array<i32>} : memref<64x128xf32, #tpu.memory_space<vmem>>, vector<16xf32>,
        tpu.vector_store %arg18[%parallel_loop3A_164, %parallel_loop3A_165], %parallel_loop3A_163 {strides = array<i32>} : memref<64x128xf32, #tpu.memory_space<vmem>>, vector<16xf32>,
        %parallel_loop3A_167 = arith.index_cast %parallel_loop3A_140 : i32 to index
        %parallel_loop3A_168 = arith.constant 48 : index
        %parallel_loop3A_169 = tpu.vector_load %arg18[%parallel_loop3A_167, %parallel_loop3A_168] {strides = array<i32>} : memref<64x128xf32, #tpu.memory_space<vmem>>, vector<16xf32>,
        %parallel_loop3A_170 = arith.mulf %parallel_loop3A_169, %parallel_loop3A_145 : vector<16xf32>
        %parallel_loop3A_171 = arith.index_cast %parallel_loop3A_140 : i32 to index
        %parallel_loop3A_172 = arith.constant 48 : index
        %parallel_loop3A_173 = tpu.vector_load %arg18[%parallel_loop3A_171, %parallel_loop3A_172] {strides = array<i32>} : memref<64x128xf32, #tpu.memory_space<vmem>>, vector<16xf32>,
        tpu.vector_store %arg18[%parallel_loop3A_171, %parallel_loop3A_172], %parallel_loop3A_170 {strides = array<i32>} : memref<64x128xf32, #tpu.memory_space<vmem>>, vector<16xf32>,
        %parallel_loop3A_174 = arith.index_cast %parallel_loop3A_140 : i32 to index
        %parallel_loop3A_175 = arith.constant 64 : index
        %parallel_loop3A_176 = tpu.vector_load %arg18[%parallel_loop3A_174, %parallel_loop3A_175] {strides = array<i32>} : memref<64x128xf32, #tpu.memory_space<vmem>>, vector<16xf32>,
        %parallel_loop3A_177 = arith.mulf %parallel_loop3A_176, %parallel_loop3A_145 : vector<16xf32>
        %parallel_loop3A_178 = arith.index_cast %parallel_loop3A_140 : i32 to index
        %parallel_loop3A_179 = arith.constant 64 : index
        %parallel_loop3A_180 = tpu.vector_load %arg18[%parallel_loop3A_178, %parallel_loop3A_179] {strides = array<i32>} : memref<64x128xf32, #tpu.memory_space<vmem>>, vector<16xf32>,
        tpu.vector_store %arg18[%parallel_loop3A_178, %parallel_loop3A_179], %parallel_loop3A_177 {strides = array<i32>} : memref<64x128xf32, #tpu.memory_space<vmem>>, vector<16xf32>,
        %parallel_loop3A_181 = arith.index_cast %parallel_loop3A_140 : i32 to index
        %parallel_loop3A_182 = arith.constant 80 : index
        %parallel_loop3A_183 = tpu.vector_load %arg18[%parallel_loop3A_181, %parallel_loop3A_182] {strides = array<i32>} : memref<64x128xf32, #tpu.memory_space<vmem>>, vector<16xf32>,
        %parallel_loop3A_184 = arith.mulf %parallel_loop3A_183, %parallel_loop3A_145 : vector<16xf32>
        %parallel_loop3A_185 = arith.index_cast %parallel_loop3A_140 : i32 to index
        %parallel_loop3A_186 = arith.constant 80 : index
        %parallel_loop3A_187 = tpu.vector_load %arg18[%parallel_loop3A_185, %parallel_loop3A_186] {strides = array<i32>} : memref<64x128xf32, #tpu.memory_space<vmem>>, vector<16xf32>,
        tpu.vector_store %arg18[%parallel_loop3A_185, %parallel_loop3A_186], %parallel_loop3A_184 {strides = array<i32>} : memref<64x128xf32, #tpu.memory_space<vmem>>, vector<16xf32>,
        %parallel_loop3A_188 = arith.index_cast %parallel_loop3A_140 : i32 to index
        %parallel_loop3A_189 = arith.constant 96 : index
        %parallel_loop3A_190 = tpu.vector_load %arg18[%parallel_loop3A_188, %parallel_loop3A_189] {strides = array<i32>} : memref<64x128xf32, #tpu.memory_space<vmem>>, vector<16xf32>,
        %parallel_loop3A_191 = arith.mulf %parallel_loop3A_190, %parallel_loop3A_145 : vector<16xf32>
        %parallel_loop3A_192 = arith.index_cast %parallel_loop3A_140 : i32 to index
        %parallel_loop3A_193 = arith.constant 96 : index
        %parallel_loop3A_194 = tpu.vector_load %arg18[%parallel_loop3A_192, %parallel_loop3A_193] {strides = array<i32>} : memref<64x128xf32, #tpu.memory_space<vmem>>, vector<16xf32>,
        tpu.vector_store %arg18[%parallel_loop3A_192, %parallel_loop3A_193], %parallel_loop3A_191 {strides = array<i32>} : memref<64x128xf32, #tpu.memory_space<vmem>>, vector<16xf32>,
        %parallel_loop3A_195 = arith.index_cast %parallel_loop3A_140 : i32 to index
        %parallel_loop3A_196 = arith.constant 112 : index
        %parallel_loop3A_197 = tpu.vector_load %arg18[%parallel_loop3A_195, %parallel_loop3A_196] {strides = array<i32>} : memref<64x128xf32, #tpu.memory_space<vmem>>, vector<16xf32>,
        %parallel_loop3A_198 = arith.mulf %parallel_loop3A_197, %parallel_loop3A_145 : vector<16xf32>
        %parallel_loop3A_199 = arith.index_cast %parallel_loop3A_140 : i32 to index
        %parallel_loop3A_200 = arith.constant 112 : index
        %parallel_loop3A_201 = tpu.vector_load %arg18[%parallel_loop3A_199, %parallel_loop3A_200] {strides = array<i32>} : memref<64x128xf32, #tpu.memory_space<vmem>>, vector<16xf32>,
        tpu.vector_store %arg18[%parallel_loop3A_199, %parallel_loop3A_200], %parallel_loop3A_198 {strides = array<i32>} : memref<64x128xf32, #tpu.memory_space<vmem>>, vector<16xf32>,
      } {sc.loop_unroll_factor = 16 : i64, sc.parallel_access}
      %convert_element_type3A_134 = arith.extui %lt3A_113 : i1 to i32
      %cond3A_135 = arith.constant 0 : i32
      %cond3A_136 = arith.cmpi ne, %convert_element_type3A_134, %cond3A_135 : i32
      scf.if %cond3A_136 {
        %add3A_140 = arith.constant 3 : i32
        %add3A_141 = arith.addi %add3A_110, %add3A_140 : i32
        %mul3A_142 = arith.constant 64 : i32
        %mul3A_143 = arith.muli %add3A_141, %mul3A_142 : i32
        %dma_start3A_144 = tpu.memref_slice %arg4[%mul3A_143] : memref<320000xi32, #tpu.memory_space<hbm>> -> memref<64xi32, #tpu.memory_space<hbm>>
        %dma_start3A_145 = tpu.memref_slice %arg4[%mul3A_143] : memref<320000xi32, #tpu.memory_space<hbm>> -> memref<64xi32, #tpu.memory_space<hbm>>
        tpu.enqueue_dma source(%dma_start3A_145 : memref<64xi32, #tpu.memory_space<hbm>>) target(%arg13 : memref<64xi32, #tpu.memory_space<vmem>>) target_semaphore(%arg23 : memref<!tpu.dma_semaphore, #tpu.memory_space<semaphore_mem>>)
        %add3A_146 = arith.constant 3 : i32
        %add3A_147 = arith.addi %add3A_110, %add3A_146 : i32
        %mul3A_148 = arith.constant 64 : i32
        %mul3A_149 = arith.muli %add3A_147, %mul3A_148 : i32
        %dma_start3A_150 = tpu.memref_slice %arg5[%mul3A_149] : memref<320000xi32, #tpu.memory_space<hbm>> -> memref<64xi32, #tpu.memory_space<hbm>>
        %dma_start3A_151 = tpu.memref_slice %arg5[%mul3A_149] : memref<320000xi32, #tpu.memory_space<hbm>> -> memref<64xi32, #tpu.memory_space<hbm>>
        tpu.enqueue_dma source(%dma_start3A_151 : memref<64xi32, #tpu.memory_space<hbm>>) target(%arg14 : memref<64xi32, #tpu.memory_space<vmem>>) target_semaphore(%arg23 : memref<!tpu.dma_semaphore, #tpu.memory_space<semaphore_mem>>)
      } else {
      }
      "tpu.region"() ({
        %run_scoped3A = tpu.sem_alloc : memref<!tpu.dma_semaphore, #tpu.memory_space<semaphore_mem>>
        %dma_start3A_140 = arith.constant 0 : i32
        %dma_start3A_141 = arith.constant 0 : i32
        %dma_start3A_142 = tpu.memref_slice %arg19[%dma_start3A_140, %dma_start3A_141] : memref<10112x128xf32, #tpu.memory_space<vmem_shared>> -> memref<10112x128xf32, #tpu.memory_space<vmem_shared>>
        tpu.enqueue_indirect_dma source(%arg18 : memref<64x128xf32, #tpu.memory_space<vmem>>) target(%dma_start3A_142 : memref<10112x128xf32, #tpu.memory_space<vmem_shared>>) offsets(%arg16 : memref<64xi32, #tpu.memory_space<vmem>>) semaphore(%run_scoped3A : memref<!tpu.dma_semaphore, #tpu.memory_space<semaphore_mem>>) {add = true}
        %dma_wait3A_143 = arith.constant 0 : i32
        %dma_wait3A_144 = arith.constant 0 : i32
        %dma_wait3A_145 = tpu.memref_slice %arg19[%dma_wait3A_143, %dma_wait3A_144] : memref<10112x128xf32, #tpu.memory_space<vmem_shared>> -> memref<10112x128xf32, #tpu.memory_space<vmem_shared>>
        tpu.wait_indirect_dma semaphore(%run_scoped3A : memref<!tpu.dma_semaphore, #tpu.memory_space<semaphore_mem>>) src(%arg18 : memref<64x128xf32, #tpu.memory_space<vmem>>) dst(%dma_wait3A_145 : memref<10112x128xf32, #tpu.memory_space<vmem_shared>>)
        tpu.yield
      }) : () -> ()
      %convert_element_type3A_137 = arith.extui %lt3A_113 : i1 to i32
      %cond3A_138 = arith.constant 0 : i32
      %cond3A_139 = arith.cmpi ne, %convert_element_type3A_137, %cond3A_138 : i32
      scf.if %cond3A_139 {
        %add3A_140 = arith.constant 3 : i32
        %add3A_141 = arith.addi %add3A_110, %add3A_140 : i32
        %mul3A_142 = arith.constant 64 : i32
        %mul3A_143 = arith.muli %add3A_141, %mul3A_142 : i32
        %dma_wait3A_144 = tpu.memref_slice %arg4[%mul3A_143] : memref<320000xi32, #tpu.memory_space<hbm>> -> memref<64xi32, #tpu.memory_space<hbm>>
        %dma_wait3A_145 = tpu.memref_slice %arg4[%mul3A_143] : memref<320000xi32, #tpu.memory_space<hbm>> -> memref<64xi32, #tpu.memory_space<hbm>>
        tpu.wait_dma2 semaphore(%arg23 : memref<!tpu.dma_semaphore, #tpu.memory_space<semaphore_mem>>) src(%dma_wait3A_145 : memref<64xi32, #tpu.memory_space<hbm>>) dst(%arg13 : memref<64xi32, #tpu.memory_space<vmem>>)
        %add3A_146 = arith.constant 3 : i32
        %add3A_147 = arith.addi %add3A_110, %add3A_146 : i32
        %mul3A_148 = arith.constant 64 : i32
        %mul3A_149 = arith.muli %add3A_147, %mul3A_148 : i32
        %dma_wait3A_150 = tpu.memref_slice %arg5[%mul3A_149] : memref<320000xi32, #tpu.memory_space<hbm>> -> memref<64xi32, #tpu.memory_space<hbm>>
        %dma_wait3A_151 = tpu.memref_slice %arg5[%mul3A_149] : memref<320000xi32, #tpu.memory_space<hbm>> -> memref<64xi32, #tpu.memory_space<hbm>>
        tpu.wait_dma2 semaphore(%arg23 : memref<!tpu.dma_semaphore, #tpu.memory_space<semaphore_mem>>) src(%dma_wait3A_151 : memref<64xi32, #tpu.memory_space<hbm>>) dst(%arg14 : memref<64xi32, #tpu.memory_space<vmem>>)
        %dma_start3A_152 = arith.constant 0 : i32
        %dma_start3A_153 = arith.constant 0 : i32
        %dma_start3A_154 = tpu.memref_slice %arg2[%dma_start3A_152, %dma_start3A_153] : memref<10000x128xf32, #tpu.memory_space<hbm>> -> memref<10000x128xf32, #tpu.memory_space<hbm>>
        tpu.enqueue_indirect_dma source(%dma_start3A_154 : memref<10000x128xf32, #tpu.memory_space<hbm>>) target(%arg18 : memref<64x128xf32, #tpu.memory_space<vmem>>) offsets(%arg14 : memref<64xi32, #tpu.memory_space<vmem>>) semaphore(%arg21 : memref<!tpu.dma_semaphore, #tpu.memory_space<semaphore_mem>>)
      } else {
      }
    }
    %barrier3A_98 = arith.constant 0 : index
    tpu.barrier barrier_id(%barrier3A_98)
    %mul3A_99 = arith.constant 632 : i32
    %mul3A_100 = arith.muli %arg1, %mul3A_99 : i32
    %mul3A_101 = arith.constant 632 : i32
    %mul3A_102 = arith.muli %arg1, %mul3A_101 : i32
    "tpu.region"() ({
      %run_scoped3A = tpu.sem_alloc : memref<!tpu.dma_semaphore, #tpu.memory_space<semaphore_mem>>
      %dma_start3A_105 = arith.constant 0 : i32
      %dma_start3A_106 = tpu.memref_slice %arg6[%arg0, %mul3A_102, %dma_start3A_105] : memref<2x10112x128xf32, #tpu.memory_space<hbm>> -> memref<1x632x128xf32, #tpu.memory_space<hbm>>
      %dma_start3A_107 = tpu.memref_squeeze %dma_start3A_106 : memref<1x632x128xf32, #tpu.memory_space<hbm>> -> memref<632x128xf32, #tpu.memory_space<hbm>>
      %dma_start3A_108 = arith.constant 0 : i32
      %dma_start3A_109 = tpu.memref_slice %arg19[%mul3A_100, %dma_start3A_108] : memref<10112x128xf32, #tpu.memory_space<vmem_shared>> -> memref<632x128xf32, #tpu.memory_space<vmem_shared>>
      tpu.enqueue_dma source(%dma_start3A_109 : memref<632x128xf32, #tpu.memory_space<vmem_shared>>) target(%dma_start3A_107 : memref<632x128xf32, #tpu.memory_space<hbm>>) target_semaphore(%run_scoped3A : memref<!tpu.dma_semaphore, #tpu.memory_space<semaphore_mem>>)
      %dma_wait3A = arith.constant 0 : i32
      %dma_wait3A_110 = tpu.memref_slice %arg6[%arg0, %mul3A_102, %dma_wait3A] : memref<2x10112x128xf32, #tpu.memory_space<hbm>> -> memref<1x632x128xf32, #tpu.memory_space<hbm>>
      %dma_wait3A_111 = tpu.memref_squeeze %dma_wait3A_110 : memref<1x632x128xf32, #tpu.memory_space<hbm>> -> memref<632x128xf32, #tpu.memory_space<hbm>>
      %dma_wait3A_112 = arith.constant 0 : i32
      %dma_wait3A_113 = tpu.memref_slice %arg19[%mul3A_100, %dma_wait3A_112] : memref<10112x128xf32, #tpu.memory_space<vmem_shared>> -> memref<632x128xf32, #tpu.memory_space<vmem_shared>>
      tpu.wait_dma2 semaphore(%run_scoped3A : memref<!tpu.dma_semaphore, #tpu.memory_space<semaphore_mem>>) src(%dma_wait3A_113 : memref<632x128xf32, #tpu.memory_space<vmem_shared>>) dst(%dma_wait3A_111 : memref<632x128xf32, #tpu.memory_space<hbm>>)
      tpu.yield
    }) : () -> ()
    %mul3A_103 = arith.constant 10112 : i32
    %mul3A_104 = arith.muli %add3A, %mul3A_103 : i32
    "tpu.region"() ({
      %run_scoped3A = tpu.sem_alloc : memref<!tpu.dma_semaphore, #tpu.memory_space<semaphore_mem>>
      %dma_start3A_105 = tpu.memref_slice %arg7[%mul3A_104] : memref<323584xf32, #tpu.memory_space<hbm>> -> memref<10112xf32, #tpu.memory_space<hbm>>
      %dma_start3A_106 = tpu.memref_slice %arg7[%mul3A_104] : memref<323584xf32, #tpu.memory_space<hbm>> -> memref<10112xf32, #tpu.memory_space<hbm>>
      tpu.enqueue_dma source(%arg9 : memref<10112xf32, #tpu.memory_space<vmem>>) target(%dma_start3A_106 : memref<10112xf32, #tpu.memory_space<hbm>>) target_semaphore(%run_scoped3A : memref<!tpu.dma_semaphore, #tpu.memory_space<semaphore_mem>>)
      %dma_wait3A = tpu.memref_slice %arg7[%mul3A_104] : memref<323584xf32, #tpu.memory_space<hbm>> -> memref<10112xf32, #tpu.memory_space<hbm>>
      %dma_wait3A_107 = tpu.memref_slice %arg7[%mul3A_104] : memref<323584xf32, #tpu.memory_space<hbm>> -> memref<10112xf32, #tpu.memory_space<hbm>>
      tpu.wait_dma2 semaphore(%run_scoped3A : memref<!tpu.dma_semaphore, #tpu.memory_space<semaphore_mem>>) src(%arg9 : memref<10112xf32, #tpu.memory_space<vmem>>) dst(%dma_wait3A_107 : memref<10112xf32, #tpu.memory_space<hbm>>)
      tpu.yield
    }) : () -> ()
    return
  }
}

module attributes {stable_mosaic.version = 14 : i64} {
  func.func @_dense_body(%arg0: memref<10000x128xf32, #tpu.memory_space<vmem>>, %arg1: memref<128x128xf32, #tpu.memory_space<vmem>>, %arg2: memref<128x2xf32, #tpu.memory_space<vmem>>, %arg3: memref<10000x128xf32, #tpu.memory_space<vmem>>, %arg4: memref<2x10000xf32, #tpu.memory_space<vmem>>) attributes {dimension_semantics = [], scalar_prefetch = 0 : i64, scratch_operands = 0 : i64, tpu.core_type = #tpu.core_type<tc>} {
    %get3A = arith.constant 0 : index
    %get3A_0 = arith.constant 0 : index
    %get3A_1 = vector.load %arg0[%get3A, %get3A_0] : memref<10000x128xf32, #tpu.memory_space<vmem>>, vector<10000x128xf32>
    %get3A_2 = arith.constant 0 : index
    %get3A_3 = arith.constant 0 : index
    %get3A_4 = vector.load %arg1[%get3A_2, %get3A_3] : memref<128x128xf32, #tpu.memory_space<vmem>>, vector<128x128xf32>
    %dot_general3A = arith.constant dense<0.000000e+00> : vector<10000x128xf32>
    %dot_general3A_5 = tpu.matmul %get3A_1, %get3A_4, %dot_general3A {dimension_numbers = #tpu.dot_dimension_numbers<[1], [0], [0], [1], [0, 0, 1, 1], [], []>, transpose_lhs_hint = false} : vector<10000x128xf32>, vector<128x128xf32>, vector<10000x128xf32> -> vector<10000x128xf32>
    %swap3A = arith.constant 0 : index
    %swap3A_6 = arith.constant 0 : index
    %swap3A_7 = vector.load %arg3[%swap3A, %swap3A_6] : memref<10000x128xf32, #tpu.memory_space<vmem>>, vector<10000x128xf32>
    tpu.vector_store %arg3[%swap3A, %swap3A_6], %dot_general3A_5 {strides = array<i32>} : memref<10000x128xf32, #tpu.memory_space<vmem>>, vector<10000x128xf32>,
    %get3A_8 = arith.constant 0 : index
    %get3A_9 = arith.constant 0 : index
    %get3A_10 = vector.load %arg2[%get3A_8, %get3A_9] : memref<128x2xf32, #tpu.memory_space<vmem>>, vector<128x2xf32>
    %dot_general3A_11 = arith.constant dense<0.000000e+00> : vector<2x10000xf32>
    %dot_general3A_12 = tpu.matmul %get3A_10, %dot_general3A_5, %dot_general3A_11 {dimension_numbers = #tpu.dot_dimension_numbers<[0], [1], [1], [0], [0, 1, 1, 0], [], []>, transpose_lhs_hint = false} : vector<128x2xf32>, vector<10000x128xf32>, vector<2x10000xf32> -> vector<2x10000xf32>
    %swap3A_13 = arith.constant 0 : index
    %swap3A_14 = arith.constant 0 : index
    %swap3A_15 = vector.load %arg4[%swap3A_13, %swap3A_14] : memref<2x10000xf32, #tpu.memory_space<vmem>>, vector<2x10000xf32>
    tpu.vector_store %arg4[%swap3A_13, %swap3A_14], %dot_general3A_12 {strides = array<i32>} : memref<2x10000xf32, #tpu.memory_space<vmem>>, vector<2x10000xf32>,
    return
  }
}

module attributes {stable_mosaic.version = 14 : i64} {
  func.func @_combine_body(%arg0: memref<2x10112x128xf32, #tpu.memory_space<vmem>>, %arg1: memref<32x10112xf32, #tpu.memory_space<vmem>>, %arg2: memref<10000x128xf32, #tpu.memory_space<vmem>>) attributes {dimension_semantics = [], scalar_prefetch = 0 : i64, scratch_operands = 0 : i64, tpu.core_type = #tpu.core_type<tc>} {
    %get3A = arith.constant 0 : index
    %get3A_0 = arith.constant 0 : index
    %get3A_1 = vector.load %arg1[%get3A, %get3A_0] : memref<32x10112xf32, #tpu.memory_space<vmem>>, vector<32x10112xf32>
    %reduce_sum3A = arith.constant dense<0.000000e+00> : vector<10112xf32>
    %reduce_sum3A_2 = vector.multi_reduction <add>, %get3A_1, %reduce_sum3A [0] : vector<32x10112xf32> to vector<10112xf32>
    %slice3A = vector.extract_strided_slice %reduce_sum3A_2 {offsets = [0], sizes = [10000], strides = [1]} : vector<10112xf32> to vector<10000xf32>
    %get3A_3 = arith.constant 0 : index
    %get3A_4 = arith.constant 0 : index
    %get3A_5 = arith.constant 0 : index
    %get3A_6 = vector.load %arg0[%get3A_3, %get3A_4, %get3A_5] : memref<2x10112x128xf32, #tpu.memory_space<vmem>>, vector<1x10000x128xf32>
    %get3A_7 = vector.shape_cast %get3A_6 : vector<1x10000x128xf32> to vector<10000x128xf32>
    %get3A_8 = arith.constant 1 : index
    %get3A_9 = arith.constant 0 : index
    %get3A_10 = arith.constant 0 : index
    %get3A_11 = vector.load %arg0[%get3A_8, %get3A_9, %get3A_10] : memref<2x10112x128xf32, #tpu.memory_space<vmem>>, vector<1x10000x128xf32>
    %get3A_12 = vector.shape_cast %get3A_11 : vector<1x10000x128xf32> to vector<10000x128xf32>
    %add3A = arith.addf %get3A_7, %get3A_12 : vector<10000x128xf32>
    %broadcast_in_dim3A = vector.shape_cast %slice3A : vector<10000xf32> to vector<10000x1xf32>
    %gt3A = arith.constant 0.000000e+00 : f32
    %gt3A_13 = vector.broadcast %gt3A : f32 to vector<10000x1xf32>
    %gt3A_14 = arith.cmpf ogt, %broadcast_in_dim3A, %gt3A_13 : vector<10000x1xf32>
    %jit3A = arith.constant 1.000000e+00 : f32
    %broadcast_in_dim3A_15 = vector.broadcast %jit3A : f32 to vector<10000x1xf32>
    %select_n3A = arith.select %gt3A_14, %broadcast_in_dim3A, %broadcast_in_dim3A_15 : vector<10000x1xi1>, vector<10000x1xf32>
    %gt3A_16 = arith.constant 0.000000e+00 : f32
    %gt3A_17 = vector.broadcast %gt3A_16 : f32 to vector<10000x1xf32>
    %gt3A_18 = arith.cmpf ogt, %broadcast_in_dim3A, %gt3A_17 : vector<10000x1xf32>
    %div3A = vector.broadcast %select_n3A : vector<10000x1xf32> to vector<10000x128xf32>
    %div3A_19 = arith.divf %add3A, %div3A : vector<10000x128xf32>
    %jit3A_20 = arith.constant 0.000000e+00 : f32
    %broadcast_in_dim3A_21 = vector.shape_cast %gt3A_18 : vector<10000x1xi1> to vector<10000x1xi1>
    %broadcast_in_dim3A_22 = vector.broadcast %broadcast_in_dim3A_21 : vector<10000x1xi1> to vector<10000x128xi1>
    %broadcast_in_dim3A_23 = vector.broadcast %jit3A_20 : f32 to vector<10000x128xf32>
    %select_n3A_24 = arith.select %broadcast_in_dim3A_22, %div3A_19, %broadcast_in_dim3A_23 : vector<10000x128xi1>, vector<10000x128xf32>
    %gt3A_25 = arith.constant 0.000000e+00 : f32
    %gt3A_26 = vector.broadcast %gt3A_25 : f32 to vector<10000x128xf32>
    %gt3A_27 = arith.cmpf ogt, %select_n3A_24, %gt3A_26 : vector<10000x128xf32>
    %min3A = arith.constant 0.000000e+00 : f32
    %min3A_28 = vector.broadcast %min3A : f32 to vector<10000x128xf32>
    %min3A_29 = arith.minimumf %select_n3A_24, %min3A_28 : vector<10000x128xf32>
    %exp3A = math.exp %min3A_29 : vector<10000x128xf32>
    %sub3A = arith.constant 1.000000e+00 : f32
    %sub3A_30 = vector.broadcast %sub3A : f32 to vector<10000x128xf32>
    %sub3A_31 = arith.subf %exp3A, %sub3A_30 : vector<10000x128xf32>
    %select_n3A_32 = arith.select %gt3A_27, %select_n3A_24, %sub3A_31 : vector<10000x128xi1>, vector<10000x128xf32>
    %swap3A = arith.constant 0 : index
    %swap3A_33 = arith.constant 0 : index
    %swap3A_34 = vector.load %arg2[%swap3A, %swap3A_33] : memref<10000x128xf32, #tpu.memory_space<vmem>>, vector<10000x128xf32>
    tpu.vector_store %arg2[%swap3A, %swap3A_33], %select_n3A_32 {strides = array<i32>} : memref<10000x128xf32, #tpu.memory_space<vmem>>, vector<10000x128xf32>,
    return
  }
}

</mosaic_0001>

<sc_bundles>
// kernel: kernel.5.cloned.1.call-start
scs
__scs_entry_jumppad:
0x0: {  	(pc) =	sbr.rel $0x88, $3  }
0x1: {  	(tag) =	ssettag $0x0;
	lr =	simm.s32 $0x1  }
0x2: {  	[smem:$0x3F9D] =	sst lr;
	_ =	strace $0xD0000000  }
0x3: {  	_ = 	snop  }
0x4: {  	_ = 	snop  }
0x5: {  	_ = 	snop  }
0x6: {  	_ = 	snop  }
0x7: {  	_ = 	snop  }
__scs_overlays_trampoline_lowered:
0x8: {  	[smem:$0x3FAC] =	sst s0  }
0x9: {  	[smem:$0x3FAD] =	sst s1  }
0xa: {  	[smem:$0x3FAE] =	sst s2  }
0xb: {  	[smem:$0x3FAF] =	sst s3  }
0xc: {  	[smem:$0x3FB0] =	sst s4  }
0xd: {  	[smem:$0x3FB1] =	sst s5  }
0xe: {  	[smem:$0x3FB2] =	sst s6  }
0xf: {  	[smem:$0x3FB3] =	sst s7  }
0x10: {  	[smem:$0x3FB4] =	sst s8  }
0x11: {  	[smem:$0x3FB5] =	sst s9;
	s0 =	simm.s32 @!p0 $0x0  }
0x12: {  	s1 =	sld [smem:$0x3F9B];
	s0 =	simm.s32 @p0 $0x1  }
0x13: {  	[smem:$0x3FB6] =	sst s0;
	s0 =	simm.s32 @!p1 $0x0  }
0x14: {  	s2 =	sld [smem:$0x3F9A];
	s0 =	simm.s32 @p1 $0x1  }
0x15: {  	[smem:$0x3FB7] =	sst s0;
	s0 =	simm.s32 @!p2 $0x0  }
0x16: {  	s3 =	sld [smem:$0x3FDB];
	s0 =	simm.s32 @p2 $0x1  }
0x17: {  	s4 =	simm.s32 $0x1BF5;
	[smem:$0x3FB9] =	sst s0  }
0x18: {  	s0 =	sld [smem:$0x3F9C];
	_ =	swait.ge [sflag:s4], $0x0  }
0x19: {  	s7 =	sld [smem:$0x3F9D]  }
0x1a: {  	s8 =	sadd.s32 $0xFFFFE003, lr  }
0x1b: {  	s9 =	sadd.s32 $0xFFFFFEF7, lr;
	s5 =	simm.s32 $0xFFFFFFFF;
	p2 =	slt.u32 s8, $0xFFFFF086  }
0x1c: {  	p1 =	slt.u32 s9, $0xF7A;
	s5 =	simm.s32 @!p2 $0x0  }
0x1d: {  	s5 =	simm.s32 @p1 $0x1;
	p0 =	seq.s32 s7, s2  }
0x1e: {  	s7 =	smul.u32 @!p0 $0xF7A, s2;
	p2 =	seq.s32 @!p0 s5, $0x0  }
0x1f: {  	s9 =	smul.u32 $0xF7A, s1;
	s8 =	simm.s32 @!p0 $0x1BF5;
	p2 =	por !p2, p0  }
0x20: {  	[sflag:s8] =	ssyncset.s32 @!p0 $0xFFFFF086;
	s6 =	sadd.s32 @!p0 s3, s7;
	s7 =	simm.s32 @!p0 $0x108  }
0x21: {  	s3 =	sadd.s32 s3, s9;
	s6 =	sadd.s32 @!p0 $0x88, s6;
	s7 =	simm.s32 @p2 $0x1082  }
0x22: {  	[simem:s7], [sflag:s8] =	dma.local @!p0 [hbm:s6], $0xF7A  }
0x23: {  	s9 =	sor.u32 $0xD0000000, s2;
	s6 =	simm.s32 $0x108;
	_ =	swait.ge @!p0 [sflag:s8], $0x0  }
0x24: {  	s3 =	sadd.s32 $0x88, s3;
	s6 =	simm.s32 @!p1 $0x1082;
	[sflag:s4] =	ssyncset.s32 $0xFFFFF086  }
0x25: {  	[simem:s6], [sflag:s4] =	dma.local [hbm:s3], $0xF7A  }
0x26: {  	[smem:$0x3F9D] =	sst s1;
	(tag) =	ssettag s2;
	_ =	strace s9  }
0x27: {  	s1 =	sld [smem:$0x3FAD]  }
0x28: {  	s2 =	sld [smem:$0x3FAE]  }
0x29: {  	s4 =	sld [smem:$0x3FB0]  }
0x2a: {  	p0 =	seq.s32 s5, $0x0;
	s5 =	sld [smem:$0x3FB1]  }
0x2b: {  	s6 =	sld [smem:$0x3FB2]  }
0x2c: {  	s7 =	sld [smem:$0x3FB3]  }
0x2d: {  	s3 =	simm.s32 $0x108;
	s8 =	sld [smem:$0x3FB4]  }
0x2e: {  	s3 =	simm.s32 @!p0 $0x1082;
	s9 =	sld [smem:$0x3FB5]  }
0x2f: {  	lr =	sadd.s32 s0, s3;
	s0 =	sld [smem:$0x3FAC]  }
0x30: {  	s3 =	sld [smem:$0x3FAF]  }
0x31: {  	[smem:$0x3FB8] =	sst s10  }
0x32: {  	s10 =	sld [smem:$0x3FB6];
	_ =	sdelay $0x3  }
0x33: {  	p0 =	seq.s32 s10, $0x1;
	s10 =	sld [smem:$0x3FB8];
	_ =	sdelay $0x3  }
0x34: {  	[smem:$0x3FB8] =	sst s10  }
0x35: {  	s10 =	sld [smem:$0x3FB7];
	_ =	sdelay $0x3  }
0x36: {  	p1 =	seq.s32 s10, $0x1;
	s10 =	sld [smem:$0x3FB8];
	_ =	sdelay $0x3  }
0x37: {  	[smem:$0x3FB8] =	sst s10  }
0x38: {  	s10 =	sld [smem:$0x3FB9]  }
0x39: {  	_ = 	snop;
	(pc) =	sbr.ind lr, $3  }
0x3a: {  	_ = 	snop  }
0x3b: {  	_ = 	snop  }
0x3c: {  	p2 =	seq.s32 s10, $0x1;
	s10 =	sld [smem:$0x3FB8]  }
0x3d: {  	_ =	shalt  }
0x3e: {  	_ =	shalt  }
0x3f: {  	_ =	shalt  }
0x40: {  	_ =	shalt  }
0x41: {  	_ =	shalt  }
0x42: {  	_ =	shalt  }
0x43: {  	_ =	shalt  }
0x44: {  	_ =	shalt  }
0x45: {  	_ =	shalt  }
0x46: {  	_ =	shalt  }
0x47: {  	_ =	shalt  }
0x48: {  	_ =	shalt  }
0x49: {  	_ =	shalt  }
0x4a: {  	_ =	shalt  }
0x4b: {  	_ =	shalt  }
0x4c: {  	_ =	shalt  }
0x4d: {  	_ =	shalt  }
0x4e: {  	_ =	shalt  }
0x4f: {  	_ =	shalt  }
0x50: {  	_ =	shalt  }
0x51: {  	_ =	shalt  }
0x52: {  	_ =	shalt  }
0x53: {  	_ =	shalt  }
0x54: {  	_ =	shalt  }
0x55: {  	_ =	shalt  }
0x56: {  	_ =	shalt  }
0x57: {  	_ =	shalt  }
0x58: {  	_ =	shalt  }
0x59: {  	_ =	shalt  }
0x5a: {  	_ =	shalt  }
0x5b: {  	_ =	shalt  }
0x5c: {  	_ =	shalt  }
0x5d: {  	_ =	shalt  }
0x5e: {  	_ =	shalt  }
0x5f: {  	_ =	shalt  }
0x60: {  	_ =	shalt  }
0x61: {  	_ =	shalt  }
0x62: {  	_ =	shalt  }
0x63: {  	_ =	shalt  }
0x64: {  	_ =	shalt  }
0x65: {  	_ =	shalt  }
0x66: {  	_ =	shalt  }
0x67: {  	_ =	shalt  }
0x68: {  	_ =	shalt  }
0x69: {  	_ =	shalt  }
0x6a: {  	_ =	shalt  }
0x6b: {  	_ =	shalt  }
0x6c: {  	_ =	shalt  }
0x6d: {  	_ =	shalt  }
0x6e: {  	_ =	shalt  }
0x6f: {  	_ =	shalt  }
0x70: {  	_ =	shalt  }
0x71: {  	_ =	shalt  }
0x72: {  	_ =	shalt  }
0x73: {  	_ =	shalt  }
0x74: {  	_ =	shalt  }
0x75: {  	_ =	shalt  }
0x76: {  	_ =	shalt  }
0x77: {  	_ =	shalt  }
0x78: {  	_ =	shalt  }
0x79: {  	_ =	shalt  }
0x7a: {  	_ =	shalt  }
0x7b: {  	_ =	shalt  }
0x7c: {  	_ =	shalt  }
0x7d: {  	_ =	shalt  }
0x7e: {  	_ =	shalt  }
0x7f: {  	_ =	shalt  }
0x80: {  	_ =	shalt  }
0x81: {  	_ =	shalt  }
0x82: {  	_ =	shalt  }
0x83: {  	_ =	shalt  }
0x84: {  	_ =	shalt  }
0x85: {  	_ =	shalt  }
0x86: {  	_ =	shalt  }
0x87: {  	_ =	shalt  }
.Lfunc_end0:
.L_simem_size_0:
called_computation_lowered:
.L_overlay_start_0:
0x88: {  	s2 =	sld [smem:$0x3FD9]  }
0x89: {  	s3 =	sld [smem:$0x3FFE];
	_ =	sdelay $0x1  }
0x8a: {  	s1 =	srdreg.scid  }
0x8b: {  	s0 =	sand.u32 $0x1, s1  }
0x8c: {  	s17 =	sshll.u32 s0, $0xA;
	s2 =	sadd.s32 s3, s2  }
0x8d: {  	s2 =	sadd.s32 s2, s17  }
0x8e: {  	[smem:$0x3FC4] =	sst s2  }
0x8f: {  	_ = 	snop  }
0x90: {  	s2 =	sld [smem:$0x3FD0];
	(tm) =	ssettm $0x1  }
0x91: {  	s18 =	sld [smem:$0x3FFB];
	_ =	sdelay $0x3  }
0x92: {  	_ =	strace s18  }
0x93: {  	s3 =	sld [smem:$0x3FFC];
	_ =	sdelay $0x3  }
0x94: {  	_ =	strace s3  }
0x95: {  	s3 =	sld [smem:$0x3FFD];
	_ =	sdelay $0x3  }
0x96: {  	_ =	strace s3  }
0x97: {  	_ =	strace $0x8FFFFFFF  }
0x98: {  	s19 =	sld [smem:$0x3FDB];
	_ =	sdelay $0x1  }
0x99: {  	s4 =	simm.s32 $_scs_section_size  }
0x9a: {  	s5 =	simm.s32 $_size__tile_overlayer_lowered;
	s6 =	simm.s32 $_tile_overlayer_lowered  }
0x9b: {  	s22 =	simm.s32 $0x1BFF;
	s21 =	sshll.u32 s6, $0x1;
	s3 =	sadd.s32 s4, s19  }
0x9c: {  	s7 =	simm.s32 $0x0;
	s20 =	sshll.u32 s5, $0x1;
	s5 =	sadd.s32 s21, s3  }
0x9d: {  	[timem:s7], [sflag:s22] =	dma.local [hbm:s5], s20  }
0x9e: {  	_ =	swait.ge [sflag:s22], s20  }
0x9f: {  	s4 =	ssub.s32 $0x0, s20;
	[sflag:s22] =	ssyncset.done $0x0  }
0xa0: {  	[sflag:s22] =	ssyncadd.s32 s4;
	_ =	sdelay $0x1  }
0xa1: {  	s23 =	simm.s32 $0x1B8B  }
0xa2: {  	_ =	swait.ge [sflag:s23], $0x1  }
0xa3: {  	[sflag:s23] =	ssyncset.done $0x0  }
0xa4: {  	s25 =	simm.s32 $0x1B8E;
	s24 =	sld [smem:$0x3FFE];
	[sflag:s23] =	ssyncadd.s32 $0xFFFFFFFF  }
0xa5: {  	s26 =	simm.s32 $execute0_lowered;
	[smem:$0x3FD2] =	sst s25  }
0xa6: {  	s5 =	sshll.u32 s26, $0x1;
	_ =	strace $0x80000046;
	[dreg:$0x1] =	wrdreg $0xFFFFFFFF  }
0xa7: {  	s28 =	simm.s32 $_size_execute0_lowered;
	s3 =	sadd.s32 s3, s5;
	[dreg:$0x0] =	wrdreg $0x0  }
0xa8: {  	s5 =	sshll.u32 s28, $0x1;
	[dreg:$0x2] =	wrdreg s3  }
0xa9: {  	[dreg:$0x3] =	wrdreg s5  }
0xaa: {  	[dreg:$0x4] =	wrdreg $0xC0  }
0xab: {  	_ =	task [dreg:s7], $0x5FFFF  }
0xac: {  	[dreg:$0x1] =	wrdreg $0xFFFFFFFF  }
0xad: {  	[dreg:$0x0] =	wrdreg $0x60  }
0xae: {  	[dreg:$0x2] =	wrdreg s2  }
0xaf: {  	[dreg:$0x3] =	wrdreg s24  }
0xb0: {  	[dreg:$0x4] =	wrdreg $0xBA000  }
0xb1: {  	[dreg:$0x5] =	wrdreg $0x9  }
0xb2: {  	_ =	task.clear_ibuf [dreg:s7], $0x6FFFF;
	_ =	strace $0x90000046  }
0xb3: {  	s29 =	simm.s32 $0x9;
	_ =	strace $0x80000048  }
0xb4: {  	_ =	swait.ge [sflag:s29], $0x1  }
0xb5: {  	[sflag:s29] =	ssyncadd.s32 $0xFFFFFFFF  }
0xb6: {  	_ =	strace $0x90000048  }
0xb7: {  	_ =	sfence  }
0xb8: {  	s30 =	sld [smem:$0x0];
	_ =	sdelay $0x2  }
0xb9: {  	s31 =	sshll.u32 s1, $0xD;
	s1 =	sshrl.u32 s1, $0x2  }
0xba: {  	s3 =	sand.u32 $0x4000, s31;
	s1 =	sadd.s32 s1, s30  }
0xbb: {  	s0 =	sor.u32 s3, s0;
	s1 =	sshll.u32 s1, $0x11  }
0xbc: {  	s0 =	sor.u32 s1, s0  }
0xbd: {  	s0 =	sadd.s32 $0x8F2B, s0  }
0xbe: {  	[sflag:s0] =	ssyncadd.remote.s32 $0x1  }
0xbf: {  	_ =	sfence.sel $0xFFFF  }
0xc0: {  	[dreg:$0x0] =	wrdreg $0xFFFFFFFF;
	(pc) =	sbr.abs _section_cstart, $3  }
0xc1: {  	[dreg:$0x1] =	wrdreg $0xFFFFFFFF  }
0xc2: {  	_ =	task.clear_ibuf [dreg:s7], $0x2FFFF;
	_ =	strace $0x9FFFFFFF  }
0xc3: {  	(tm) =	ssettm $0x7FFFFFFF  }
tec
execute0_lowered:
.L_overlay_start_1:
0x0: {  	(tag) =	ssettag $0x1  }
0x1: {  	s1 =	rddreg [dreg:$0x0]  }
0x2: {  	s0 =	rddreg [dreg:$0x1]  }
0x3: {  	s2 =	rddreg [dreg:$0x2];
	s3 =	srdreg.scid  }
0x4: {  	s5 =	simm.s32 $0x0;
	s10 =	stileid.u32;
	s11 =	simm.s32 $0x4F  }
0x5: {  	s31 =	simm.s32 $0x2;
	s3 =	sand.u32 $0x1, s3;
	s12 =	smul.u32 $0x13C00, s10  }
0x6: {  	[smem:$0x7FF] =	sst s5;
	s6 =	sshll.u32 s10, $0x1;
	s9 =	smul.u32 $0x4F000, s10  }
0x7: {  	s7 =	sadd.s32 $0x14A00, s0;
	p0 =	slt.u32 s10, $0x2;
	s4 =	smul.u32 $0x13C000, s3  }
0x8: {  	_ =	strace $0x80000047;
	[dreg:$0x4] =	wrdreg s7;
	s13 =	sor.u32 s3, s6  }
0x9: {  	s6 =	sadd.s32 $0xAC00, s0;
	s7 =	sadd.s32 $0xE00, s0;
	s3 =	ssub.s32 $0x2, s3  }
0xa: {  	s11 =	simm.s32 @!p0 $0x4E;
	s8 =	smul.u32 $0x4F0, s13;
	s16 =	sshrl.u32 s9, $0x2  }
0xb: {  	s14 =	sshrl.u32 s3, $0x1;
	[dreg:$0xf] =	wrdreg s11;
	s10 =	sadd.s32 s16, s2  }
0xc: {  	s15 =	smul.u32 $0x4E, s13;
	s17 =	sadd.s32 $0x2000, s10;
	[dreg:$0x5] =	wrdreg s10  }
0xd: {  	s5 =	smin.u32 s13, $0x4;
	s18 =	sadd.s32 $0x4000, s10;
	[dreg:$0x6] =	wrdreg s17  }
0xe: {  	s9 =	simm.s32 $0x4E;
	s19 =	sadd.s32 $0x6000, s10;
	[dreg:$0x7] =	wrdreg s18  }
0xf: {  	s4 =	sadd.s32 s12, s4;
	s20 =	sadd.s32 $0x8000, s10;
	[dreg:$0x8] =	wrdreg s19  }
0x10: {  	s3 =	ssub.s32 s3, s14;
	s21 =	sadd.s32 $0xA000, s10;
	[dreg:$0x9] =	wrdreg s20  }
0x11: {  	s9 =	simm.s32 @!p0 $0x4D;
	s22 =	sadd.s32 $0xC000, s10;
	[dreg:$0xa] =	wrdreg s21  }
0x12: {  	s12 =	simm.s32 $0x5;
	s23 =	sadd.s32 $0xE000, s10;
	[dreg:$0xb] =	wrdreg s22  }
0x13: {  	s5 =	sadd.s32 s5, s15;
	s28 =	smax.u32 s3, $0x1;
	[dreg:$0xc] =	wrdreg s23  }
0x14: {  	s29 =	sadd.s32 $0x10000, s10;
	s30 =	sadd.s32 $0x12000, s10;
	[dreg:$0x14] =	wrdreg s28  }
0x15: {  	s20 =	smov.u32 s5;
	s5 =	sshll.u32 s5, $0x4;
	[dreg:$0x15] =	wrdreg s29  }
0x16: {  	s4 =	sshrl.u32 s4, $0x3;
	[dreg:$0x16] =	wrdreg s30;
	s24 =	sadd.s32 s6, s5  }
0x17: {  	s4 =	sadd.s32 s4, s0;
	s25 =	sadd.s32 s7, s5;
	[dreg:$0xd] =	wrdreg s24  }
0x18: {  	s0 =	sadd.s32 s8, s0;
	s4 =	sadd.s32 $0x1F200, s4;
	[dreg:$0xe] =	wrdreg s25  }
0x19: {  	s5 =	sor.u32 $0x8, s5;
	s0 =	sadd.s32 $0x15400, s0;
	[dreg:$0x12] =	wrdreg s4  }
0x1a: {  	s3 =	simm.s32 $0x1;
	s26 =	sadd.s32 s6, s5;
	[dreg:$0x13] =	wrdreg s0  }
0x1b: {  	s8 =	simm.s32 $0x0;
	s5 =	sadd.s32 s7, s5;
	[dreg:$0x10] =	wrdreg s26  }
0x1c: {  	v0 =	vimm.f32 $0.0e+00;
	s0 =	simm.s32 $0x7680;
	[dreg:$0x11] =	wrdreg s5;
	s5 =	simm.s32 $0x4F00  }
.LBB2_1:
0x1d: {  	[dreg:$0x17] =	wrdreg s8;
	s4 =	simm.s32 $0x0  }
.LBB2_2:
0x1e: {  	p0 =	sne.s32 s4, $0x9DC0  }
.Ltmp0:
0x1f: {  	_ = 	snop;
	(pc) =	sbr.rel @p0 .LBB2_2-.Ltmp0, $3  }
0x20: {  	_ =	sdelay $0x1  }
0x21: {  	s8 =	sshra.s32 s4, $0x2  }
0x22: {  	s4 =	sadd.s32 $0x40, s4;
	[tilespmem:s8+$0x4F00] =	vst v0  }
0x23: {  	s4 =	simm.s32 $0x0;
	s8 =	simm.s32 $0x200  }
.LBB2_4:
0x24: {  	p0 =	sne.s32 s8, $0x7E00;
	[tilespmem:s4+$0x7A70] =	vst v0  }
0x25: {  	[tilespmem:s4+$0x7A00] =	vst v0  }
0x26: {  	[tilespmem:s4+$0x7A10] =	vst v0  }
.Ltmp1:
0x27: {  	[tilespmem:s4+$0x7A20] =	vst v0;
	(pc) =	sbr.rel @p0 .LBB2_4-.Ltmp1, $4  }
0x28: {  	[tilespmem:s4+$0x7A30] =	vst v0  }
0x29: {  	[tilespmem:s4+$0x7A40] =	vst v0  }
0x2a: {  	[tilespmem:s4+$0x7A50] =	vst v0  }
0x2b: {  	[tilespmem:s4+$0x7A60] =	vst v0;
	s4 =	sshra.s32 s8, $0x2;
	s8 =	sadd.s32 $0x200, s8  }
0x2c: {  	[tilespmem:s4+$0x7A70] =	vst v0  }
0x2d: {  	[tilespmem:s4+$0x7A00] =	vst v0  }
0x2e: {  	[tilespmem:s4+$0x7A10] =	vst v0  }
0x2f: {  	[tilespmem:s4+$0x7A20] =	vst v0  }
0x30: {  	[tilespmem:s4+$0x7A30] =	vst v0  }
0x31: {  	[tilespmem:s4+$0x7A40] =	vst v0  }
0x32: {  	[tilespmem:s4+$0x7A50] =	vst v0  }
0x33: {  	[tilespmem:s4+$0x7A60] =	vst v0;
	s8 =	simm.s32 $0x7A00  }
0x34: {  	[spmem:s10] =	stream.linear.scatter [tilespmem:s8], [sflag:$0x5], $0x2000, $0x38;
	[tilespmem:$0x1F600] =	vst v63  }
0x35: {  	_ =	swait.ge [sflag:s12], $0x2000  }
0x36: {  	[sflag:s12] =	ssyncset.done $0x0  }
0x37: {  	s30 =	rddreg [dreg:$0x6];
	[sflag:s12] =	ssyncadd.s32 $0xFFFFE000  }
0x38: {  	[spmem:s30] =	stream.linear.scatter [tilespmem:s8], [sflag:$0x5], $0x2000, $0x38;
	[tilespmem:$0x1F600] =	vst v63  }
0x39: {  	_ =	swait.ge [sflag:s12], $0x2000  }
0x3a: {  	[sflag:s12] =	ssyncset.done $0x0  }
0x3b: {  	s10 =	rddreg [dreg:$0x7];
	[sflag:s12] =	ssyncadd.s32 $0xFFFFE000  }
0x3c: {  	[spmem:s10] =	stream.linear.scatter [tilespmem:s8], [sflag:$0x5], $0x2000, $0x38;
	[tilespmem:$0x1F600] =	vst v63  }
0x3d: {  	_ =	swait.ge [sflag:s12], $0x2000  }
0x3e: {  	[sflag:s12] =	ssyncset.done $0x0  }
0x3f: {  	s11 =	rddreg [dreg:$0x8];
	[sflag:s12] =	ssyncadd.s32 $0xFFFFE000  }
0x40: {  	[spmem:s11] =	stream.linear.scatter [tilespmem:s8], [sflag:$0x5], $0x2000, $0x38;
	[tilespmem:$0x1F600] =	vst v63  }
0x41: {  	_ =	swait.ge [sflag:s12], $0x2000  }
0x42: {  	[sflag:s12] =	ssyncset.done $0x0  }
0x43: {  	s13 =	rddreg [dreg:$0x9];
	[sflag:s12] =	ssyncadd.s32 $0xFFFFE000  }
0x44: {  	[spmem:s13] =	stream.linear.scatter [tilespmem:s8], [sflag:$0x5], $0x2000, $0x38;
	[tilespmem:$0x1F600] =	vst v63  }
0x45: {  	_ =	swait.ge [sflag:s12], $0x2000  }
0x46: {  	[sflag:s12] =	ssyncset.done $0x0  }
0x47: {  	s14 =	rddreg [dreg:$0xa];
	[sflag:s12] =	ssyncadd.s32 $0xFFFFE000  }
0x48: {  	[spmem:s14] =	stream.linear.scatter [tilespmem:s8], [sflag:$0x5], $0x2000, $0x38;
	[tilespmem:$0x1F600] =	vst v63  }
0x49: {  	_ =	swait.ge [sflag:s12], $0x2000  }
0x4a: {  	[sflag:s12] =	ssyncset.done $0x0  }
0x4b: {  	s15 =	rddreg [dreg:$0xb];
	[sflag:s12] =	ssyncadd.s32 $0xFFFFE000  }
0x4c: {  	[spmem:s15] =	stream.linear.scatter [tilespmem:s8], [sflag:$0x5], $0x2000, $0x38;
	[tilespmem:$0x1F600] =	vst v63  }
0x4d: {  	_ =	swait.ge [sflag:s12], $0x2000  }
0x4e: {  	[sflag:s12] =	ssyncset.done $0x0  }
0x4f: {  	s16 =	rddreg [dreg:$0xc];
	[sflag:s12] =	ssyncadd.s32 $0xFFFFE000  }
0x50: {  	[spmem:s16] =	stream.linear.scatter [tilespmem:s8], [sflag:$0x5], $0x2000, $0x38;
	[tilespmem:$0x1F600] =	vst v63  }
0x51: {  	_ =	swait.ge [sflag:s12], $0x2000  }
0x52: {  	[sflag:s12] =	ssyncset.done $0x0  }
0x53: {  	s17 =	rddreg [dreg:$0x15];
	[sflag:s12] =	ssyncadd.s32 $0xFFFFE000  }
0x54: {  	[spmem:s17] =	stream.linear.scatter [tilespmem:s8], [sflag:$0x5], $0x2000, $0x38;
	[tilespmem:$0x1F600] =	vst v63  }
0x55: {  	_ =	swait.ge [sflag:s12], $0x2000  }
0x56: {  	[sflag:s12] =	ssyncset.done $0x0  }
0x57: {  	s18 =	rddreg [dreg:$0x16];
	[sflag:s12] =	ssyncadd.s32 $0xFFFFE000  }
0x58: {  	[spmem:s18] =	stream.linear.scatter [tilespmem:s8], [sflag:$0x5], $0x1C00, $0x38;
	[tilespmem:$0x1F600] =	vst v63  }
0x59: {  	_ =	swait.ge [sflag:s12], $0x1C00  }
0x5a: {  	[sflag:s12] =	ssyncset.done $0x0  }
0x5b: {  	s11 =	simm.s32 $0x0;
	s19 =	rddreg [dreg:$0x4];
	[sflag:s12] =	ssyncadd.s32 $0xFFFFE400  }
0x5c: {  	[tilespmem:s11], [sflag:$0x5] =	stream.linear.gather [hbm4b:s19+s11], $0x4F00, $0x38;
	[tilespmem:$0x1F600] =	vst v63  }
0x5d: {  	_ =	swait.ge [sflag:s12], $0x4F00  }
0x5e: {  	[sflag:s12] =	ssyncset.done $0x0  }
0x5f: {  	s22 =	simm.s32 $0x7700;
	s21 =	rddreg [dreg:$0xd];
	[sflag:s12] =	ssyncadd.s32 $0xFFFFB100  }
0x60: {  	[tilespmem:s22], [sflag:$0x5] =	stream.linear.gather [hbm4b:s21+s11], $0x40, $0x38;
	[tilespmem:$0x1F600] =	vst v63  }
0x61: {  	_ =	swait.ge [sflag:s12], $0x40  }
0x62: {  	[sflag:s12] =	ssyncset.done $0x0  }
0x63: {  	s24 =	simm.s32 $0x7780;
	s23 =	rddreg [dreg:$0xe];
	[sflag:s12] =	ssyncadd.s32 $0xFFFFFFC0  }
0x64: {  	[tilespmem:s24], [sflag:$0x5] =	stream.linear.gather [hbm4b:s23+s11], $0x40, $0x38;
	[tilespmem:$0x1F600] =	vst v63  }
0x65: {  	_ =	swait.ge [sflag:s12], $0x40  }
0x66: {  	[sflag:s12] =	ssyncset.done $0x0  }
0x67: {  	s13 =	simm.s32 $0x7800;
	s25 =	rddreg [dreg:$0x10];
	[sflag:s12] =	ssyncadd.s32 $0xFFFFFFC0  }
0x68: {  	[tilespmem:s13], [sflag:$0x5] =	stream.linear.gather [hbm4b:s25+s11], $0x40, $0x38;
	[tilespmem:$0x1F600] =	vst v63  }
0x69: {  	_ =	swait.ge [sflag:s12], $0x40  }
0x6a: {  	[sflag:s12] =	ssyncset.done $0x0  }
0x6b: {  	s28 =	simm.s32 $0x7880;
	s26 =	rddreg [dreg:$0x11];
	[sflag:s12] =	ssyncadd.s32 $0xFFFFFFC0  }
0x6c: {  	[tilespmem:s28], [sflag:$0x5] =	stream.linear.gather [hbm4b:s26+s11], $0x40, $0x38;
	[tilespmem:$0x1F600] =	vst v63  }
0x6d: {  	_ =	swait.ge [sflag:s12], $0x40  }
0x6e: {  	[sflag:s12] =	ssyncset.done $0x0  }
0x6f: {  	s29 =	simm.s32 $0x40;
	[sflag:s12] =	ssyncadd.s32 $0xFFFFFFC0  }
0x70: {  	[tilespmem:s8], [sflag:$0x1] =	stream.indirect.gather [hbm4b:s1+s29], $0x80, s24, s29, $0xb8;
	[tilespmem:$0x1F600] =	vst v63  }
0x71: {  	s30 =	simm.s32 $0x9A00  }
0x72: {  	[tilespmem:s30], [sflag:$0x2] =	stream.indirect.gather [hbm4b:s1+s29], $0x80, s28, s29, $0xb8;
	[tilespmem:$0x1F600] =	vst v63  }
0x73: {  	s12 =	simm.s32 $0x0;
	[bflag:$0x0] =	sbarrier.arrive $0xFFFF  }
.LBB2_6:
0x74: {  	_ =	swait.ge [sflag:s3], $0x2000  }
0x75: {  	[sflag:s3] =	ssyncset.done $0x0  }
0x76: {  	[sflag:s3] =	ssyncadd.s32 $0xFFFFE000  }
0x77: {  	v1 =	vld [tilespmem:$0x7780]  }
0x78: {  	v2 =	vld [tilespmem:$0x7700]  }
0x79: {  	v3 =	vld [tilespmem:$0x7710]  }
0x7a: {  	v4 =	vld [tilespmem:$0x7790]  }
0x7b: {  	v7 =	vld [tilespmem:$0x77A0]  }
0x7c: {  	v62 =	vld [tilespmem:$0x7720];
	_ =	sdelay $0x1  }
0x7d: {  	v12 =	vld [tilespmem:$0x77B0];
	v5 =	vshll.u32 v1, $0x1;
	v6 =	vshll.u32 v2, $0x1  }
0x7e: {  	v1 =	vand.u32 $0x7F, v1;
	v8 =	vand.u32 $0x7F, v2;
	v63 =	vand.u32 $0x7F, v3  }
0x7f: {  	v9 =	vshll.u32 v3, $0x1;
	v10 =	vshll.u32 v4, $0x1;
	v4 =	vand.u32 $0x7F, v4  }
0x80: {  	v16 =	vshll.u32 v7, $0x1;
	v17 =	vshll.u32 v62, $0x1;
	v7 =	vand.u32 $0x7F, v7  }
0x81: {  	v13 =	vand.u32 $0x7F, v62;
	v5 =	vand.u32 $0xFFFFFF00, v5;
	v6 =	vand.u32 $0xFFFFFF00, v6  }
0x82: {  	v11 =	vld [tilespmem:$0x7730];
	v14 =	vshll.u32 v12, $0x1;
	v1 =	vor.u32 v5, v1;
	v6 =	vor.u32 v8, v6  }
0x83: {  	v9 =	vand.u32 $0xFFFFFF00, v9;
	v10 =	vand.u32 $0xFFFFFF00, v10;
	v1 =	vor.u32 $0x80, v1  }
0x84: {  	v12 =	vand.u32 $0x7F, v12;
	v8 =	vor.u32 v63, v9;
	v4 =	vor.u32 v10, v4  }
0x85: {  	v9 =	vand.u32 $0xFFFFFF00, v16;
	v10 =	vand.u32 $0xFFFFFF00, v17;
	v4 =	vor.u32 $0x80, v4  }
0x86: {  	[tilespmem:$0x7900] =	vst v2;
	v14 =	vand.u32 $0xFFFFFF00, v14;
	v7 =	vor.u32 v9, v7;
	v18 =	vor.u32 v13, v10  }
0x87: {  	v20 =	vshll.u32 v11, $0x1;
	v12 =	vor.u32 v14, v12;
	v7 =	vor.u32 $0x80, v7;
	v6 =	vld.idx.msk [tilespmem:v6+s11+$0x0], $0xffff  }
0x88: {  	v19 =	vand.u32 $0x7F, v11;
	[tilespmem:$0x7910] =	vst v3;
	v13 =	vand.u32 $0xFFFFFF00, v20;
	v12 =	vor.u32 $0x80, v12;
	v1 =	vld.idx.msk [tilespmem:v1+s11+$0x0], $0xffff  }
0x89: {  	v10 =	vor.u32 v19, v13;
	v8 =	vld.idx.msk [tilespmem:v8+s11+$0x0], $0xffff  }
0x8a: {  	[tilespmem:$0x7920] =	vst v62;
	v4 =	vld.idx.msk [tilespmem:v4+s11+$0x0], $0xffff  }
0x8b: {  	v9 =	vld.idx.msk [tilespmem:v18+s11+$0x0], $0xffff  }
0x8c: {  	[tilespmem:$0x7930] =	vst v11;
	v7 =	vld.idx.msk [tilespmem:v7+s11+$0x0], $0xffff  }
0x8d: {  	v22 =	vld.idx.msk [tilespmem:v12+s11+$0x0], $0xffff;
	v1 =	vadd.f32 v1, v6  }
0x8e: {  	v21 =	vld.idx.msk [tilespmem:v10+s11+$0x0], $0xffff  }
0x8f: {  	v4 =	vadd.f32 v4, v8;
	v23 =	vmul.f32 $2.000000030e-01, v1  }
0x90: {  	vm0 =	vge.f32 v1, $0.0e+00  }
0x91: {  	v7 =	vadd.f32 v7, v9;
	v8 =	vmul.f32 $2.000000030e-01, v4;
	v1 =	vsel vm0, v1, v23  }
0x92: {  	vm13 =	vge.f32 v4, $0.0e+00;
	v1 =	vmul.f32 $1.442695020e+00, v1  }
0x93: {  	v6 =	vadd.f32 v22, v21;
	v24 =	vmul.f32 $2.000000030e-01, v7;
	v4 =	vsel vm13, v4, v8  }
0x94: {  	vm14 =	vge.f32 v7, $0.0e+00;
	(erf) = vpow2.f32 v1;
	v1 =	vmul.f32 $1.442695020e+00, v4  }
0x95: {  	v26 =	vmul.f32 $2.000000030e-01, v6;
	v25 =	vsel vm14, v7, v24  }
0x96: {  	vm15 =	vge.f32 v6, $0.0e+00;
	(erf) = vpow2.f32 v1;
	v1 =	vmul.f32 $1.442695020e+00, v25  }
0x97: {  	v27 =	vsel vm15, v6, v26  }
0x98: {  	(erf) = vpow2.f32 v1;
	v1 =	vmul.f32 $1.442695020e+00, v27;
	_ =	sdelay $0x1  }
0x99: {  	(erf) = vpow2.f32 v1;
	_ =	sdelay $0x2  }
0x9a: {  	v1 =	vpop (erf)  }
0x9b: {  	[tilespmem:$0x7680] =	vst v1  }
0x9c: {  	v28 =	vpop (erf);
	[tilespmem:v2+s5+$0x0] =	vst.idx.add.f32.msk $0xffff, v1  }
0x9d: {  	[tilespmem:$0x7690] =	vst v28  }
0x9e: {  	v1 =	vpop (erf);
	[tilespmem:v3+s5+$0x0] =	vst.idx.add.f32.msk $0xffff, v28  }
0x9f: {  	s23 =	sor.u32 $0x2, s11;
	[tilespmem:$0x76A0] =	vst v1  }
0xa0: {  	s24 =	sor.u32 $0x9, s11;
	v32 =	vmov s23;
	[tilespmem:v62+s5+$0x0] =	vst.idx.add.f32.msk $0xffff, v1;
	v1 =	vpop (erf)  }
0xa1: {  	s4 =	simm.s32 $0x0;
	v41 =	vmov s24;
	v34 =	vand.u32 $0xFFFFFFF2, v32;
	[tilespmem:$0x76B0] =	vst v1  }
0xa2: {  	s14 =	sor.u32 $0xB, s11;
	s4 =	sand.u32 $0x3FFFFF80, s4;
	v10 =	vand.u32 $0xFFFFFFF9, v41;
	v7 =	vbroadcast v34, $0x0;
	[tilespmem:v11+s5+$0x0] =	vst.idx.add.f32.msk $0xffff, v1  }
0xa3: {  	s21 =	sor.u32 $0xC, s11;
	v44 =	vmov s14;
	v43 =	vbroadcast v10, $0x0;
	v5 =	vld [tilespmem:s4+$0x7A00]  }
0xa4: {  	s28 =	sor.u32 $0xD, s11;
	v46 =	vmov s21;
	v45 =	vand.u32 $0xFFFFFFFB, v44;
	v16 =	vld [tilespmem:s4+$0x7A10]  }
0xa5: {  	s25 =	sor.u32 $0xE, s11;
	v48 =	vmov s28;
	v47 =	vand.u32 $0xFFFFFFFC, v46;
	v21 =	vbroadcast v45, $0x0;
	v17 =	vld [tilespmem:s4+$0x7A20]  }
0xa6: {  	v50 =	vmov s25;
	v49 =	vand.u32 $0xFFFFFFFD, v48;
	v22 =	vbroadcast v47, $0x0;
	v18 =	vld [tilespmem:s4+$0x7A30]  }
0xa7: {  	v52 =	vand.u32 $0xFFFFFFFE, v50;
	v51 =	vbroadcast v49, $0x0;
	v19 =	vld [tilespmem:s4+$0x7A40]  }
0xa8: {  	s14 =	sshll.u32 s14, $0x7;
	v23 =	vbroadcast v52, $0x0;
	v11 =	vld.idx.msk [tilespmem:v7+s0+$0x0], $0xffff  }
0xa9: {  	s14 =	sand.u32 $0x3FFFFF80, s14;
	v7 =	vld.idx.msk [tilespmem:v43+s0+$0x0], $0xffff  }
0xaa: {  	v24 =	vld [tilespmem:s14+$0x7A70]  }
0xab: {  	v4 =	vld.idx.msk [tilespmem:v21+s0+$0x0], $0xffff  }
0xac: {  	v10 =	vld.idx.msk [tilespmem:v22+s0+$0x0], $0xffff  }
0xad: {  	v9 =	vld.idx.msk [tilespmem:v51+s0+$0x0], $0xffff  }
0xae: {  	v2 =	vmov s11;
	v12 =	vld.idx.msk [tilespmem:v23+s0+$0x0], $0xffff  }
0xaf: {  	s19 =	sor.u32 $0x6, s11;
	v1 =	vand.u32 $0xFFFFFFF0, v2;
	v53 =	vld [tilespmem:s4+$0x7A50]  }
0xb0: {  	s29 =	sshll.u32 s19, $0x7;
	v29 =	vbroadcast v1, $0x0;
	v55 =	vld [tilespmem:s4+$0x7A60]  }
0xb1: {  	s8 =	sor.u32 $0x1, s11;
	v36 =	vmov s19;
	s30 =	sshll.u32 s21, $0x7;
	s19 =	sand.u32 $0x3FFFFF80, s29;
	v25 =	vld [tilespmem:s4+$0x7A70]  }
0xb2: {  	s16 =	sor.u32 $0xA, s11;
	s25 =	sshll.u32 s25, $0x7;
	s21 =	sand.u32 $0x3FFFFF80, s30;
	v28 =	vld [tilespmem:s19+$0x7A30]  }
0xb3: {  	v54 =	vmov s16;
	s25 =	sand.u32 $0x3FFFFF80, s25;
	v2 =	vmov s8;
	s8 =	sshll.u32 s8, $0x7;
	v41 =	vld [tilespmem:s21+$0x7A60]  }
0xb4: {  	s17 =	sand.u32 $0x3FFFFF80, s8;
	v22 =	vand.u32 $0xFFFFFFFA, v54;
	v54 =	vld [tilespmem:s25+$0x7A20]  }
0xb5: {  	v57 =	vld [tilespmem:s17+$0x7A00]  }
0xb6: {  	s13 =	sor.u32 $0xF, s11;
	v20 =	vld.idx.msk [tilespmem:v29+s0+$0x0], $0xffff  }
0xb7: {  	s10 =	sor.u32 $0x4, s11;
	v3 =	vmov s13;
	v58 =	vld [tilespmem:s17+$0x7A10]  }
0xb8: {  	s18 =	sor.u32 $0x3, s11;
	s22 =	sor.u32 $0x7, s11;
	v31 =	vmov s10;
	v1 =	vand.u32 $0xFFFFFFF1, v2;
	v26 =	vld [tilespmem:s17+$0x7A20]  }
0xb9: {  	s26 =	sor.u32 $0x8, s11;
	v37 =	vmov s22;
	v30 =	vbroadcast v1, $0x0;
	v1 =	vmov s18;
	v60 =	vld [tilespmem:s17+$0x7A30]  }
0xba: {  	v39 =	vmov s26;
	v62 =	vld [tilespmem:s17+$0x7A40];
	v1 =	vand.u32 $0xFFFFFFF3, v1;
	v59 =	vmul.f32 v24, v4  }
0xbb: {  	s8 =	sshll.u32 s22, $0x7;
	v63 =	vld [tilespmem:s17+$0x7A50];
	v33 =	vbroadcast v1, $0x0;
	v1 =	vand.u32 $0xFFFFFFF4, v31;
	v5 =	vmul.f32 v5, v20  }
0xbc: {  	s29 =	sand.u32 $0x3FFFFF80, s8;
	v35 =	vbroadcast v1, $0x0;
	v1 =	vld.idx.msk [tilespmem:v3+s0+$0x0], $0xffff;
	v3 =	vand.u32 $0xFFFFFFF6, v36;
	[tilespmem:s14+$0x7A70] =	vst v59;
	v16 =	vmul.f32 v16, v20  }
0xbd: {  	s22 =	sshll.u32 s28, $0x7;
	v43 =	vld [tilespmem:s29+$0x7A00];
	v38 =	vbroadcast v3, $0x0;
	v3 =	vand.u32 $0xFFFFFFF7, v37;
	v56 =	vmul.f32 v17, v20;
	[tilespmem:s4+$0x7A00] =	vst v5  }
0xbe: {  	s22 =	sand.u32 $0x3FFFFF80, s22;
	v40 =	vbroadcast v3, $0x0;
	v3 =	vand.u32 $0xFFFFFFF8, v39;
	v39 =	vld [tilespmem:s21+$0x7A50];
	v18 =	vmul.f32 v18, v20;
	[tilespmem:s4+$0x7A10] =	vst v16  }
0xbf: {  	v50 =	vld [tilespmem:s22+$0x7A60];
	v19 =	vmul.f32 v19, v20;
	[tilespmem:s4+$0x7A20] =	vst v56  }
0xc0: {  	v6 =	vld.idx.msk [tilespmem:v30+s0+$0x0], $0xffff;
	v61 =	vmul.f32 v53, v20;
	[tilespmem:s4+$0x7A30] =	vst v18  }
0xc1: {  	v45 =	vld [tilespmem:s29+$0x7A10];
	v23 =	vmul.f32 v55, v20;
	[tilespmem:s4+$0x7A40] =	vst v19  }
0xc2: {  	v47 =	vld [tilespmem:s29+$0x7A20];
	v27 =	vmul.f32 v25, v20;
	[tilespmem:s4+$0x7A50] =	vst v61  }
0xc3: {  	v48 =	vld [tilespmem:s22+$0x7A50];
	v49 =	vmul.f32 v39, v10;
	[tilespmem:s4+$0x7A60] =	vst v23  }
0xc4: {  	v51 =	vld [tilespmem:s29+$0x7A30];
	v20 =	vmul.f32 v50, v9;
	[tilespmem:s4+$0x7A70] =	vst v27  }
0xc5: {  	v52 =	vld [tilespmem:s29+$0x7A40];
	v17 =	vmul.f32 v57, v6;
	[tilespmem:s21+$0x7A50] =	vst v49  }
0xc6: {  	v59 =	vld [tilespmem:s17+$0x7A60];
	v30 =	vmul.f32 v26, v6;
	[tilespmem:s22+$0x7A60] =	vst v20  }
0xc7: {  	v31 =	vld [tilespmem:s21+$0x7A20];
	v42 =	vbroadcast v3, $0x0;
	v32 =	vmul.f32 v60, v6;
	[tilespmem:s17+$0x7A00] =	vst v17  }
0xc8: {  	v3 =	vld.idx.msk [tilespmem:v33+s0+$0x0], $0xffff;
	v34 =	vmul.f32 v62, v6;
	[tilespmem:s17+$0x7A20] =	vst v30  }
0xc9: {  	v33 =	vld [tilespmem:s21+$0x7A30];
	v36 =	vmul.f32 v63, v6;
	[tilespmem:s17+$0x7A30] =	vst v32  }
0xca: {  	v13 =	vld.idx.msk [tilespmem:v35+s0+$0x0], $0xffff;
	v60 =	vmul.f32 v54, v12;
	[tilespmem:s17+$0x7A40] =	vst v34  }
0xcb: {  	s15 =	sor.u32 $0x5, s11;
	v35 =	vld [tilespmem:s21+$0x7A40];
	v26 =	vmul.f32 v59, v6;
	[tilespmem:s17+$0x7A50] =	vst v36  }
0xcc: {  	v2 =	vmov s15;
	v8 =	vld.idx.msk [tilespmem:v38+s0+$0x0], $0xffff;
	v16 =	vmul.f32 v58, v6;
	[tilespmem:s25+$0x7A20] =	vst v60  }
0xcd: {  	v2 =	vand.u32 $0xFFFFFFF5, v2;
	v14 =	vld.idx.msk [tilespmem:v42+s0+$0x0], $0xffff;
	v42 =	vmul.f32 v31, v10;
	[tilespmem:s17+$0x7A60] =	vst v26  }
0xce: {  	v2 =	vbroadcast v2, $0x0;
	v29 =	vld [tilespmem:s19+$0x7A40];
	v19 =	vmul.f32 v41, v10;
	[tilespmem:s17+$0x7A10] =	vst v16  }
0xcf: {  	s28 =	sshll.u32 s10, $0x7;
	v37 =	vld [tilespmem:s19+$0x7A50];
	v44 =	vmul.f32 v33, v10;
	[tilespmem:s21+$0x7A20] =	vst v42  }
0xd0: {  	s8 =	sand.u32 $0x3FFFFF80, s28;
	v53 =	vld [tilespmem:s25+$0x7A10];
	v46 =	vmul.f32 v35, v10;
	[tilespmem:s21+$0x7A60] =	vst v19  }
0xd1: {  	v22 =	vbroadcast v22, $0x0;
	v25 =	vld [tilespmem:s8+$0x7A10];
	v16 =	vmul.f32 v48, v9;
	[tilespmem:s21+$0x7A30] =	vst v44  }
0xd2: {  	v15 =	vld.idx.msk [tilespmem:v40+s0+$0x0], $0xffff;
	v38 =	vmul.f32 v28, v8;
	[tilespmem:s21+$0x7A40] =	vst v46  }
0xd3: {  	v24 =	vld [tilespmem:s25+$0x7A40];
	v40 =	vmul.f32 v29, v8;
	[tilespmem:s22+$0x7A50] =	vst v16  }
0xd4: {  	v2 =	vld.idx.msk [tilespmem:v2+s0+$0x0], $0xffff;
	v23 =	vmul.f32 v37, v8;
	[tilespmem:s19+$0x7A30] =	vst v38  }
0xd5: {  	v57 =	vld [tilespmem:s25+$0x7A50];
	v19 =	vmul.f32 v53, v12;
	[tilespmem:s19+$0x7A40] =	vst v40  }
0xd6: {  	v63 =	vld [tilespmem:s25+$0x7A30];
	v20 =	vmul.f32 v25, v13;
	[tilespmem:s19+$0x7A50] =	vst v23  }
0xd7: {  	v5 =	vld.idx.msk [tilespmem:v22+s0+$0x0], $0xffff;
	v22 =	vmul.f32 v43, v15;
	[tilespmem:s25+$0x7A10] =	vst v19  }
0xd8: {  	v55 =	vld [tilespmem:s29+$0x7A50];
	v18 =	vmul.f32 v45, v15;
	[tilespmem:s8+$0x7A10] =	vst v20  }
0xd9: {  	s30 =	sshll.u32 s24, $0x7;
	v62 =	vld [tilespmem:s8+$0x7A00];
	v21 =	vmul.f32 v47, v15;
	[tilespmem:s29+$0x7A00] =	vst v22  }
0xda: {  	s23 =	sshll.u32 s23, $0x7;
	s10 =	sand.u32 $0x3FFFFF80, s30;
	v39 =	vld [tilespmem:s8+$0x7A50];
	v17 =	vmul.f32 v52, v15;
	[tilespmem:s29+$0x7A10] =	vst v18  }
0xdb: {  	s23 =	sand.u32 $0x3FFFFF80, s23;
	v49 =	vld [tilespmem:s10+$0x7A20];
	v16 =	vmul.f32 v57, v12;
	[tilespmem:s29+$0x7A20] =	vst v21  }
0xdc: {  	v50 =	vld [tilespmem:s23+$0x7A00];
	v31 =	vmul.f32 v63, v12;
	[tilespmem:s29+$0x7A40] =	vst v17  }
0xdd: {  	s26 =	sshll.u32 s26, $0x7;
	v56 =	vld [tilespmem:s29+$0x7A60];
	v23 =	vmul.f32 v51, v15;
	[tilespmem:s25+$0x7A50] =	vst v16  }
0xde: {  	v58 =	vld [tilespmem:s29+$0x7A70];
	s4 =	sand.u32 $0x3FFFFF80, s26;
	v19 =	vmul.f32 v62, v13;
	[tilespmem:s25+$0x7A30] =	vst v31  }
0xdf: {  	v61 =	vld [tilespmem:s4+$0x7A10];
	v20 =	vmul.f32 v39, v13;
	[tilespmem:s29+$0x7A30] =	vst v23  }
0xe0: {  	v27 =	vld [tilespmem:s25+$0x7A60];
	v57 =	vmul.f32 v49, v7;
	[tilespmem:s8+$0x7A00] =	vst v19  }
0xe1: {  	v32 =	vld [tilespmem:s4+$0x7A00];
	v18 =	vmul.f32 v55, v15;
	[tilespmem:s8+$0x7A50] =	vst v20  }
0xe2: {  	v33 =	vld [tilespmem:s8+$0x7A30];
	v21 =	vmul.f32 v56, v15;
	[tilespmem:s10+$0x7A20] =	vst v57  }
0xe3: {  	v48 =	vld [tilespmem:s10+$0x7A10];
	v15 =	vmul.f32 v58, v15;
	[tilespmem:s29+$0x7A50] =	vst v18  }
0xe4: {  	v54 =	vld [tilespmem:s19+$0x7A70];
	v28 =	vmul.f32 v61, v14;
	[tilespmem:s29+$0x7A60] =	vst v21  }
0xe5: {  	v29 =	vld [tilespmem:s25+$0x7A70];
	v16 =	vmul.f32 v27, v12;
	[tilespmem:s29+$0x7A70] =	vst v15  }
0xe6: {  	v30 =	vld [tilespmem:s8+$0x7A20];
	v17 =	vmul.f32 v32, v14;
	[tilespmem:s4+$0x7A10] =	vst v28  }
0xe7: {  	v34 =	vld [tilespmem:s8+$0x7A40];
	v19 =	vmul.f32 v33, v13;
	[tilespmem:s25+$0x7A60] =	vst v16  }
0xe8: {  	v37 =	vld [tilespmem:s4+$0x7A30];
	v55 =	vmul.f32 v48, v7;
	[tilespmem:s4+$0x7A00] =	vst v17  }
0xe9: {  	v41 =	vld [tilespmem:s4+$0x7A60];
	v18 =	vmul.f32 v24, v12;
	[tilespmem:s8+$0x7A30] =	vst v19  }
0xea: {  	v25 =	vld [tilespmem:s25+$0x7A00];
	v36 =	vmul.f32 v29, v12;
	[tilespmem:s10+$0x7A10] =	vst v55  }
0xeb: {  	v42 =	vld [tilespmem:s8+$0x7A60];
	v21 =	vmul.f32 v30, v13;
	[tilespmem:s25+$0x7A40] =	vst v18  }
0xec: {  	v45 =	vld [tilespmem:s8+$0x7A70];
	v15 =	vmul.f32 v34, v13;
	[tilespmem:s25+$0x7A70] =	vst v36  }
0xed: {  	v46 =	vld [tilespmem:s10+$0x7A00];
	v43 =	vmul.f32 v37, v14;
	[tilespmem:s8+$0x7A20] =	vst v21  }
0xee: {  	v52 =	vld [tilespmem:s23+$0x7A10];
	v17 =	vmul.f32 v41, v14;
	[tilespmem:s8+$0x7A40] =	vst v15  }
0xef: {  	v63 =	vld [tilespmem:s23+$0x7A30];
	v12 =	vmul.f32 v25, v12;
	[tilespmem:s4+$0x7A30] =	vst v43  }
0xf0: {  	v35 =	vld [tilespmem:s4+$0x7A20];
	v19 =	vmul.f32 v42, v13;
	[tilespmem:s4+$0x7A60] =	vst v17  }
0xf1: {  	v38 =	vld [tilespmem:s4+$0x7A40];
	v13 =	vmul.f32 v45, v13;
	[tilespmem:s25+$0x7A00] =	vst v12  }
0xf2: {  	v40 =	vld [tilespmem:s4+$0x7A50];
	v53 =	vmul.f32 v46, v7;
	[tilespmem:s8+$0x7A60] =	vst v19  }
0xf3: {  	v44 =	vld [tilespmem:s4+$0x7A70];
	v61 =	vmul.f32 v52, v11;
	[tilespmem:s8+$0x7A70] =	vst v13  }
0xf4: {  	v51 =	vld [tilespmem:s19+$0x7A10];
	v32 =	vmul.f32 v63, v11;
	[tilespmem:s10+$0x7A00] =	vst v53  }
0xf5: {  	v59 =	vld [tilespmem:s22+$0x7A20];
	v18 =	vmul.f32 v35, v14;
	[tilespmem:s23+$0x7A10] =	vst v61  }
0xf6: {  	v62 =	vld [tilespmem:s22+$0x7A70];
	v16 =	vmul.f32 v38, v14;
	[tilespmem:s23+$0x7A30] =	vst v32  }
0xf7: {  	v39 =	vld [tilespmem:s14+$0x7A20];
	v47 =	vmul.f32 v40, v14;
	[tilespmem:s4+$0x7A20] =	vst v18  }
0xf8: {  	v56 =	vld [tilespmem:s22+$0x7A00];
	v14 =	vmul.f32 v44, v14;
	[tilespmem:s4+$0x7A40] =	vst v16  }
0xf9: {  	v58 =	vld [tilespmem:s22+$0x7A10];
	v17 =	vmul.f32 v51, v8;
	[tilespmem:s4+$0x7A50] =	vst v47  }
0xfa: {  	v60 =	vld [tilespmem:s23+$0x7A20];
	v15 =	vmul.f32 v54, v8;
	[tilespmem:s4+$0x7A70] =	vst v14  }
0xfb: {  	v27 =	vld [tilespmem:s23+$0x7A40];
	v30 =	vmul.f32 v62, v9;
	[tilespmem:s19+$0x7A10] =	vst v17  }
0xfc: {  	v31 =	vld [tilespmem:s23+$0x7A70];
	v49 =	vmul.f32 v39, v4;
	[tilespmem:s19+$0x7A70] =	vst v15  }
0xfd: {  	v22 =	vld [tilespmem:s10+$0x7A30];
	v24 =	vmul.f32 v56, v9;
	[tilespmem:s22+$0x7A70] =	vst v30  }
0xfe: {  	v48 =	vld [tilespmem:s14+$0x7A60];
	v26 =	vmul.f32 v58, v9;
	[tilespmem:s14+$0x7A20] =	vst v49  }
0xff: {  	v29 =	vld [tilespmem:s23+$0x7A60];
	v13 =	vmul.f32 v59, v9;
	[tilespmem:s22+$0x7A00] =	vst v24  }
0x100: {  	v34 =	vld [tilespmem:s14+$0x7A00];
	v35 =	vmul.f32 v27, v11;
	[tilespmem:s22+$0x7A10] =	vst v26  }
0x101: {  	v37 =	vld [tilespmem:s14+$0x7A10];
	v16 =	vmul.f32 v50, v11;
	[tilespmem:s22+$0x7A20] =	vst v13  }
0x102: {  	v28 =	vld [tilespmem:s23+$0x7A50];
	v14 =	vmul.f32 v60, v11;
	[tilespmem:s23+$0x7A40] =	vst v35  }
0x103: {  	v42 =	vld [tilespmem:s14+$0x7A40];
	v12 =	vmul.f32 v48, v4;
	[tilespmem:s23+$0x7A00] =	vst v16  }
0x104: {  	v46 =	vld [tilespmem:s14+$0x7A50];
	v38 =	vmul.f32 v29, v11;
	[tilespmem:s23+$0x7A20] =	vst v14  }
0x105: {  	v63 =	vld [tilespmem:s22+$0x7A40];
	v43 =	vmul.f32 v34, v4;
	[tilespmem:s14+$0x7A60] =	vst v12  }
0x106: {  	v44 =	vld [tilespmem:s19+$0x7A00];
	v47 =	vmul.f32 v37, v4;
	[tilespmem:s23+$0x7A60] =	vst v38  }
0x107: {  	v51 =	vld [tilespmem:s21+$0x7A10];
	v16 =	vmul.f32 v28, v11;
	[tilespmem:s14+$0x7A00] =	vst v43  }
0x108: {  	v62 =	vld [tilespmem:s22+$0x7A30];
	v11 =	vmul.f32 v31, v11;
	[tilespmem:s14+$0x7A10] =	vst v47  }
0x109: {  	v54 =	vld [tilespmem:s21+$0x7A00];
	v52 =	vmul.f32 v42, v4;
	[tilespmem:s23+$0x7A50] =	vst v16  }
0x10a: {  	v21 =	vld [tilespmem:s17+$0x7A70];
	v55 =	vmul.f32 v46, v4;
	[tilespmem:s23+$0x7A70] =	vst v11  }
0x10b: {  	v53 =	vld [tilespmem:s19+$0x7A20];
	v12 =	vmul.f32 v22, v7;
	[tilespmem:s14+$0x7A40] =	vst v52  }
0x10c: {  	v58 =	vld [tilespmem:s21+$0x7A70];
	v13 =	vmul.f32 v44, v8;
	[tilespmem:s14+$0x7A50] =	vst v55  }
0x10d: {  	s26 =	sshll.u32 s15, $0x7;
	v59 =	vld [tilespmem:s19+$0x7A60];
	v25 =	vmul.f32 v62, v9;
	[tilespmem:s10+$0x7A30] =	vst v12  }
0x10e: {  	s8 =	sand.u32 $0x3FFFFF80, s26;
	v27 =	vld [tilespmem:s10+$0x7A60];
	v9 =	vmul.f32 v63, v9;
	[tilespmem:s19+$0x7A00] =	vst v13  }
0x10f: {  	s28 =	sshll.u32 s16, $0x7;
	v20 =	vld [tilespmem:s8+$0x7A00];
	v6 =	vmul.f32 v21, v6;
	[tilespmem:s22+$0x7A30] =	vst v25  }
0x110: {  	s24 =	sshll.u32 s18, $0x7;
	s29 =	sand.u32 $0x3FFFFF80, s28;
	v30 =	vld [tilespmem:s8+$0x7A10];
	v11 =	vmul.f32 v51, v10;
	[tilespmem:s22+$0x7A40] =	vst v9  }
0x111: {  	s4 =	sand.u32 $0x3FFFFF80, s24;
	v48 =	vld [tilespmem:s29+$0x7A30];
	v60 =	vmul.f32 v53, v8;
	[tilespmem:s17+$0x7A70] =	vst v6  }
0x112: {  	v33 =	vld [tilespmem:s4+$0x7A10];
	v8 =	vmul.f32 v59, v8;
	[tilespmem:s21+$0x7A10] =	vst v11  }
0x113: {  	v36 =	vld [tilespmem:s4+$0x7A20];
	v35 =	vmul.f32 v27, v7;
	[tilespmem:s19+$0x7A20] =	vst v60  }
0x114: {  	v40 =	vld [tilespmem:s4+$0x7A30];
	v28 =	vmul.f32 v20, v2;
	[tilespmem:s19+$0x7A60] =	vst v8  }
0x115: {  	v50 =	vld [tilespmem:s4+$0x7A40];
	v9 =	vmul.f32 v30, v2;
	[tilespmem:s10+$0x7A60] =	vst v35  }
0x116: {  	v56 =	vld [tilespmem:s4+$0x7A50];
	v6 =	vmul.f32 v48, v5;
	[tilespmem:s8+$0x7A00] =	vst v28  }
0x117: {  	v57 =	vld [tilespmem:s4+$0x7A60];
	v41 =	vmul.f32 v33, v3;
	[tilespmem:s8+$0x7A10] =	vst v9  }
0x118: {  	v61 =	vld [tilespmem:s4+$0x7A70];
	v45 =	vmul.f32 v36, v3;
	[tilespmem:s29+$0x7A30] =	vst v6  }
0x119: {  	v24 =	vld [tilespmem:s10+$0x7A40];
	v16 =	vmul.f32 v40, v3;
	[tilespmem:s4+$0x7A10] =	vst v41  }
0x11a: {  	v26 =	vld [tilespmem:s10+$0x7A50];
	v15 =	vmul.f32 v50, v3;
	[tilespmem:s4+$0x7A20] =	vst v45  }
0x11b: {  	v29 =	vld [tilespmem:s10+$0x7A70];
	v18 =	vmul.f32 v56, v3;
	[tilespmem:s4+$0x7A30] =	vst v16  }
0x11c: {  	v34 =	vld [tilespmem:s8+$0x7A40];
	v13 =	vmul.f32 v57, v3;
	[tilespmem:s4+$0x7A40] =	vst v15  }
0x11d: {  	v37 =	vld [tilespmem:s8+$0x7A60];
	v23 =	vmul.f32 v61, v3;
	[tilespmem:s4+$0x7A50] =	vst v18  }
0x11e: {  	v31 =	vld [tilespmem:s8+$0x7A20];
	v32 =	vmul.f32 v24, v7;
	[tilespmem:s4+$0x7A60] =	vst v13  }
0x11f: {  	v46 =	vld [tilespmem:s29+$0x7A10];
	v11 =	vmul.f32 v26, v7;
	[tilespmem:s4+$0x7A70] =	vst v23  }
0x120: {  	v42 =	vld [tilespmem:s14+$0x7A30];
	v7 =	vmul.f32 v29, v7;
	[tilespmem:s10+$0x7A40] =	vst v32  }
0x121: {  	v38 =	vld [tilespmem:s4+$0x7A00];
	v43 =	vmul.f32 v34, v2;
	[tilespmem:s10+$0x7A50] =	vst v11  }
0x122: {  	v33 =	vld [tilespmem:s8+$0x7A30];
	v8 =	vmul.f32 v37, v2;
	[tilespmem:s10+$0x7A70] =	vst v7  }
0x123: {  	v36 =	vld [tilespmem:s8+$0x7A50];
	v39 =	vmul.f32 v31, v2;
	[tilespmem:s8+$0x7A40] =	vst v43  }
0x124: {  	v40 =	vld [tilespmem:s8+$0x7A70];
	v52 =	vmul.f32 v46, v5;
	[tilespmem:s8+$0x7A60] =	vst v8  }
0x125: {  	v16 =	vmul.f32 v54, v10;
	[tilespmem:s8+$0x7A20] =	vst v39  }
0x126: {  	v44 =	vld [tilespmem:s29+$0x7A00];
	v3 =	vmul.f32 v38, v3;
	[tilespmem:s29+$0x7A10] =	vst v52  }
0x127: {  	v10 =	vmul.f32 v58, v10;
	[tilespmem:s21+$0x7A00] =	vst v16  }
0x128: {  	v47 =	vld [tilespmem:s29+$0x7A20];
	[tilespmem:s4+$0x7A00] =	vst v3;
	v3 =	vmul.f32 v42, v4;
	v41 =	vmul.f32 v33, v2  }
0x129: {  	s30 =	sshll.u32 s13, $0x7;
	v50 =	vld [tilespmem:s29+$0x7A50];
	[tilespmem:s21+$0x7A70] =	vst v10;
	v45 =	vmul.f32 v36, v2;
	v2 =	vmul.f32 v40, v2  }
0x12a: {  	v49 =	vld [tilespmem:s29+$0x7A40];
	s4 =	sand.u32 $0x3FFFFF80, s30;
	[tilespmem:s14+$0x7A30] =	vst v3  }
0x12b: {  	v53 =	vld [tilespmem:s4+$0x7A00];
	[tilespmem:s8+$0x7A70] =	vst v2;
	v2 =	vmul.f32 v44, v5  }
0x12c: {  	v51 =	vld [tilespmem:s29+$0x7A60];
	[tilespmem:s8+$0x7A30] =	vst v41  }
0x12d: {  	v54 =	vld [tilespmem:s4+$0x7A10];
	[tilespmem:s29+$0x7A00] =	vst v2;
	v2 =	vmul.f32 v47, v5  }
0x12e: {  	v4 =	vmul.f32 v50, v5;
	v3 =	vld [tilespmem:s29+$0x7A70];
	[tilespmem:s8+$0x7A50] =	vst v45  }
0x12f: {  	v56 =	vld [tilespmem:s4+$0x7A30];
	[tilespmem:s29+$0x7A20] =	vst v2;
	v2 =	vmul.f32 v49, v5  }
0x130: {  	v55 =	vld [tilespmem:s4+$0x7A20];
	[tilespmem:s29+$0x7A50] =	vst v4;
	v58 =	vmul.f32 v53, v1  }
0x131: {  	v59 =	vld [tilespmem:s4+$0x7A50];
	[tilespmem:s29+$0x7A40] =	vst v2;
	v2 =	vmul.f32 v51, v5  }
0x132: {  	v57 =	vld [tilespmem:s4+$0x7A40];
	v60 =	vmul.f32 v54, v1;
	[tilespmem:s4+$0x7A00] =	vst v58  }
0x133: {  	v3 =	vmul.f32 v3, v5;
	[tilespmem:s29+$0x7A60] =	vst v2;
	v2 =	vld [tilespmem:s4+$0x7A60]  }
0x134: {  	v62 =	vmul.f32 v56, v1;
	[tilespmem:s4+$0x7A10] =	vst v60  }
0x135: {  	v61 =	vld [tilespmem:s4+$0x7A70];
	[tilespmem:s29+$0x7A70] =	vst v3;
	v3 =	vmul.f32 v55, v1  }
0x136: {  	v63 =	vmul.f32 v59, v1;
	[tilespmem:s4+$0x7A30] =	vst v62  }
0x137: {  	[tilespmem:s4+$0x7A20] =	vst v3;
	v3 =	vmul.f32 v57, v1  }
0x138: {  	[tilespmem:s4+$0x7A50] =	vst v63;
	v2 =	vmul.f32 v2, v1  }
0x139: {  	[tilespmem:s4+$0x7A40] =	vst v3  }
0x13a: {  	s10 =	simm.s32 $0x10;
	v1 =	vmul.f32 v61, v1;
	[tilespmem:s4+$0x7A60] =	vst v2  }
.LBB2_7:
0x13b: {  	s8 =	sshll.u32 s10, $0x7  }
0x13c: {  	v2 =	vmov s10;
	s13 =	sor.u32 $0x1, s10;
	s14 =	sor.u32 $0xF, s10;
	[tilespmem:s4+$0x7A70] =	vst v1;
	s16 =	smov.u32 s10  }
0x13d: {  	s15 =	sor.u32 $0x5, s10;
	v1 =	vand.u32 $0xFFFFFFF0, v2;
	s21 =	sand.u32 $0x3FFFFF80, s8;
	v2 =	vmov s13;
	s8 =	sor.u32 $0xA, s10;
	v3 =	vmov s14  }
0x13e: {  	s17 =	sor.u32 $0x3, s10;
	s4 =	sshll.u32 s13, $0x7;
	s13 =	sor.u32 $0x2, s10;
	v4 =	vbroadcast v1, $0x0;
	v6 =	vld [tilespmem:s21+$0x7A00];
	v1 =	vand.u32 $0xFFFFFFF1, v2;
	v2 =	vmov s15  }
0x13f: {  	s19 =	sshll.u32 s17, $0x7;
	s23 =	sshll.u32 s13, $0x7;
	v7 =	vld [tilespmem:s21+$0x7A10];
	v5 =	vbroadcast v1, $0x0;
	v1 =	vmov s17;
	s17 =	sor.u32 $0x4, s10;
	v2 =	vand.u32 $0xFFFFFFF5, v2  }
0x140: {  	v9 =	vld [tilespmem:s21+$0x7A20];
	v1 =	vand.u32 $0xFFFFFFF3, v1;
	v8 =	vmov s17;
	s26 =	sshll.u32 s17, $0x7;
	v2 =	vbroadcast v2, $0x0;
	s17 =	sshll.u32 s15, $0x7;
	s15 =	sshll.u32 s8, $0x7  }
0x141: {  	s22 =	sor.u32 $0x6, s16;
	s14 =	sshll.u32 s14, $0x7;
	v11 =	vmov s13;
	s13 =	sadd.s32 $0x10, s10;
	v10 =	vld [tilespmem:s21+$0x7A30];
	v12 =	vbroadcast v1, $0x0;
	v1 =	vand.u32 $0xFFFFFFF4, v8  }
0x142: {  	p0 =	slt.u32 s10, $0x30;
	s24 =	sor.u32 $0x7, s16;
	v13 =	vmov s22;
	v8 =	vand.u32 $0xFFFFFFF2, v11;
	v11 =	vbroadcast v1, $0x0;
	v1 =	vld.idx.msk [tilespmem:v3+s0+$0x0], $0xffff  }
0x143: {  	s10 =	sor.u32 $0x8, s16;
	v8 =	vbroadcast v8, $0x0;
	v3 =	vand.u32 $0xFFFFFFF6, v13;
	v13 =	vmov s24;
	v16 =	vld [tilespmem:s21+$0x7A40]  }
0x144: {  	s18 =	sor.u32 $0x9, s16;
	v17 =	vld.idx.msk [tilespmem:v4+s0+$0x0], $0xffff;
	v4 =	vbroadcast v3, $0x0;
	v3 =	vand.u32 $0xFFFFFFF7, v13;
	v13 =	vmov s10;
	s10 =	sshll.u32 s10, $0x7  }
0x145: {  	s25 =	sshll.u32 s18, $0x7;
	v5 =	vld.idx.msk [tilespmem:v5+s0+$0x0], $0xffff;
	v14 =	vbroadcast v3, $0x0;
	v3 =	vand.u32 $0xFFFFFFF8, v13;
	v13 =	vmov s18  }
0x146: {  	v19 =	vmov s8;
	s8 =	sor.u32 $0xB, s16;
	v2 =	vld.idx.msk [tilespmem:v2+s0+$0x0], $0xffff;
	v18 =	vbroadcast v3, $0x0;
	v13 =	vand.u32 $0xFFFFFFF9, v13  }
0x147: {  	s30 =	sor.u32 $0xC, s16;
	v15 =	vmov s8;
	v3 =	vld.idx.msk [tilespmem:v12+s0+$0x0], $0xffff;
	v12 =	vbroadcast v13, $0x0  }
0x148: {  	v20 =	vmov s30;
	v15 =	vand.u32 $0xFFFFFFFB, v15;
	s18 =	sor.u32 $0xD, s16;
	v13 =	vld.idx.msk [tilespmem:v11+s0+$0x0], $0xffff  }
0x149: {  	s28 =	sor.u32 $0xE, s16;
	v21 =	vbroadcast v15, $0x0;
	v15 =	vand.u32 $0xFFFFFFFC, v20;
	v20 =	vmov s18;
	s29 =	sshll.u32 s18, $0x7;
	v11 =	vld.idx.msk [tilespmem:v8+s0+$0x0], $0xffff  }
0x14a: {  	v22 =	vbroadcast v15, $0x0;
	v8 =	vld.idx.msk [tilespmem:v4+s0+$0x0], $0xffff;
	v4 =	vand.u32 $0xFFFFFFFD, v20;
	v20 =	vmov s28  }
0x14b: {  	v6 =	vmul.f32 v6, v17;
	v15 =	vld.idx.msk [tilespmem:v14+s0+$0x0], $0xffff;
	v23 =	vbroadcast v4, $0x0;
	v4 =	vand.u32 $0xFFFFFFFE, v20  }
0x14c: {  	s8 =	sshll.u32 s8, $0x7;
	v20 =	vmul.f32 v7, v17;
	v14 =	vld.idx.msk [tilespmem:v18+s0+$0x0], $0xffff;
	v18 =	vbroadcast v4, $0x0  }
0x14d: {  	s16 =	sand.u32 $0x3FFFFF80, s8;
	v4 =	vmul.f32 v9, v17;
	[tilespmem:s21+$0x7A00] =	vst v6;
	v6 =	vmul.f32 v10, v17;
	v7 =	vld.idx.msk [tilespmem:v12+s0+$0x0], $0xffff  }
0x14e: {  	v9 =	vmul.f32 v16, v17;
	[tilespmem:s21+$0x7A10] =	vst v20;
	v16 =	vld [tilespmem:s16+$0x7A70]  }
0x14f: {  	[tilespmem:s21+$0x7A20] =	vst v4;
	v4 =	vld.idx.msk [tilespmem:v21+s0+$0x0], $0xffff  }
0x150: {  	[tilespmem:s21+$0x7A30] =	vst v6;
	v10 =	vld.idx.msk [tilespmem:v22+s0+$0x0], $0xffff  }
0x151: {  	[tilespmem:s21+$0x7A40] =	vst v9;
	v9 =	vld.idx.msk [tilespmem:v23+s0+$0x0], $0xffff  }
0x152: {  	v12 =	vld.idx.msk [tilespmem:v18+s0+$0x0], $0xffff  }
0x153: {  	v6 =	vld [tilespmem:s21+$0x7A50]  }
0x154: {  	v18 =	vld [tilespmem:s21+$0x7A60]  }
0x155: {  	v19 =	vand.u32 $0xFFFFFFFA, v19;
	s18 =	sand.u32 $0x3FFFFF80, s4;
	v16 =	vmul.f32 v16, v4;
	v20 =	vld [tilespmem:s21+$0x7A70]  }
0x156: {  	v19 =	vbroadcast v19, $0x0;
	v21 =	vld [tilespmem:s18+$0x7A00]  }
0x157: {  	v22 =	vld [tilespmem:s18+$0x7A10];
	[tilespmem:s16+$0x7A70] =	vst v16  }
0x158: {  	v6 =	vmul.f32 v6, v17;
	v16 =	vld [tilespmem:s18+$0x7A20]  }
0x159: {  	v18 =	vmul.f32 v18, v17;
	v23 =	vld [tilespmem:s18+$0x7A30]  }
0x15a: {  	[tilespmem:s21+$0x7A50] =	vst v6;
	v6 =	vmul.f32 v20, v17;
	v17 =	vld [tilespmem:s18+$0x7A40]  }
0x15b: {  	s4 =	sshll.u32 s22, $0x7;
	[tilespmem:s21+$0x7A60] =	vst v18;
	v18 =	vmul.f32 v21, v5;
	v20 =	vld [tilespmem:s18+$0x7A50]  }
0x15c: {  	[tilespmem:s21+$0x7A70] =	vst v6;
	v21 =	vmul.f32 v22, v5;
	s21 =	sand.u32 $0x3FFFFF80, s4;
	v6 =	vld.idx.msk [tilespmem:v19+s0+$0x0], $0xffff  }
0x15d: {  	s4 =	sshll.u32 s30, $0x7;
	[tilespmem:s18+$0x7A00] =	vst v18;
	v16 =	vmul.f32 v16, v5;
	v18 =	vld [tilespmem:s21+$0x7A30]  }
0x15e: {  	s22 =	sand.u32 $0x3FFFFF80, s4;
	[tilespmem:s18+$0x7A10] =	vst v21;
	v19 =	vmul.f32 v23, v5;
	v21 =	vld [tilespmem:s21+$0x7A40]  }
0x15f: {  	[tilespmem:s18+$0x7A20] =	vst v16;
	v16 =	vmul.f32 v17, v5;
	v17 =	vld [tilespmem:s22+$0x7A20]  }
0x160: {  	[tilespmem:s18+$0x7A30] =	vst v19;
	v19 =	vmul.f32 v20, v5;
	v20 =	vld [tilespmem:s22+$0x7A30]  }
0x161: {  	[tilespmem:s18+$0x7A40] =	vst v16;
	v16 =	vld [tilespmem:s22+$0x7A40]  }
0x162: {  	[tilespmem:s18+$0x7A50] =	vst v19;
	v18 =	vmul.f32 v18, v8;
	v19 =	vld [tilespmem:s21+$0x7A50]  }
0x163: {  	s4 =	sshll.u32 s24, $0x7;
	v21 =	vmul.f32 v21, v8;
	v22 =	vld [tilespmem:s22+$0x7A50]  }
0x164: {  	s30 =	sand.u32 $0x3FFFFF80, s4;
	[tilespmem:s21+$0x7A30] =	vst v18;
	v17 =	vmul.f32 v17, v10;
	v18 =	vld [tilespmem:s22+$0x7A60]  }
0x165: {  	[tilespmem:s21+$0x7A40] =	vst v21;
	v21 =	vld [tilespmem:s30+$0x7A00];
	v20 =	vmul.f32 v20, v10  }
0x166: {  	v23 =	vld [tilespmem:s30+$0x7A10];
	[tilespmem:s22+$0x7A20] =	vst v17;
	v16 =	vmul.f32 v16, v10  }
0x167: {  	s24 =	sand.u32 $0x3FFFFF80, s29;
	v17 =	vmul.f32 v19, v8;
	v19 =	vld [tilespmem:s30+$0x7A20];
	[tilespmem:s22+$0x7A30] =	vst v20  }
0x168: {  	[tilespmem:s22+$0x7A40] =	vst v16;
	v16 =	vmul.f32 v22, v10;
	v20 =	vld [tilespmem:s24+$0x7A50]  }
0x169: {  	[tilespmem:s21+$0x7A50] =	vst v17;
	v17 =	vmul.f32 v18, v10;
	v18 =	vld [tilespmem:s24+$0x7A60]  }
0x16a: {  	s4 =	sshll.u32 s28, $0x7;
	v21 =	vmul.f32 v21, v15;
	v22 =	vld [tilespmem:s30+$0x7A30];
	[tilespmem:s22+$0x7A50] =	vst v16  }
0x16b: {  	s28 =	sand.u32 $0x3FFFFF80, s4;
	v16 =	vmul.f32 v23, v15;
	v23 =	vld [tilespmem:s30+$0x7A40];
	[tilespmem:s22+$0x7A60] =	vst v17  }
0x16c: {  	[tilespmem:s30+$0x7A00] =	vst v21;
	v17 =	vmul.f32 v19, v15;
	v19 =	vld [tilespmem:s28+$0x7A10]  }
0x16d: {  	[tilespmem:s30+$0x7A10] =	vst v16;
	v16 =	vmul.f32 v20, v9;
	v20 =	vld [tilespmem:s28+$0x7A20]  }
0x16e: {  	[tilespmem:s30+$0x7A20] =	vst v17;
	v17 =	vld [tilespmem:s30+$0x7A50];
	v18 =	vmul.f32 v18, v9  }
0x16f: {  	v21 =	vmul.f32 v22, v15;
	v22 =	vld [tilespmem:s30+$0x7A60];
	[tilespmem:s24+$0x7A50] =	vst v16  }
0x170: {  	v16 =	vmul.f32 v23, v15;
	[tilespmem:s24+$0x7A60] =	vst v18;
	v18 =	vld [tilespmem:s28+$0x7A50]  }
0x171: {  	[tilespmem:s30+$0x7A30] =	vst v21;
	v21 =	vld [tilespmem:s30+$0x7A70];
	v19 =	vmul.f32 v19, v12  }
0x172: {  	s10 =	sand.u32 $0x3FFFFF80, s10;
	v23 =	vld [tilespmem:s18+$0x7A60];
	[tilespmem:s30+$0x7A40] =	vst v16;
	v16 =	vmul.f32 v20, v12  }
0x173: {  	s4 =	sand.u32 $0x3FFFFF80, s26;
	v17 =	vmul.f32 v17, v15;
	v20 =	vld [tilespmem:s10+$0x7A10];
	[tilespmem:s28+$0x7A10] =	vst v19  }
0x174: {  	v19 =	vld [tilespmem:s4+$0x7A00];
	v22 =	vmul.f32 v22, v15;
	[tilespmem:s28+$0x7A20] =	vst v16  }
0x175: {  	[tilespmem:s30+$0x7A50] =	vst v17;
	v16 =	vld [tilespmem:s28+$0x7A30];
	v17 =	vmul.f32 v18, v12  }
0x176: {  	[tilespmem:s30+$0x7A60] =	vst v22;
	v15 =	vmul.f32 v21, v15;
	v18 =	vld [tilespmem:s28+$0x7A40]  }
0x177: {  	v21 =	vmul.f32 v23, v5;
	v22 =	vld [tilespmem:s4+$0x7A10];
	[tilespmem:s28+$0x7A50] =	vst v17  }
0x178: {  	[tilespmem:s30+$0x7A70] =	vst v15;
	v15 =	vmul.f32 v20, v14;
	v17 =	vld [tilespmem:s28+$0x7A60]  }
0x179: {  	[tilespmem:s18+$0x7A60] =	vst v21;
	v19 =	vmul.f32 v19, v13;
	v20 =	vld [tilespmem:s28+$0x7A70]  }
0x17a: {  	v21 =	vld [tilespmem:s4+$0x7A20];
	[tilespmem:s10+$0x7A10] =	vst v15;
	v15 =	vmul.f32 v16, v12  }
0x17b: {  	[tilespmem:s4+$0x7A00] =	vst v19;
	v16 =	vld [tilespmem:s10+$0x7A00];
	v18 =	vmul.f32 v18, v12  }
0x17c: {  	v19 =	vmul.f32 v22, v13;
	v22 =	vld [tilespmem:s4+$0x7A30];
	[tilespmem:s28+$0x7A30] =	vst v15  }
0x17d: {  	v15 =	vld [tilespmem:s4+$0x7A40];
	[tilespmem:s28+$0x7A40] =	vst v18;
	v17 =	vmul.f32 v17, v12  }
0x17e: {  	[tilespmem:s4+$0x7A10] =	vst v19;
	v18 =	vld [tilespmem:s10+$0x7A20];
	v19 =	vmul.f32 v20, v12  }
0x17f: {  	v20 =	vmul.f32 v21, v13;
	v21 =	vld [tilespmem:s10+$0x7A30];
	[tilespmem:s28+$0x7A60] =	vst v17  }
0x180: {  	v16 =	vmul.f32 v16, v14;
	v17 =	vld [tilespmem:s10+$0x7A40];
	[tilespmem:s28+$0x7A70] =	vst v19  }
0x181: {  	[tilespmem:s4+$0x7A20] =	vst v20;
	v19 =	vmul.f32 v22, v13;
	v20 =	vld [tilespmem:s4+$0x7A50]  }
0x182: {  	v15 =	vmul.f32 v15, v13;
	[tilespmem:s10+$0x7A00] =	vst v16;
	v16 =	vld [tilespmem:s10+$0x7A50]  }
0x183: {  	[tilespmem:s4+$0x7A30] =	vst v19;
	v18 =	vmul.f32 v18, v14;
	v19 =	vld [tilespmem:s10+$0x7A60]  }
0x184: {  	[tilespmem:s4+$0x7A40] =	vst v15;
	v15 =	vld [tilespmem:s4+$0x7A60];
	v21 =	vmul.f32 v21, v14  }
0x185: {  	[tilespmem:s10+$0x7A20] =	vst v18;
	v17 =	vmul.f32 v17, v14;
	v18 =	vld [tilespmem:s10+$0x7A70]  }
0x186: {  	s25 =	sand.u32 $0x3FFFFF80, s25;
	v20 =	vmul.f32 v20, v13;
	v22 =	vld [tilespmem:s4+$0x7A70];
	[tilespmem:s10+$0x7A30] =	vst v21  }
0x187: {  	[tilespmem:s10+$0x7A40] =	vst v17;
	v16 =	vmul.f32 v16, v14;
	v17 =	vld [tilespmem:s25+$0x7A00]  }
0x188: {  	[tilespmem:s4+$0x7A50] =	vst v20;
	v19 =	vmul.f32 v19, v14;
	v20 =	vld [tilespmem:s25+$0x7A10]  }
0x189: {  	s23 =	sand.u32 $0x3FFFFF80, s23;
	v15 =	vmul.f32 v15, v13;
	[tilespmem:s10+$0x7A50] =	vst v16;
	v16 =	vld [tilespmem:s25+$0x7A20]  }
0x18a: {  	v21 =	vld [tilespmem:s23+$0x7A00];
	[tilespmem:s10+$0x7A60] =	vst v19;
	v14 =	vmul.f32 v18, v14  }
0x18b: {  	[tilespmem:s4+$0x7A60] =	vst v15;
	v13 =	vmul.f32 v22, v13;
	v15 =	vld [tilespmem:s21+$0x7A10]  }
0x18c: {  	v18 =	vld [tilespmem:s23+$0x7A10];
	[tilespmem:s10+$0x7A70] =	vst v14;
	v14 =	vmul.f32 v17, v7  }
0x18d: {  	[tilespmem:s4+$0x7A70] =	vst v13;
	v13 =	vld [tilespmem:s21+$0x7A70];
	v17 =	vmul.f32 v20, v7  }
0x18e: {  	[tilespmem:s25+$0x7A00] =	vst v14;
	v14 =	vmul.f32 v16, v7;
	v16 =	vld [tilespmem:s24+$0x7A00]  }
0x18f: {  	v19 =	vmul.f32 v21, v11;
	[tilespmem:s25+$0x7A10] =	vst v17;
	v17 =	vld [tilespmem:s24+$0x7A10]  }
0x190: {  	v15 =	vmul.f32 v15, v8;
	[tilespmem:s25+$0x7A20] =	vst v14;
	v14 =	vld [tilespmem:s24+$0x7A20]  }
0x191: {  	[tilespmem:s23+$0x7A00] =	vst v19;
	v18 =	vmul.f32 v18, v11;
	v19 =	vld [tilespmem:s23+$0x7A20]  }
0x192: {  	[tilespmem:s21+$0x7A10] =	vst v15;
	v13 =	vmul.f32 v13, v8;
	v15 =	vld [tilespmem:s24+$0x7A70]  }
0x193: {  	[tilespmem:s23+$0x7A10] =	vst v18;
	v18 =	vld [tilespmem:s23+$0x7A30];
	v16 =	vmul.f32 v16, v9  }
0x194: {  	[tilespmem:s21+$0x7A70] =	vst v13;
	v13 =	vmul.f32 v17, v9;
	v17 =	vld [tilespmem:s28+$0x7A00]  }
0x195: {  	v20 =	vld [tilespmem:s23+$0x7A40];
	[tilespmem:s24+$0x7A00] =	vst v16;
	v14 =	vmul.f32 v14, v9  }
0x196: {  	v16 =	vmul.f32 v19, v11;
	v19 =	vld [tilespmem:s23+$0x7A50];
	[tilespmem:s24+$0x7A10] =	vst v13  }
0x197: {  	v13 =	vld [tilespmem:s23+$0x7A60];
	[tilespmem:s24+$0x7A20] =	vst v14;
	v14 =	vmul.f32 v15, v9  }
0x198: {  	s10 =	sand.u32 $0x3FFFFF80, s19;
	[tilespmem:s23+$0x7A20] =	vst v16;
	v15 =	vmul.f32 v18, v11;
	v16 =	vld [tilespmem:s23+$0x7A70]  }
0x199: {  	v18 =	vld [tilespmem:s10+$0x7A10];
	[tilespmem:s24+$0x7A70] =	vst v14;
	v12 =	vmul.f32 v17, v12  }
0x19a: {  	[tilespmem:s23+$0x7A30] =	vst v15;
	v14 =	vmul.f32 v20, v11;
	v15 =	vld [tilespmem:s16+$0x7A00]  }
0x19b: {  	v17 =	vmul.f32 v19, v11;
	v19 =	vld [tilespmem:s10+$0x7A20];
	[tilespmem:s28+$0x7A00] =	vst v12  }
0x19c: {  	[tilespmem:s23+$0x7A40] =	vst v14;
	v12 =	vmul.f32 v13, v11;
	v13 =	vld [tilespmem:s16+$0x7A10]  }
0x19d: {  	[tilespmem:s23+$0x7A50] =	vst v17;
	v11 =	vmul.f32 v16, v11;
	v14 =	vld [tilespmem:s16+$0x7A20]  }
0x19e: {  	[tilespmem:s23+$0x7A60] =	vst v12;
	v12 =	vmul.f32 v18, v3;
	v16 =	vld [tilespmem:s10+$0x7A30]  }
0x19f: {  	[tilespmem:s23+$0x7A70] =	vst v11;
	v11 =	vmul.f32 v15, v4;
	v15 =	vld [tilespmem:s16+$0x7A40]  }
0x1a0: {  	[tilespmem:s10+$0x7A10] =	vst v12;
	v12 =	vmul.f32 v19, v3;
	v17 =	vld [tilespmem:s21+$0x7A00]  }
0x1a1: {  	[tilespmem:s16+$0x7A00] =	vst v11;
	v11 =	vmul.f32 v13, v4;
	v13 =	vld [tilespmem:s16+$0x7A50]  }
0x1a2: {  	[tilespmem:s10+$0x7A20] =	vst v12;
	v12 =	vmul.f32 v14, v4;
	v14 =	vld [tilespmem:s16+$0x7A60]  }
0x1a3: {  	v16 =	vmul.f32 v16, v3;
	v18 =	vld [tilespmem:s10+$0x7A40];
	[tilespmem:s16+$0x7A10] =	vst v11  }
0x1a4: {  	[tilespmem:s16+$0x7A20] =	vst v12;
	v11 =	vmul.f32 v15, v4;
	v12 =	vld [tilespmem:s22+$0x7A10]  }
0x1a5: {  	[tilespmem:s10+$0x7A30] =	vst v16;
	v15 =	vmul.f32 v17, v8;
	v16 =	vld [tilespmem:s21+$0x7A20]  }
0x1a6: {  	[tilespmem:s16+$0x7A40] =	vst v11;
	v11 =	vmul.f32 v13, v4;
	v13 =	vld [tilespmem:s22+$0x7A00]  }
0x1a7: {  	v17 =	vld [tilespmem:s10+$0x7A50];
	[tilespmem:s21+$0x7A00] =	vst v15;
	v14 =	vmul.f32 v14, v4  }
0x1a8: {  	v15 =	vmul.f32 v18, v3;
	v18 =	vld [tilespmem:s10+$0x7A60];
	[tilespmem:s16+$0x7A50] =	vst v11  }
0x1a9: {  	[tilespmem:s16+$0x7A60] =	vst v14;
	v11 =	vmul.f32 v12, v10;
	v12 =	vld [tilespmem:s22+$0x7A70]  }
0x1aa: {  	[tilespmem:s10+$0x7A40] =	vst v15;
	v14 =	vmul.f32 v16, v8;
	v15 =	vld [tilespmem:s21+$0x7A60]  }
0x1ab: {  	v16 =	vld [tilespmem:s10+$0x7A70];
	v13 =	vmul.f32 v13, v10;
	[tilespmem:s22+$0x7A10] =	vst v11  }
0x1ac: {  	v11 =	vmul.f32 v17, v3;
	[tilespmem:s21+$0x7A20] =	vst v14;
	v14 =	vld [tilespmem:s24+$0x7A30]  }
0x1ad: {  	s4 =	sand.u32 $0x3FFFFF80, s17;
	v17 =	vmul.f32 v18, v3;
	[tilespmem:s22+$0x7A00] =	vst v13;
	v13 =	vld [tilespmem:s24+$0x7A40]  }
0x1ae: {  	[tilespmem:s10+$0x7A50] =	vst v11;
	v11 =	vld [tilespmem:s4+$0x7A00];
	v10 =	vmul.f32 v12, v10  }
0x1af: {  	v12 =	vld [tilespmem:s18+$0x7A70];
	[tilespmem:s10+$0x7A60] =	vst v17;
	v8 =	vmul.f32 v15, v8  }
0x1b0: {  	v15 =	vmul.f32 v16, v3;
	v16 =	vld [tilespmem:s25+$0x7A30];
	[tilespmem:s22+$0x7A70] =	vst v10  }
0x1b1: {  	[tilespmem:s21+$0x7A60] =	vst v8;
	v8 =	vld [tilespmem:s25+$0x7A40];
	v10 =	vmul.f32 v14, v9  }
0x1b2: {  	[tilespmem:s10+$0x7A70] =	vst v15;
	v14 =	vld [tilespmem:s25+$0x7A50];
	v9 =	vmul.f32 v13, v9  }
0x1b3: {  	v11 =	vmul.f32 v11, v2;
	v13 =	vld [tilespmem:s25+$0x7A60];
	[tilespmem:s24+$0x7A30] =	vst v10  }
0x1b4: {  	v5 =	vmul.f32 v12, v5;
	v10 =	vld [tilespmem:s25+$0x7A70];
	[tilespmem:s24+$0x7A40] =	vst v9  }
0x1b5: {  	[tilespmem:s4+$0x7A00] =	vst v11;
	v9 =	vld [tilespmem:s4+$0x7A10];
	v11 =	vmul.f32 v16, v7  }
0x1b6: {  	[tilespmem:s18+$0x7A70] =	vst v5;
	v5 =	vld [tilespmem:s4+$0x7A20];
	v8 =	vmul.f32 v8, v7  }
0x1b7: {  	v12 =	vld [tilespmem:s4+$0x7A30];
	[tilespmem:s25+$0x7A30] =	vst v11;
	v11 =	vmul.f32 v14, v7  }
0x1b8: {  	v14 =	vld [tilespmem:s4+$0x7A40];
	[tilespmem:s25+$0x7A40] =	vst v8;
	v8 =	vmul.f32 v13, v7  }
0x1b9: {  	v13 =	vld [tilespmem:s4+$0x7A50];
	[tilespmem:s25+$0x7A50] =	vst v11;
	v7 =	vmul.f32 v10, v7  }
0x1ba: {  	v9 =	vmul.f32 v9, v2;
	v10 =	vld [tilespmem:s4+$0x7A60];
	[tilespmem:s25+$0x7A60] =	vst v8  }
0x1bb: {  	v8 =	vld [tilespmem:s10+$0x7A00];
	v5 =	vmul.f32 v5, v2;
	[tilespmem:s25+$0x7A70] =	vst v7  }
0x1bc: {  	[tilespmem:s4+$0x7A10] =	vst v9;
	v7 =	vmul.f32 v12, v2;
	v9 =	vld [tilespmem:s4+$0x7A70]  }
0x1bd: {  	s8 =	sand.u32 $0x3FFFFF80, s15;
	[tilespmem:s4+$0x7A20] =	vst v5;
	v5 =	vmul.f32 v14, v2;
	v11 =	vld [tilespmem:s16+$0x7A30]  }
0x1be: {  	[tilespmem:s4+$0x7A30] =	vst v7;
	v7 =	vmul.f32 v13, v2;
	v12 =	vld [tilespmem:s8+$0x7A00]  }
0x1bf: {  	[tilespmem:s4+$0x7A40] =	vst v5;
	v5 =	vmul.f32 v10, v2;
	v10 =	vld [tilespmem:s8+$0x7A10]  }
0x1c0: {  	v3 =	vmul.f32 v8, v3;
	[tilespmem:s4+$0x7A50] =	vst v7;
	v7 =	vld [tilespmem:s8+$0x7A20]  }
0x1c1: {  	[tilespmem:s4+$0x7A60] =	vst v5;
	v2 =	vmul.f32 v9, v2;
	v5 =	vld [tilespmem:s8+$0x7A30]  }
0x1c2: {  	[tilespmem:s10+$0x7A00] =	vst v3;
	v3 =	vld [tilespmem:s8+$0x7A40];
	v4 =	vmul.f32 v11, v4  }
0x1c3: {  	[tilespmem:s4+$0x7A70] =	vst v2;
	v2 =	vmul.f32 v12, v6;
	v8 =	vld [tilespmem:s8+$0x7A50]  }
0x1c4: {  	v9 =	vmul.f32 v10, v6;
	v10 =	vld [tilespmem:s8+$0x7A60];
	[tilespmem:s16+$0x7A30] =	vst v4  }
0x1c5: {  	s4 =	sand.u32 $0x3FFFFF80, s14;
	[tilespmem:s8+$0x7A00] =	vst v2;
	v2 =	vmul.f32 v7, v6;
	v4 =	vld [tilespmem:s8+$0x7A70]  }
0x1c6: {  	[tilespmem:s8+$0x7A10] =	vst v9;
	v5 =	vmul.f32 v5, v6;
	v7 =	vld [tilespmem:s4+$0x7A00]  }
0x1c7: {  	[tilespmem:s8+$0x7A20] =	vst v2;
	v2 =	vmul.f32 v3, v6;
	v3 =	vld [tilespmem:s4+$0x7A10]  }
0x1c8: {  	[tilespmem:s8+$0x7A30] =	vst v5;
	v5 =	vmul.f32 v8, v6;
	v8 =	vld [tilespmem:s4+$0x7A20]  }
0x1c9: {  	[tilespmem:s8+$0x7A40] =	vst v2;
	v2 =	vmul.f32 v10, v6;
	v9 =	vld [tilespmem:s4+$0x7A30]  }
0x1ca: {  	[tilespmem:s8+$0x7A50] =	vst v5;
	v4 =	vmul.f32 v4, v6;
	v5 =	vld [tilespmem:s4+$0x7A40]  }
0x1cb: {  	[tilespmem:s8+$0x7A60] =	vst v2;
	v2 =	vmul.f32 v7, v1;
	v6 =	vld [tilespmem:s4+$0x7A50]  }
0x1cc: {  	[tilespmem:s8+$0x7A70] =	vst v4;
	v3 =	vmul.f32 v3, v1;
	v4 =	vld [tilespmem:s4+$0x7A60]  }
0x1cd: {  	[tilespmem:s4+$0x7A00] =	vst v2;
	v2 =	vmul.f32 v8, v1;
	v7 =	vld [tilespmem:s4+$0x7A70]  }
0x1ce: {  	[tilespmem:s4+$0x7A10] =	vst v3;
	v3 =	vmul.f32 v9, v1  }
.Ltmp2:
0x1cf: {  	[tilespmem:s4+$0x7A20] =	vst v2;
	v2 =	vmul.f32 v5, v1;
	(pc) =	sbr.rel @p0 .LBB2_7-.Ltmp2, $4  }
0x1d0: {  	[tilespmem:s4+$0x7A30] =	vst v3;
	v3 =	vmul.f32 v6, v1  }
0x1d1: {  	[tilespmem:s4+$0x7A40] =	vst v2;
	v2 =	vmul.f32 v4, v1  }
0x1d2: {  	[tilespmem:s4+$0x7A50] =	vst v3;
	v1 =	vmul.f32 v7, v1  }
0x1d3: {  	s10 =	smov.u32 s13;
	[tilespmem:s4+$0x7A60] =	vst v2  }
0x1d4: {  	p0 =	sge.u32 s12, s9;
	s18 =	sadd.s32 s20, s12  }
0x1d5: {  	[tilespmem:s4+$0x7A70] =	vst v1;
	s4 =	simm.s32 @p0 $0x40;
	s8 =	simm.s32 @p0 $0x7900;
	s10 =	simm.s32 @p0 $0x7A00  }
0x1d6: {  	[spmem:s2] =	stream.indirect.scatter.add.f32 @p0 [tilespmem:s10], [sflag:$0x5], $0x80, s8, s4, $0xb8;
	[tilespmem:$0x1F600] =	vst v63  }
0x1d7: {  	s8 =	simm.s32 @p0 $0x5;
	s4 =	sshll.u32 s18, $0x7  }
0x1d8: {  	_ =	swait.ge @p0 [sflag:s8], $0x2000;
	s13 =	sshrl.u32 @!p0 s4, $0x3  }
0x1d9: {  	s14 =	simm.s32 @!p0 $0x7700;
	[sflag:s8] =	ssyncset.done @p0 $0x0;
	s4 =	sadd.s32 @!p0 $0x10, s13  }
0x1da: {  	s10 =	simm.s32 @!p0 $0x0;
	[sflag:s8] =	ssyncadd.s32 @p0 $0xFFFFE000;
	s8 =	sadd.s32 @!p0 s6, s4  }
0x1db: {  	[tilespmem:s14], [sflag:$0x3] =	stream.linear.gather @!p0 [hbm4b:s8+s10], $0x40, $0x38;
	[tilespmem:$0x1F600] =	vst v63  }
0x1dc: {  	s4 =	sadd.s32 @!p0 s7, s4;
	s8 =	simm.s32 @!p0 $0x7780  }
0x1dd: {  	[tilespmem:s8], [sflag:$0x3] =	stream.linear.gather @!p0 [hbm4b:s4+s10], $0x40, $0x38;
	[tilespmem:$0x1F600] =	vst v63  }
0x1de: {  	s14 =	simm.s32 @!p0 $0x7A00;
	s4 =	simm.s32 @!p0 $0x40;
	s10 =	simm.s32 @!p0 $0x7900  }
0x1df: {  	[spmem:s2] =	stream.indirect.scatter.add.f32 @!p0 [tilespmem:s14], [sflag:$0x5], $0x80, s10, s4, $0xb8;
	[tilespmem:$0x1F600] =	vst v63  }
0x1e0: {  	s10 =	simm.s32 @!p0 $0x5  }
0x1e1: {  	_ =	swait.ge @!p0 [sflag:s10], $0x2000  }
0x1e2: {  	[sflag:s10] =	ssyncset.done @!p0 $0x0  }
0x1e3: {  	[sflag:s10] =	ssyncadd.s32 @!p0 $0xFFFFE000;
	s10 =	simm.s32 @!p0 $0x3  }
0x1e4: {  	_ =	swait.ge @!p0 [sflag:s10], $0x40  }
0x1e5: {  	[sflag:s10] =	ssyncset.done @!p0 $0x0  }
0x1e6: {  	[sflag:s10] =	ssyncadd.s32 @!p0 $0xFFFFFFC0  }
0x1e7: {  	_ =	swait.ge @!p0 [sflag:s10], $0x40  }
0x1e8: {  	[sflag:s10] =	ssyncset.done @!p0 $0x0  }
0x1e9: {  	[sflag:s10] =	ssyncadd.s32 @!p0 $0xFFFFFFC0  }
0x1ea: {  	[tilespmem:s14], [sflag:$0x1] =	stream.indirect.gather @!p0 [hbm4b:s1+s4], $0x80, s8, s4, $0xb8;
	[tilespmem:$0x1F600] =	vst v63  }
0x1eb: {  	_ =	swait.ge [sflag:s31], $0x2000  }
0x1ec: {  	[sflag:s31] =	ssyncset.done $0x0  }
0x1ed: {  	[sflag:s31] =	ssyncadd.s32 $0xFFFFE000  }
0x1ee: {  	v1 =	vld [tilespmem:$0x7880]  }
0x1ef: {  	v2 =	vld [tilespmem:$0x7800]  }
0x1f0: {  	v3 =	vld [tilespmem:$0x7810]  }
0x1f1: {  	v4 =	vld [tilespmem:$0x7890]  }
0x1f2: {  	v7 =	vld [tilespmem:$0x78A0]  }
0x1f3: {  	v25 =	vld [tilespmem:$0x7820];
	_ =	sdelay $0x1  }
0x1f4: {  	v12 =	vld [tilespmem:$0x78B0];
	v5 =	vshll.u32 v1, $0x1;
	v6 =	vshll.u32 v2, $0x1  }
0x1f5: {  	v1 =	vand.u32 $0x7F, v1;
	v8 =	vand.u32 $0x7F, v2;
	v26 =	vand.u32 $0x7F, v3  }
0x1f6: {  	v9 =	vshll.u32 v3, $0x1;
	v10 =	vshll.u32 v4, $0x1;
	v4 =	vand.u32 $0x7F, v4  }
0x1f7: {  	v27 =	vshll.u32 v7, $0x1;
	v28 =	vshll.u32 v25, $0x1;
	v7 =	vand.u32 $0x7F, v7  }
0x1f8: {  	v13 =	vand.u32 $0x7F, v25;
	v5 =	vand.u32 $0xFFFFFF00, v5;
	v6 =	vand.u32 $0xFFFFFF00, v6  }
0x1f9: {  	v11 =	vld [tilespmem:$0x7830];
	v14 =	vshll.u32 v12, $0x1;
	v1 =	vor.u32 v5, v1;
	v6 =	vor.u32 v8, v6  }
0x1fa: {  	v9 =	vand.u32 $0xFFFFFF00, v9;
	v10 =	vand.u32 $0xFFFFFF00, v10;
	v1 =	vor.u32 $0x80, v1  }
0x1fb: {  	v12 =	vand.u32 $0x7F, v12;
	v8 =	vor.u32 v26, v9;
	v4 =	vor.u32 v10, v4  }
0x1fc: {  	v9 =	vand.u32 $0xFFFFFF00, v27;
	v10 =	vand.u32 $0xFFFFFF00, v28;
	v4 =	vor.u32 $0x80, v4  }
0x1fd: {  	s17 =	simm.s32 $0x0;
	[tilespmem:$0x7980] =	vst v2;
	v14 =	vand.u32 $0xFFFFFF00, v14;
	v7 =	vor.u32 v9, v7;
	v29 =	vor.u32 v13, v10  }
0x1fe: {  	v31 =	vshll.u32 v11, $0x1;
	v12 =	vor.u32 v14, v12;
	v7 =	vor.u32 $0x80, v7;
	v6 =	vld.idx.msk [tilespmem:v6+s17+$0x0], $0xffff  }
0x1ff: {  	v30 =	vand.u32 $0x7F, v11;
	[tilespmem:$0x7990] =	vst v3;
	v13 =	vand.u32 $0xFFFFFF00, v31;
	v12 =	vor.u32 $0x80, v12;
	v1 =	vld.idx.msk [tilespmem:v1+s17+$0x0], $0xffff  }
0x200: {  	v10 =	vor.u32 v30, v13;
	v8 =	vld.idx.msk [tilespmem:v8+s17+$0x0], $0xffff  }
0x201: {  	[tilespmem:$0x79A0] =	vst v25;
	v4 =	vld.idx.msk [tilespmem:v4+s17+$0x0], $0xffff  }
0x202: {  	v9 =	vld.idx.msk [tilespmem:v29+s17+$0x0], $0xffff  }
0x203: {  	[tilespmem:$0x79B0] =	vst v11;
	v7 =	vld.idx.msk [tilespmem:v7+s17+$0x0], $0xffff  }
0x204: {  	v33 =	vld.idx.msk [tilespmem:v12+s17+$0x0], $0xffff;
	v1 =	vadd.f32 v1, v6  }
0x205: {  	v32 =	vld.idx.msk [tilespmem:v10+s17+$0x0], $0xffff  }
0x206: {  	v4 =	vadd.f32 v4, v8;
	v34 =	vmul.f32 $2.000000030e-01, v1  }
0x207: {  	vm0 =	vge.f32 v1, $0.0e+00  }
0x208: {  	v7 =	vadd.f32 v7, v9;
	v8 =	vmul.f32 $2.000000030e-01, v4;
	v1 =	vsel vm0, v1, v34  }
0x209: {  	vm13 =	vge.f32 v4, $0.0e+00;
	v1 =	vmul.f32 $1.442695020e+00, v1  }
0x20a: {  	v6 =	vadd.f32 v33, v32;
	v35 =	vmul.f32 $2.000000030e-01, v7;
	v4 =	vsel vm13, v4, v8  }
0x20b: {  	vm14 =	vge.f32 v7, $0.0e+00;
	(erf) = vpow2.f32 v1;
	v1 =	vmul.f32 $1.442695020e+00, v4  }
0x20c: {  	v37 =	vmul.f32 $2.000000030e-01, v6;
	v36 =	vsel vm14, v7, v35  }
0x20d: {  	vm15 =	vge.f32 v6, $0.0e+00;
	(erf) = vpow2.f32 v1;
	v1 =	vmul.f32 $1.442695020e+00, v36  }
0x20e: {  	v38 =	vsel vm15, v6, v37  }
0x20f: {  	(erf) = vpow2.f32 v1;
	v1 =	vmul.f32 $1.442695020e+00, v38;
	_ =	sdelay $0x1  }
0x210: {  	(erf) = vpow2.f32 v1;
	_ =	sdelay $0x2  }
0x211: {  	v1 =	vpop (erf)  }
0x212: {  	[tilespmem:$0x7680] =	vst v1  }
0x213: {  	v39 =	vpop (erf);
	[tilespmem:v2+s5+$0x0] =	vst.idx.add.f32.msk $0xffff, v1  }
0x214: {  	[tilespmem:$0x7690] =	vst v39  }
0x215: {  	v1 =	vpop (erf);
	[tilespmem:v3+s5+$0x0] =	vst.idx.add.f32.msk $0xffff, v39  }
0x216: {  	s22 =	sor.u32 $0x6, s17;
	[tilespmem:$0x76A0] =	vst v1  }
0x217: {  	s19 =	simm.s32 $0x0;
	s29 =	sor.u32 $0x7, s17;
	v48 =	vmov s22;
	[tilespmem:v25+s5+$0x0] =	vst.idx.add.f32.msk $0xffff, v1;
	v1 =	vpop (erf)  }
0x218: {  	s25 =	sand.u32 $0x3FFFFF80, s19;
	s19 =	sor.u32 $0x9, s17;
	v50 =	vmov s29;
	v49 =	vand.u32 $0xFFFFFFF6, v48;
	[tilespmem:$0x76B0] =	vst v1  }
0x219: {  	v55 =	vmov s19;
	v51 =	vbroadcast v49, $0x0;
	v10 =	vand.u32 $0xFFFFFFF7, v50;
	[tilespmem:v11+s5+$0x0] =	vst.idx.add.f32.msk $0xffff, v1  }
0x21a: {  	s23 =	sor.u32 $0xD, s17;
	v53 =	vbroadcast v10, $0x0;
	v10 =	vand.u32 $0xFFFFFFF9, v55;
	v41 =	vld [tilespmem:s25+$0x9A00]  }
0x21b: {  	s26 =	sor.u32 $0xE, s17;
	v20 =	vmov s23;
	v56 =	vbroadcast v10, $0x0;
	v15 =	vld [tilespmem:s25+$0x9A10]  }
0x21c: {  	v62 =	vmov s26;
	v61 =	vand.u32 $0xFFFFFFFD, v20;
	v16 =	vld [tilespmem:s25+$0x9A20]  }
0x21d: {  	v28 =	vbroadcast v61, $0x0;
	v29 =	vand.u32 $0xFFFFFFFE, v62;
	v17 =	vld [tilespmem:s25+$0x9A30]  }
0x21e: {  	v23 =	vbroadcast v29, $0x0;
	v18 =	vld [tilespmem:s25+$0x9A40]  }
0x21f: {  	s15 =	sor.u32 $0xB, s17;
	v10 =	vld.idx.msk [tilespmem:v51+s0+$0x0], $0xffff  }
0x220: {  	v57 =	vmov s15;
	s15 =	sshll.u32 s15, $0x7;
	v63 =	vld.idx.msk [tilespmem:v53+s0+$0x0], $0xffff  }
0x221: {  	s15 =	sand.u32 $0x3FFFFF80, s15;
	v7 =	vld.idx.msk [tilespmem:v56+s0+$0x0], $0xffff  }
0x222: {  	v4 =	vld [tilespmem:s15+$0x9A70]  }
0x223: {  	v8 =	vld.idx.msk [tilespmem:v28+s0+$0x0], $0xffff  }
0x224: {  	v13 =	vld.idx.msk [tilespmem:v23+s0+$0x0], $0xffff  }
0x225: {  	s21 =	sor.u32 $0x1, s17;
	v30 =	vld [tilespmem:s25+$0x9A50]  }
0x226: {  	s30 =	sshll.u32 s29, $0x7;
	s8 =	sshll.u32 s21, $0x7;
	v2 =	vmov s17;
	v31 =	vld [tilespmem:s25+$0x9A60]  }
0x227: {  	v1 =	vand.u32 $0xFFFFFFF0, v2;
	v2 =	vmov s21;
	s21 =	sand.u32 $0x3FFFFF80, s8;
	s8 =	sand.u32 $0x3FFFFF80, s30;
	v24 =	vld [tilespmem:s25+$0x9A70]  }
0x228: {  	v32 =	vld [tilespmem:s8+$0x9A00]  }
0x229: {  	v33 =	vld [tilespmem:s8+$0x9A10]  }
0x22a: {  	s24 =	sor.u32 $0xC, s17;
	s4 =	sor.u32 $0x4, s17;
	v35 =	vld [tilespmem:s8+$0x9A20]  }
0x22b: {  	v59 =	vmov s24;
	v43 =	vmov s4;
	s4 =	sshll.u32 s4, $0x7;
	v40 =	vbroadcast v1, $0x0;
	v37 =	vld [tilespmem:s8+$0x9A30]  }
0x22c: {  	s28 =	sor.u32 $0x8, s17;
	v60 =	vand.u32 $0xFFFFFFFC, v59;
	s4 =	sand.u32 $0x3FFFFF80, s4;
	v39 =	vld [tilespmem:s8+$0x9A40]  }
0x22d: {  	s18 =	sor.u32 $0x3, s17;
	v52 =	vmov s28;
	v21 =	vbroadcast v60, $0x0;
	s14 =	sor.u32 $0xF, s17;
	v1 =	vand.u32 $0xFFFFFFF1, v2;
	v60 =	vld [tilespmem:s4+$0x9A00]  }
0x22e: {  	s10 =	sor.u32 $0x2, s17;
	v3 =	vmov s14;
	v62 =	vld [tilespmem:s4+$0x9A10];
	v42 =	vbroadcast v1, $0x0;
	v1 =	vmov s18  }
0x22f: {  	v54 =	vand.u32 $0xFFFFFFF8, v52;
	v44 =	vmov s10;
	v26 =	vld [tilespmem:s4+$0x9A30];
	v1 =	vand.u32 $0xFFFFFFF3, v1  }
0x230: {  	v11 =	vbroadcast v54, $0x0;
	v45 =	vbroadcast v1, $0x0;
	v1 =	vand.u32 $0xFFFFFFF4, v43;
	v43 =	vld [tilespmem:s8+$0x9A70]  }
0x231: {  	s16 =	sor.u32 $0x5, s17;
	v46 =	vand.u32 $0xFFFFFFF2, v44;
	v19 =	vld.idx.msk [tilespmem:v40+s0+$0x0], $0xffff  }
0x232: {  	v2 =	vmov s16;
	v28 =	vld [tilespmem:s4+$0x9A40];
	v47 =	vbroadcast v1, $0x0;
	v44 =	vmul.f32 v37, v63  }
0x233: {  	v2 =	vand.u32 $0xFFFFFFF5, v2;
	v1 =	vld.idx.msk [tilespmem:v3+s0+$0x0], $0xffff;
	v3 =	vbroadcast v46, $0x0;
	v46 =	vmul.f32 v39, v63  }
0x234: {  	v2 =	vbroadcast v2, $0x0;
	v6 =	vld.idx.msk [tilespmem:v42+s0+$0x0], $0xffff;
	v42 =	vmul.f32 v35, v63;
	[tilespmem:s8+$0x9A30] =	vst v44  }
0x235: {  	v23 =	vld [tilespmem:s21+$0x9A10];
	[tilespmem:s8+$0x9A40] =	vst v46;
	v52 =	vmul.f32 v43, v63  }
0x236: {  	v22 =	vld.idx.msk [tilespmem:v11+s0+$0x0], $0xffff;
	[tilespmem:s8+$0x9A20] =	vst v42;
	v9 =	vmul.f32 v41, v19  }
0x237: {  	v11 =	vld.idx.msk [tilespmem:v21+s0+$0x0], $0xffff;
	[tilespmem:s8+$0x9A70] =	vst v52;
	v15 =	vmul.f32 v15, v19  }
0x238: {  	v40 =	vld [tilespmem:s8+$0x9A50];
	v16 =	vmul.f32 v16, v19;
	[tilespmem:s25+$0x9A00] =	vst v9  }
0x239: {  	v35 =	vld [tilespmem:s4+$0x9A70];
	v17 =	vmul.f32 v17, v19;
	[tilespmem:s25+$0x9A10] =	vst v15  }
0x23a: {  	v2 =	vld.idx.msk [tilespmem:v2+s0+$0x0], $0xffff;
	v18 =	vmul.f32 v18, v19;
	[tilespmem:s25+$0x9A20] =	vst v16  }
0x23b: {  	v5 =	vld.idx.msk [tilespmem:v45+s0+$0x0], $0xffff;
	v34 =	vmul.f32 v30, v19;
	[tilespmem:s25+$0x9A30] =	vst v17  }
0x23c: {  	v14 =	vld.idx.msk [tilespmem:v47+s0+$0x0], $0xffff;
	v36 =	vmul.f32 v31, v19;
	[tilespmem:s25+$0x9A40] =	vst v18  }
0x23d: {  	v12 =	vld.idx.msk [tilespmem:v3+s0+$0x0], $0xffff;
	v38 =	vmul.f32 v24, v19;
	[tilespmem:s25+$0x9A50] =	vst v34  }
0x23e: {  	v41 =	vld [tilespmem:s8+$0x9A60];
	v48 =	vmul.f32 v40, v63;
	[tilespmem:s25+$0x9A60] =	vst v36  }
0x23f: {  	v24 =	vld [tilespmem:s4+$0x9A20];
	v15 =	vmul.f32 v32, v63;
	[tilespmem:s25+$0x9A70] =	vst v38  }
0x240: {  	v31 =	vld [tilespmem:s4+$0x9A50];
	v16 =	vmul.f32 v33, v63;
	[tilespmem:s8+$0x9A50] =	vst v48  }
0x241: {  	s28 =	sshll.u32 s28, $0x7;
	v9 =	vld [tilespmem:s21+$0x9A00];
	[tilespmem:s8+$0x9A00] =	vst v15;
	v30 =	vmul.f32 v60, v14  }
0x242: {  	s25 =	sand.u32 $0x3FFFFF80, s28;
	v33 =	vld [tilespmem:s4+$0x9A60];
	[tilespmem:s8+$0x9A10] =	vst v16;
	v32 =	vmul.f32 v62, v14  }
0x243: {  	v45 =	vld [tilespmem:s25+$0x9A10];
	v37 =	vmul.f32 v26, v14;
	[tilespmem:s4+$0x9A00] =	vst v30  }
0x244: {  	v58 =	vand.u32 $0xFFFFFFFB, v57;
	v47 =	vld [tilespmem:s25+$0x9A00];
	v39 =	vmul.f32 v28, v14;
	[tilespmem:s4+$0x9A10] =	vst v32  }
0x245: {  	v3 =	vbroadcast v58, $0x0;
	v49 =	vld [tilespmem:s25+$0x9A20];
	v50 =	vmul.f32 v41, v63;
	[tilespmem:s4+$0x9A30] =	vst v37  }
0x246: {  	v51 =	vld [tilespmem:s25+$0x9A30];
	v34 =	vmul.f32 v24, v14;
	[tilespmem:s4+$0x9A40] =	vst v39  }
0x247: {  	v53 =	vld [tilespmem:s25+$0x9A40];
	v41 =	vmul.f32 v31, v14;
	[tilespmem:s8+$0x9A60] =	vst v50  }
0x248: {  	v55 =	vld [tilespmem:s25+$0x9A50];
	[tilespmem:s4+$0x9A20] =	vst v34;
	v16 =	vmul.f32 v33, v14  }
0x249: {  	v57 =	vld [tilespmem:s25+$0x9A60];
	[tilespmem:s4+$0x9A50] =	vst v41;
	v14 =	vmul.f32 v35, v14  }
0x24a: {  	s29 =	sshll.u32 s26, $0x7;
	v59 =	vld [tilespmem:s25+$0x9A70];
	v9 =	vmul.f32 v9, v6;
	[tilespmem:s4+$0x9A60] =	vst v16  }
0x24b: {  	v3 =	vld.idx.msk [tilespmem:v3+s0+$0x0], $0xffff;
	s8 =	sand.u32 $0x3FFFFF80, s29;
	v54 =	vmul.f32 v45, v22;
	[tilespmem:s4+$0x9A70] =	vst v14  }
0x24c: {  	v56 =	vmul.f32 v47, v22;
	v36 =	vld [tilespmem:s8+$0x9A10];
	[tilespmem:s21+$0x9A00] =	vst v9  }
0x24d: {  	v58 =	vmul.f32 v49, v22;
	v38 =	vld [tilespmem:s8+$0x9A20];
	[tilespmem:s25+$0x9A10] =	vst v54  }
0x24e: {  	v61 =	vmul.f32 v51, v22;
	v40 =	vld [tilespmem:s8+$0x9A50];
	[tilespmem:s25+$0x9A00] =	vst v56  }
0x24f: {  	v63 =	vmul.f32 v53, v22;
	v42 =	vld [tilespmem:s8+$0x9A30];
	[tilespmem:s25+$0x9A20] =	vst v58  }
0x250: {  	v25 =	vmul.f32 v55, v22;
	v43 =	vld [tilespmem:s8+$0x9A40];
	[tilespmem:s25+$0x9A30] =	vst v61  }
0x251: {  	v27 =	vmul.f32 v57, v22;
	v45 =	vld [tilespmem:s8+$0x9A60];
	[tilespmem:s25+$0x9A40] =	vst v63  }
0x252: {  	s30 =	sshll.u32 s10, $0x7;
	v47 =	vld [tilespmem:s8+$0x9A70];
	[tilespmem:s25+$0x9A50] =	vst v25;
	v44 =	vmul.f32 v36, v13  }
0x253: {  	v49 =	vld [tilespmem:s8+$0x9A00];
	s4 =	sand.u32 $0x3FFFFF80, s30;
	[tilespmem:s25+$0x9A60] =	vst v27;
	v46 =	vmul.f32 v38, v13  }
0x254: {  	v51 =	vld [tilespmem:s4+$0x9A00];
	v48 =	vmul.f32 v40, v13;
	[tilespmem:s8+$0x9A10] =	vst v44  }
0x255: {  	v53 =	vld [tilespmem:s4+$0x9A10];
	v50 =	vmul.f32 v42, v13;
	[tilespmem:s8+$0x9A20] =	vst v46  }
0x256: {  	v55 =	vld [tilespmem:s4+$0x9A20];
	v52 =	vmul.f32 v43, v13;
	[tilespmem:s8+$0x9A50] =	vst v48  }
0x257: {  	v57 =	vld [tilespmem:s4+$0x9A30];
	v54 =	vmul.f32 v45, v13;
	[tilespmem:s8+$0x9A30] =	vst v50  }
0x258: {  	v58 =	vld [tilespmem:s4+$0x9A40];
	v56 =	vmul.f32 v47, v13;
	[tilespmem:s8+$0x9A40] =	vst v52  }
0x259: {  	v60 =	vld [tilespmem:s4+$0x9A50];
	v13 =	vmul.f32 v49, v13;
	[tilespmem:s8+$0x9A60] =	vst v54  }
0x25a: {  	s10 =	sshll.u32 s24, $0x7;
	v29 =	vmul.f32 v59, v22;
	v62 =	vld [tilespmem:s4+$0x9A60];
	[tilespmem:s8+$0x9A70] =	vst v56  }
0x25b: {  	v24 =	vld [tilespmem:s4+$0x9A70];
	v4 =	vmul.f32 v4, v3;
	[tilespmem:s8+$0x9A00] =	vst v13;
	s8 =	sand.u32 $0x3FFFFF80, s10  }
0x25c: {  	[tilespmem:s25+$0x9A70] =	vst v29;
	v59 =	vmul.f32 v51, v12;
	v25 =	vld [tilespmem:s8+$0x9A20]  }
0x25d: {  	[tilespmem:s15+$0x9A70] =	vst v4;
	v61 =	vmul.f32 v53, v12;
	v27 =	vld [tilespmem:s8+$0x9A30]  }
0x25e: {  	v63 =	vmul.f32 v55, v12;
	v28 =	vld [tilespmem:s8+$0x9A40];
	[tilespmem:s4+$0x9A00] =	vst v59  }
0x25f: {  	v26 =	vmul.f32 v57, v12;
	v30 =	vld [tilespmem:s8+$0x9A50];
	[tilespmem:s4+$0x9A10] =	vst v61  }
0x260: {  	v14 =	vmul.f32 v58, v12;
	v32 =	vld [tilespmem:s8+$0x9A60];
	[tilespmem:s4+$0x9A20] =	vst v63  }
0x261: {  	v29 =	vmul.f32 v60, v12;
	v34 =	vld [tilespmem:s8+$0x9A10];
	[tilespmem:s4+$0x9A30] =	vst v26  }
0x262: {  	v31 =	vmul.f32 v62, v12;
	v36 =	vld [tilespmem:s8+$0x9A00];
	[tilespmem:s4+$0x9A40] =	vst v14  }
0x263: {  	v12 =	vmul.f32 v24, v12;
	v38 =	vld [tilespmem:s8+$0x9A70];
	[tilespmem:s4+$0x9A50] =	vst v29  }
0x264: {  	s22 =	sshll.u32 s22, $0x7;
	[tilespmem:s4+$0x9A60] =	vst v31;
	v29 =	vld [tilespmem:s21+$0x9A40];
	v33 =	vmul.f32 v25, v11  }
0x265: {  	[tilespmem:s4+$0x9A70] =	vst v12;
	s4 =	sand.u32 $0x3FFFFF80, s22;
	v31 =	vld [tilespmem:s21+$0x9A50];
	v35 =	vmul.f32 v27, v11  }
0x266: {  	v39 =	vld [tilespmem:s4+$0x9A30];
	v37 =	vmul.f32 v28, v11;
	[tilespmem:s8+$0x9A20] =	vst v33  }
0x267: {  	v41 =	vld [tilespmem:s4+$0x9A40];
	v40 =	vmul.f32 v30, v11;
	[tilespmem:s8+$0x9A30] =	vst v35  }
0x268: {  	v43 =	vld [tilespmem:s4+$0x9A50];
	v42 =	vmul.f32 v32, v11;
	[tilespmem:s8+$0x9A40] =	vst v37  }
0x269: {  	v45 =	vld [tilespmem:s4+$0x9A10];
	v44 =	vmul.f32 v34, v11;
	[tilespmem:s8+$0x9A50] =	vst v40  }
0x26a: {  	v47 =	vld [tilespmem:s4+$0x9A70];
	v46 =	vmul.f32 v36, v11;
	[tilespmem:s8+$0x9A60] =	vst v42  }
0x26b: {  	v49 =	vld [tilespmem:s4+$0x9A00];
	v11 =	vmul.f32 v38, v11;
	[tilespmem:s8+$0x9A10] =	vst v44  }
0x26c: {  	v51 =	vld [tilespmem:s4+$0x9A20];
	v48 =	vmul.f32 v39, v10;
	[tilespmem:s8+$0x9A00] =	vst v46  }
0x26d: {  	v53 =	vld [tilespmem:s4+$0x9A60];
	[tilespmem:s8+$0x9A70] =	vst v11;
	v50 =	vmul.f32 v41, v10  }
0x26e: {  	v25 =	vld [tilespmem:s21+$0x9A20];
	v52 =	vmul.f32 v43, v10;
	[tilespmem:s4+$0x9A30] =	vst v48  }
0x26f: {  	v27 =	vld [tilespmem:s21+$0x9A30];
	v13 =	vmul.f32 v45, v10;
	[tilespmem:s4+$0x9A40] =	vst v50  }
0x270: {  	s23 =	sshll.u32 s23, $0x7;
	v34 =	vld [tilespmem:s21+$0x9A60];
	v16 =	vmul.f32 v47, v10;
	[tilespmem:s4+$0x9A50] =	vst v52  }
0x271: {  	v36 =	vld [tilespmem:s21+$0x9A70];
	s8 =	sand.u32 $0x3FFFFF80, s23;
	v57 =	vmul.f32 v49, v10;
	[tilespmem:s4+$0x9A10] =	vst v13  }
0x272: {  	v14 =	vmul.f32 v51, v10;
	v54 =	vld [tilespmem:s8+$0x9A50];
	[tilespmem:s4+$0x9A70] =	vst v16  }
0x273: {  	v10 =	vmul.f32 v53, v10;
	v55 =	vld [tilespmem:s8+$0x9A60];
	[tilespmem:s4+$0x9A00] =	vst v57  }
0x274: {  	v33 =	vmul.f32 v23, v6;
	v56 =	vld [tilespmem:s8+$0x9A00];
	[tilespmem:s4+$0x9A20] =	vst v14  }
0x275: {  	v39 =	vmul.f32 v29, v6;
	v58 =	vld [tilespmem:s8+$0x9A10];
	[tilespmem:s4+$0x9A60] =	vst v10  }
0x276: {  	v41 =	vmul.f32 v31, v6;
	v59 =	vld [tilespmem:s8+$0x9A20];
	[tilespmem:s21+$0x9A10] =	vst v33  }
0x277: {  	v61 =	vld [tilespmem:s8+$0x9A70];
	[tilespmem:s21+$0x9A40] =	vst v39;
	v35 =	vmul.f32 v25, v6  }
0x278: {  	v63 =	vld [tilespmem:s8+$0x9A30];
	[tilespmem:s21+$0x9A50] =	vst v41;
	v37 =	vmul.f32 v27, v6  }
0x279: {  	s25 =	sshll.u32 s19, $0x7;
	v22 =	vld [tilespmem:s8+$0x9A40];
	v43 =	vmul.f32 v34, v6;
	[tilespmem:s21+$0x9A20] =	vst v35  }
0x27a: {  	s4 =	sand.u32 $0x3FFFFF80, s25;
	v33 =	vld [tilespmem:s15+$0x9A10];
	v6 =	vmul.f32 v36, v6;
	[tilespmem:s21+$0x9A30] =	vst v37  }
0x27b: {  	s24 =	sor.u32 $0xA, s17;
	v38 =	vld [tilespmem:s4+$0x9A00];
	[tilespmem:s21+$0x9A60] =	vst v43;
	v11 =	vmul.f32 v54, v8  }
0x27c: {  	v60 =	vmov s24;
	v40 =	vld [tilespmem:s4+$0x9A10];
	[tilespmem:s21+$0x9A70] =	vst v6;
	v12 =	vmul.f32 v55, v8  }
0x27d: {  	v62 =	vand.u32 $0xFFFFFFFA, v60;
	v42 =	vld [tilespmem:s4+$0x9A20];
	v21 =	vmul.f32 v56, v8;
	[tilespmem:s8+$0x9A50] =	vst v11  }
0x27e: {  	v10 =	vbroadcast v62, $0x0;
	v44 =	vld [tilespmem:s4+$0x9A30];
	v24 =	vmul.f32 v58, v8;
	[tilespmem:s8+$0x9A60] =	vst v12  }
0x27f: {  	v45 =	vld [tilespmem:s4+$0x9A40];
	v26 =	vmul.f32 v59, v8;
	[tilespmem:s8+$0x9A00] =	vst v21  }
0x280: {  	v47 =	vld [tilespmem:s4+$0x9A50];
	v28 =	vmul.f32 v61, v8;
	[tilespmem:s8+$0x9A10] =	vst v24  }
0x281: {  	v49 =	vld [tilespmem:s4+$0x9A60];
	v30 =	vmul.f32 v63, v8;
	[tilespmem:s8+$0x9A20] =	vst v26  }
0x282: {  	v51 =	vld [tilespmem:s4+$0x9A70];
	v32 =	vmul.f32 v22, v8;
	[tilespmem:s8+$0x9A70] =	vst v28  }
0x283: {  	v37 =	vld [tilespmem:s15+$0x9A40];
	[tilespmem:s8+$0x9A30] =	vst v30;
	v46 =	vmul.f32 v38, v7  }
0x284: {  	s26 =	sshll.u32 s18, $0x7;
	v8 =	vld.idx.msk [tilespmem:v10+s0+$0x0], $0xffff;
	[tilespmem:s8+$0x9A40] =	vst v32;
	v48 =	vmul.f32 v40, v7  }
0x285: {  	v50 =	vmul.f32 v42, v7;
	s8 =	sand.u32 $0x3FFFFF80, s26;
	v40 =	vld [tilespmem:s15+$0x9A60];
	[tilespmem:s4+$0x9A00] =	vst v46  }
0x286: {  	v11 =	vmul.f32 v44, v7;
	v52 =	vld [tilespmem:s8+$0x9A10];
	[tilespmem:s4+$0x9A10] =	vst v48  }
0x287: {  	v10 =	vmul.f32 v45, v7;
	v53 =	vld [tilespmem:s8+$0x9A20];
	[tilespmem:s4+$0x9A20] =	vst v50  }
0x288: {  	v55 =	vmul.f32 v47, v7;
	v54 =	vld [tilespmem:s8+$0x9A30];
	[tilespmem:s4+$0x9A30] =	vst v11  }
0x289: {  	v57 =	vmul.f32 v49, v7;
	v56 =	vld [tilespmem:s8+$0x9A40];
	[tilespmem:s4+$0x9A40] =	vst v10  }
0x28a: {  	v7 =	vmul.f32 v51, v7;
	v58 =	vld [tilespmem:s8+$0x9A50];
	[tilespmem:s4+$0x9A50] =	vst v55  }
0x28b: {  	v42 =	vmul.f32 v33, v3;
	v59 =	vld [tilespmem:s8+$0x9A60];
	[tilespmem:s4+$0x9A60] =	vst v57  }
0x28c: {  	s28 =	sshll.u32 s16, $0x7;
	v61 =	vld [tilespmem:s8+$0x9A70];
	[tilespmem:s4+$0x9A70] =	vst v7;
	v45 =	vmul.f32 v37, v3  }
0x28d: {  	v63 =	vld [tilespmem:s8+$0x9A00];
	s4 =	sand.u32 $0x3FFFFF80, s28;
	[tilespmem:s15+$0x9A10] =	vst v42;
	v48 =	vmul.f32 v40, v3  }
0x28e: {  	v17 =	vld [tilespmem:s4+$0x9A00];
	[tilespmem:s15+$0x9A40] =	vst v45;
	v6 =	vmul.f32 v52, v5  }
0x28f: {  	v19 =	vld [tilespmem:s4+$0x9A10];
	v60 =	vmul.f32 v53, v5;
	[tilespmem:s15+$0x9A60] =	vst v48  }
0x290: {  	v21 =	vld [tilespmem:s4+$0x9A20];
	v62 =	vmul.f32 v54, v5;
	[tilespmem:s8+$0x9A10] =	vst v6  }
0x291: {  	v23 =	vld [tilespmem:s4+$0x9A30];
	v16 =	vmul.f32 v56, v5;
	[tilespmem:s8+$0x9A20] =	vst v60  }
0x292: {  	v24 =	vld [tilespmem:s4+$0x9A40];
	v18 =	vmul.f32 v58, v5;
	[tilespmem:s8+$0x9A30] =	vst v62  }
0x293: {  	v26 =	vld [tilespmem:s4+$0x9A50];
	v20 =	vmul.f32 v59, v5;
	[tilespmem:s8+$0x9A40] =	vst v16  }
0x294: {  	v28 =	vld [tilespmem:s4+$0x9A60];
	v22 =	vmul.f32 v61, v5;
	[tilespmem:s8+$0x9A50] =	vst v18  }
0x295: {  	v30 =	vld [tilespmem:s4+$0x9A70];
	v5 =	vmul.f32 v63, v5;
	[tilespmem:s8+$0x9A60] =	vst v20  }
0x296: {  	[tilespmem:s8+$0x9A70] =	vst v22;
	v25 =	vmul.f32 v17, v2  }
0x297: {  	v31 =	vld [tilespmem:s15+$0x9A00];
	[tilespmem:s8+$0x9A00] =	vst v5;
	v27 =	vmul.f32 v19, v2  }
0x298: {  	v29 =	vmul.f32 v21, v2;
	v32 =	vmul.f32 v23, v2;
	[tilespmem:s4+$0x9A00] =	vst v25  }
0x299: {  	v35 =	vld [tilespmem:s15+$0x9A20];
	v34 =	vmul.f32 v24, v2;
	v36 =	vmul.f32 v26, v2;
	[tilespmem:s4+$0x9A10] =	vst v27  }
0x29a: {  	s29 =	sshll.u32 s24, $0x7;
	v38 =	vmul.f32 v28, v2;
	v2 =	vmul.f32 v30, v2;
	[tilespmem:s4+$0x9A20] =	vst v29  }
0x29b: {  	v39 =	vld [tilespmem:s15+$0x9A50];
	s8 =	sand.u32 $0x3FFFFF80, s29;
	[tilespmem:s4+$0x9A30] =	vst v32  }
0x29c: {  	v43 =	vld [tilespmem:s8+$0x9A00];
	[tilespmem:s4+$0x9A70] =	vst v2;
	v2 =	vmul.f32 v31, v3  }
0x29d: {  	v41 =	vld [tilespmem:s15+$0x9A30];
	[tilespmem:s4+$0x9A40] =	vst v34  }
0x29e: {  	v46 =	vld [tilespmem:s8+$0x9A20];
	[tilespmem:s15+$0x9A00] =	vst v2;
	v2 =	vmul.f32 v35, v3  }
0x29f: {  	v44 =	vld [tilespmem:s8+$0x9A10];
	[tilespmem:s4+$0x9A50] =	vst v36  }
0x2a0: {  	v49 =	vld [tilespmem:s8+$0x9A40];
	[tilespmem:s15+$0x9A20] =	vst v2;
	v2 =	vmul.f32 v39, v3  }
0x2a1: {  	v47 =	vld [tilespmem:s8+$0x9A30];
	[tilespmem:s4+$0x9A60] =	vst v38;
	v50 =	vmul.f32 v43, v8  }
0x2a2: {  	v51 =	vld [tilespmem:s8+$0x9A60];
	[tilespmem:s15+$0x9A50] =	vst v2;
	v2 =	vmul.f32 v41, v3  }
0x2a3: {  	s30 =	sshll.u32 s14, $0x7;
	v53 =	vmul.f32 v46, v8;
	v3 =	vld [tilespmem:s8+$0x9A50];
	[tilespmem:s8+$0x9A00] =	vst v50  }
0x2a4: {  	v52 =	vld [tilespmem:s8+$0x9A70];
	s4 =	sand.u32 $0x3FFFFF80, s30;
	[tilespmem:s15+$0x9A30] =	vst v2;
	v2 =	vmul.f32 v44, v8  }
0x2a5: {  	v54 =	vld [tilespmem:s4+$0x9A00];
	v56 =	vmul.f32 v49, v8;
	[tilespmem:s8+$0x9A20] =	vst v53  }
0x2a6: {  	v55 =	vld [tilespmem:s4+$0x9A10];
	[tilespmem:s8+$0x9A10] =	vst v2;
	v2 =	vmul.f32 v47, v8  }
0x2a7: {  	v57 =	vld [tilespmem:s4+$0x9A20];
	v58 =	vmul.f32 v51, v8;
	[tilespmem:s8+$0x9A40] =	vst v56  }
0x2a8: {  	[tilespmem:s8+$0x9A30] =	vst v2;
	v2 =	vmul.f32 v3, v8;
	v3 =	vld [tilespmem:s4+$0x9A30]  }
0x2a9: {  	v59 =	vld [tilespmem:s4+$0x9A40];
	v7 =	vmul.f32 v52, v8;
	[tilespmem:s8+$0x9A60] =	vst v58  }
0x2aa: {  	v60 =	vld [tilespmem:s4+$0x9A50];
	[tilespmem:s8+$0x9A50] =	vst v2;
	v2 =	vmul.f32 v54, v1  }
0x2ab: {  	v61 =	vld [tilespmem:s4+$0x9A60];
	v62 =	vmul.f32 v55, v1;
	[tilespmem:s8+$0x9A70] =	vst v7  }
0x2ac: {  	[tilespmem:s4+$0x9A00] =	vst v2;
	v2 =	vmul.f32 v57, v1  }
0x2ad: {  	v63 =	vld [tilespmem:s4+$0x9A70];
	[tilespmem:s4+$0x9A10] =	vst v62;
	v3 =	vmul.f32 v3, v1  }
0x2ae: {  	[tilespmem:s4+$0x9A20] =	vst v2;
	v2 =	vmul.f32 v59, v1  }
0x2af: {  	[tilespmem:s4+$0x9A30] =	vst v3;
	v3 =	vmul.f32 v60, v1  }
0x2b0: {  	[tilespmem:s4+$0x9A40] =	vst v2;
	v2 =	vmul.f32 v61, v1  }
0x2b1: {  	[tilespmem:s4+$0x9A50] =	vst v3  }
0x2b2: {  	s17 =	simm.s32 $0x10;
	v1 =	vmul.f32 v63, v1;
	[tilespmem:s4+$0x9A60] =	vst v2  }
.LBB2_9:
0x2b3: {  	s8 =	sshll.u32 s17, $0x7  }
0x2b4: {  	v2 =	vmov s17;
	s14 =	sor.u32 $0x1, s17;
	s15 =	sor.u32 $0xF, s17;
	[tilespmem:s4+$0x9A70] =	vst v1;
	s4 =	smov.u32 s17  }
0x2b5: {  	s16 =	sor.u32 $0x5, s17;
	v1 =	vand.u32 $0xFFFFFFF0, v2;
	s10 =	sand.u32 $0x3FFFFF80, s8;
	v2 =	vmov s14;
	s8 =	sor.u32 $0xA, s17;
	v3 =	vmov s15  }
0x2b6: {  	s18 =	sor.u32 $0x3, s17;
	s19 =	sshll.u32 s14, $0x7;
	s14 =	sor.u32 $0x2, s17;
	v4 =	vbroadcast v1, $0x0;
	v6 =	vld [tilespmem:s10+$0x9A00];
	v1 =	vand.u32 $0xFFFFFFF1, v2;
	v2 =	vmov s16  }
0x2b7: {  	s21 =	sshll.u32 s18, $0x7;
	s24 =	sshll.u32 s14, $0x7;
	v7 =	vld [tilespmem:s10+$0x9A10];
	v5 =	vbroadcast v1, $0x0;
	v1 =	vmov s18;
	s18 =	sor.u32 $0x4, s17;
	v2 =	vand.u32 $0xFFFFFFF5, v2  }
0x2b8: {  	v9 =	vld [tilespmem:s10+$0x9A20];
	v1 =	vand.u32 $0xFFFFFFF3, v1;
	v8 =	vmov s18;
	s28 =	sshll.u32 s18, $0x7;
	v2 =	vbroadcast v2, $0x0;
	s18 =	sshll.u32 s16, $0x7;
	s16 =	sshll.u32 s8, $0x7  }
0x2b9: {  	s22 =	sor.u32 $0x6, s4;
	s15 =	sshll.u32 s15, $0x7;
	v11 =	vmov s14;
	s14 =	sadd.s32 $0x10, s17;
	v10 =	vld [tilespmem:s10+$0x9A30];
	v12 =	vbroadcast v1, $0x0;
	v1 =	vand.u32 $0xFFFFFFF4, v8  }
0x2ba: {  	p1 =	slt.u32 s17, $0x30;
	s25 =	sor.u32 $0x7, s4;
	v13 =	vmov s22;
	v8 =	vand.u32 $0xFFFFFFF2, v11;
	v11 =	vbroadcast v1, $0x0;
	v1 =	vld.idx.msk [tilespmem:v3+s0+$0x0], $0xffff  }
0x2bb: {  	s17 =	sor.u32 $0x8, s4;
	v8 =	vbroadcast v8, $0x0;
	v3 =	vand.u32 $0xFFFFFFF6, v13;
	v13 =	vmov s25;
	v16 =	vld [tilespmem:s10+$0x9A40]  }
0x2bc: {  	s29 =	sshll.u32 s17, $0x7;
	v17 =	vld.idx.msk [tilespmem:v4+s0+$0x0], $0xffff;
	v4 =	vbroadcast v3, $0x0;
	v3 =	vand.u32 $0xFFFFFFF7, v13;
	v13 =	vmov s17;
	s17 =	sor.u32 $0x9, s4  }
0x2bd: {  	v5 =	vld.idx.msk [tilespmem:v5+s0+$0x0], $0xffff;
	v14 =	vbroadcast v3, $0x0;
	v3 =	vand.u32 $0xFFFFFFF8, v13;
	v13 =	vmov s17;
	s26 =	sshll.u32 s17, $0x7  }
0x2be: {  	v19 =	vmov s8;
	s8 =	sor.u32 $0xB, s4;
	v2 =	vld.idx.msk [tilespmem:v2+s0+$0x0], $0xffff;
	v18 =	vbroadcast v3, $0x0;
	v13 =	vand.u32 $0xFFFFFFF9, v13  }
0x2bf: {  	s23 =	sor.u32 $0xC, s4;
	v15 =	vmov s8;
	v3 =	vld.idx.msk [tilespmem:v12+s0+$0x0], $0xffff;
	v12 =	vbroadcast v13, $0x0  }
0x2c0: {  	v20 =	vmov s23;
	v15 =	vand.u32 $0xFFFFFFFB, v15;
	s17 =	sor.u32 $0xD, s4;
	v13 =	vld.idx.msk [tilespmem:v11+s0+$0x0], $0xffff  }
0x2c1: {  	v21 =	vbroadcast v15, $0x0;
	v15 =	vand.u32 $0xFFFFFFFC, v20;
	s4 =	sor.u32 $0xE, s4;
	v20 =	vmov s17;
	s30 =	sshll.u32 s17, $0x7;
	v11 =	vld.idx.msk [tilespmem:v8+s0+$0x0], $0xffff  }
0x2c2: {  	v22 =	vbroadcast v15, $0x0;
	v8 =	vld.idx.msk [tilespmem:v4+s0+$0x0], $0xffff;
	v4 =	vand.u32 $0xFFFFFFFD, v20;
	v20 =	vmov s4  }
0x2c3: {  	v6 =	vmul.f32 v6, v17;
	v15 =	vld.idx.msk [tilespmem:v14+s0+$0x0], $0xffff;
	v23 =	vbroadcast v4, $0x0;
	v4 =	vand.u32 $0xFFFFFFFE, v20  }
0x2c4: {  	s8 =	sshll.u32 s8, $0x7;
	v20 =	vmul.f32 v7, v17;
	v14 =	vld.idx.msk [tilespmem:v18+s0+$0x0], $0xffff;
	v18 =	vbroadcast v4, $0x0  }
0x2c5: {  	s17 =	sand.u32 $0x3FFFFF80, s8;
	v4 =	vmul.f32 v9, v17;
	[tilespmem:s10+$0x9A00] =	vst v6;
	v6 =	vmul.f32 v10, v17;
	v7 =	vld.idx.msk [tilespmem:v12+s0+$0x0], $0xffff  }
0x2c6: {  	v9 =	vmul.f32 v16, v17;
	[tilespmem:s10+$0x9A10] =	vst v20;
	v16 =	vld [tilespmem:s17+$0x9A70]  }
0x2c7: {  	[tilespmem:s10+$0x9A20] =	vst v4;
	v4 =	vld.idx.msk [tilespmem:v21+s0+$0x0], $0xffff  }
0x2c8: {  	[tilespmem:s10+$0x9A30] =	vst v6;
	v10 =	vld.idx.msk [tilespmem:v22+s0+$0x0], $0xffff  }
0x2c9: {  	[tilespmem:s10+$0x9A40] =	vst v9;
	v9 =	vld.idx.msk [tilespmem:v23+s0+$0x0], $0xffff  }
0x2ca: {  	v12 =	vld.idx.msk [tilespmem:v18+s0+$0x0], $0xffff  }
0x2cb: {  	v6 =	vld [tilespmem:s10+$0x9A50]  }
0x2cc: {  	v18 =	vld [tilespmem:s10+$0x9A60]  }
0x2cd: {  	s19 =	sand.u32 $0x3FFFFF80, s19;
	v19 =	vand.u32 $0xFFFFFFFA, v19;
	v16 =	vmul.f32 v16, v4;
	v20 =	vld [tilespmem:s10+$0x9A70]  }
0x2ce: {  	v19 =	vbroadcast v19, $0x0;
	v21 =	vld [tilespmem:s19+$0x9A00]  }
0x2cf: {  	v22 =	vld [tilespmem:s19+$0x9A10];
	[tilespmem:s17+$0x9A70] =	vst v16  }
0x2d0: {  	v6 =	vmul.f32 v6, v17;
	v16 =	vld [tilespmem:s19+$0x9A20]  }
0x2d1: {  	v18 =	vmul.f32 v18, v17;
	v23 =	vld [tilespmem:s19+$0x9A30]  }
0x2d2: {  	[tilespmem:s10+$0x9A50] =	vst v6;
	v6 =	vmul.f32 v20, v17;
	v17 =	vld [tilespmem:s19+$0x9A40]  }
0x2d3: {  	s8 =	sshll.u32 s22, $0x7;
	[tilespmem:s10+$0x9A60] =	vst v18;
	v18 =	vmul.f32 v21, v5;
	v20 =	vld [tilespmem:s19+$0x9A50]  }
0x2d4: {  	s22 =	sand.u32 $0x3FFFFF80, s8;
	[tilespmem:s10+$0x9A70] =	vst v6;
	v21 =	vmul.f32 v22, v5;
	v6 =	vld.idx.msk [tilespmem:v19+s0+$0x0], $0xffff  }
0x2d5: {  	s8 =	sshll.u32 s23, $0x7;
	[tilespmem:s19+$0x9A00] =	vst v18;
	v16 =	vmul.f32 v16, v5;
	v18 =	vld [tilespmem:s22+$0x9A30]  }
0x2d6: {  	s23 =	sand.u32 $0x3FFFFF80, s8;
	[tilespmem:s19+$0x9A10] =	vst v21;
	v19 =	vmul.f32 v23, v5;
	v21 =	vld [tilespmem:s22+$0x9A40]  }
0x2d7: {  	[tilespmem:s19+$0x9A20] =	vst v16;
	v16 =	vmul.f32 v17, v5;
	v17 =	vld [tilespmem:s23+$0x9A20]  }
0x2d8: {  	[tilespmem:s19+$0x9A30] =	vst v19;
	v19 =	vmul.f32 v20, v5;
	v20 =	vld [tilespmem:s23+$0x9A30]  }
0x2d9: {  	[tilespmem:s19+$0x9A40] =	vst v16;
	v16 =	vld [tilespmem:s23+$0x9A40]  }
0x2da: {  	[tilespmem:s19+$0x9A50] =	vst v19;
	v18 =	vmul.f32 v18, v8;
	v19 =	vld [tilespmem:s22+$0x9A50]  }
0x2db: {  	s8 =	sshll.u32 s25, $0x7;
	v21 =	vmul.f32 v21, v8;
	v22 =	vld [tilespmem:s23+$0x9A50]  }
0x2dc: {  	s8 =	sand.u32 $0x3FFFFF80, s8;
	[tilespmem:s22+$0x9A30] =	vst v18;
	v17 =	vmul.f32 v17, v10;
	v18 =	vld [tilespmem:s23+$0x9A60]  }
0x2dd: {  	[tilespmem:s22+$0x9A40] =	vst v21;
	v21 =	vld [tilespmem:s8+$0x9A00];
	v20 =	vmul.f32 v20, v10  }
0x2de: {  	v23 =	vld [tilespmem:s8+$0x9A10];
	[tilespmem:s23+$0x9A20] =	vst v17;
	v16 =	vmul.f32 v16, v10  }
0x2df: {  	s25 =	sand.u32 $0x3FFFFF80, s30;
	v17 =	vmul.f32 v19, v8;
	v19 =	vld [tilespmem:s8+$0x9A20];
	[tilespmem:s23+$0x9A30] =	vst v20  }
0x2e0: {  	[tilespmem:s23+$0x9A40] =	vst v16;
	v16 =	vmul.f32 v22, v10;
	v20 =	vld [tilespmem:s25+$0x9A50]  }
0x2e1: {  	[tilespmem:s22+$0x9A50] =	vst v17;
	v17 =	vmul.f32 v18, v10;
	v18 =	vld [tilespmem:s25+$0x9A60]  }
0x2e2: {  	s4 =	sshll.u32 s4, $0x7;
	v21 =	vmul.f32 v21, v15;
	v22 =	vld [tilespmem:s8+$0x9A30];
	[tilespmem:s23+$0x9A50] =	vst v16  }
0x2e3: {  	s10 =	sand.u32 $0x3FFFFF80, s4;
	v16 =	vmul.f32 v23, v15;
	v23 =	vld [tilespmem:s8+$0x9A40];
	[tilespmem:s23+$0x9A60] =	vst v17  }
0x2e4: {  	[tilespmem:s8+$0x9A00] =	vst v21;
	v17 =	vmul.f32 v19, v15;
	v19 =	vld [tilespmem:s10+$0x9A10]  }
0x2e5: {  	[tilespmem:s8+$0x9A10] =	vst v16;
	v16 =	vmul.f32 v20, v9;
	v20 =	vld [tilespmem:s10+$0x9A20]  }
0x2e6: {  	[tilespmem:s8+$0x9A20] =	vst v17;
	v17 =	vld [tilespmem:s8+$0x9A50];
	v18 =	vmul.f32 v18, v9  }
0x2e7: {  	v21 =	vmul.f32 v22, v15;
	v22 =	vld [tilespmem:s8+$0x9A60];
	[tilespmem:s25+$0x9A50] =	vst v16  }
0x2e8: {  	v16 =	vmul.f32 v23, v15;
	[tilespmem:s25+$0x9A60] =	vst v18;
	v18 =	vld [tilespmem:s10+$0x9A50]  }
0x2e9: {  	[tilespmem:s8+$0x9A30] =	vst v21;
	v21 =	vld [tilespmem:s8+$0x9A70];
	v19 =	vmul.f32 v19, v12  }
0x2ea: {  	s29 =	sand.u32 $0x3FFFFF80, s29;
	v23 =	vld [tilespmem:s19+$0x9A60];
	[tilespmem:s8+$0x9A40] =	vst v16;
	v16 =	vmul.f32 v20, v12  }
0x2eb: {  	s4 =	sand.u32 $0x3FFFFF80, s28;
	v17 =	vmul.f32 v17, v15;
	v20 =	vld [tilespmem:s29+$0x9A10];
	[tilespmem:s10+$0x9A10] =	vst v19  }
0x2ec: {  	v19 =	vld [tilespmem:s4+$0x9A00];
	v22 =	vmul.f32 v22, v15;
	[tilespmem:s10+$0x9A20] =	vst v16  }
0x2ed: {  	[tilespmem:s8+$0x9A50] =	vst v17;
	v16 =	vld [tilespmem:s10+$0x9A30];
	v17 =	vmul.f32 v18, v12  }
0x2ee: {  	[tilespmem:s8+$0x9A60] =	vst v22;
	v15 =	vmul.f32 v21, v15;
	v18 =	vld [tilespmem:s10+$0x9A40]  }
0x2ef: {  	v21 =	vmul.f32 v23, v5;
	v22 =	vld [tilespmem:s4+$0x9A10];
	[tilespmem:s10+$0x9A50] =	vst v17  }
0x2f0: {  	[tilespmem:s8+$0x9A70] =	vst v15;
	v15 =	vmul.f32 v20, v14;
	v17 =	vld [tilespmem:s10+$0x9A60]  }
0x2f1: {  	[tilespmem:s19+$0x9A60] =	vst v21;
	v19 =	vmul.f32 v19, v13;
	v20 =	vld [tilespmem:s10+$0x9A70]  }
0x2f2: {  	v21 =	vld [tilespmem:s4+$0x9A20];
	[tilespmem:s29+$0x9A10] =	vst v15;
	v15 =	vmul.f32 v16, v12  }
0x2f3: {  	[tilespmem:s4+$0x9A00] =	vst v19;
	v16 =	vld [tilespmem:s29+$0x9A00];
	v18 =	vmul.f32 v18, v12  }
0x2f4: {  	v19 =	vmul.f32 v22, v13;
	v22 =	vld [tilespmem:s4+$0x9A30];
	[tilespmem:s10+$0x9A30] =	vst v15  }
0x2f5: {  	v15 =	vld [tilespmem:s4+$0x9A40];
	[tilespmem:s10+$0x9A40] =	vst v18;
	v17 =	vmul.f32 v17, v12  }
0x2f6: {  	[tilespmem:s4+$0x9A10] =	vst v19;
	v18 =	vld [tilespmem:s29+$0x9A20];
	v19 =	vmul.f32 v20, v12  }
0x2f7: {  	v20 =	vmul.f32 v21, v13;
	v21 =	vld [tilespmem:s29+$0x9A30];
	[tilespmem:s10+$0x9A60] =	vst v17  }
0x2f8: {  	v16 =	vmul.f32 v16, v14;
	v17 =	vld [tilespmem:s29+$0x9A40];
	[tilespmem:s10+$0x9A70] =	vst v19  }
0x2f9: {  	[tilespmem:s4+$0x9A20] =	vst v20;
	v19 =	vmul.f32 v22, v13;
	v20 =	vld [tilespmem:s4+$0x9A50]  }
0x2fa: {  	v15 =	vmul.f32 v15, v13;
	[tilespmem:s29+$0x9A00] =	vst v16;
	v16 =	vld [tilespmem:s29+$0x9A50]  }
0x2fb: {  	[tilespmem:s4+$0x9A30] =	vst v19;
	v18 =	vmul.f32 v18, v14;
	v19 =	vld [tilespmem:s29+$0x9A60]  }
0x2fc: {  	[tilespmem:s4+$0x9A40] =	vst v15;
	v15 =	vld [tilespmem:s4+$0x9A60];
	v21 =	vmul.f32 v21, v14  }
0x2fd: {  	[tilespmem:s29+$0x9A20] =	vst v18;
	v17 =	vmul.f32 v17, v14;
	v18 =	vld [tilespmem:s29+$0x9A70]  }
0x2fe: {  	s26 =	sand.u32 $0x3FFFFF80, s26;
	v20 =	vmul.f32 v20, v13;
	v22 =	vld [tilespmem:s4+$0x9A70];
	[tilespmem:s29+$0x9A30] =	vst v21  }
0x2ff: {  	[tilespmem:s29+$0x9A40] =	vst v17;
	v16 =	vmul.f32 v16, v14;
	v17 =	vld [tilespmem:s26+$0x9A00]  }
0x300: {  	[tilespmem:s4+$0x9A50] =	vst v20;
	v19 =	vmul.f32 v19, v14;
	v20 =	vld [tilespmem:s26+$0x9A10]  }
0x301: {  	s24 =	sand.u32 $0x3FFFFF80, s24;
	v15 =	vmul.f32 v15, v13;
	[tilespmem:s29+$0x9A50] =	vst v16;
	v16 =	vld [tilespmem:s26+$0x9A20]  }
0x302: {  	v21 =	vld [tilespmem:s24+$0x9A00];
	[tilespmem:s29+$0x9A60] =	vst v19;
	v14 =	vmul.f32 v18, v14  }
0x303: {  	[tilespmem:s4+$0x9A60] =	vst v15;
	v13 =	vmul.f32 v22, v13;
	v15 =	vld [tilespmem:s22+$0x9A10]  }
0x304: {  	v18 =	vld [tilespmem:s24+$0x9A10];
	[tilespmem:s29+$0x9A70] =	vst v14;
	v14 =	vmul.f32 v17, v7  }
0x305: {  	[tilespmem:s4+$0x9A70] =	vst v13;
	v13 =	vld [tilespmem:s22+$0x9A70];
	v17 =	vmul.f32 v20, v7  }
0x306: {  	[tilespmem:s26+$0x9A00] =	vst v14;
	v14 =	vmul.f32 v16, v7;
	v16 =	vld [tilespmem:s25+$0x9A00]  }
0x307: {  	v19 =	vmul.f32 v21, v11;
	[tilespmem:s26+$0x9A10] =	vst v17;
	v17 =	vld [tilespmem:s25+$0x9A10]  }
0x308: {  	v15 =	vmul.f32 v15, v8;
	[tilespmem:s26+$0x9A20] =	vst v14;
	v14 =	vld [tilespmem:s25+$0x9A20]  }
0x309: {  	[tilespmem:s24+$0x9A00] =	vst v19;
	v18 =	vmul.f32 v18, v11;
	v19 =	vld [tilespmem:s24+$0x9A20]  }
0x30a: {  	[tilespmem:s22+$0x9A10] =	vst v15;
	v13 =	vmul.f32 v13, v8;
	v15 =	vld [tilespmem:s25+$0x9A70]  }
0x30b: {  	[tilespmem:s24+$0x9A10] =	vst v18;
	v18 =	vld [tilespmem:s24+$0x9A30];
	v16 =	vmul.f32 v16, v9  }
0x30c: {  	[tilespmem:s22+$0x9A70] =	vst v13;
	v13 =	vmul.f32 v17, v9;
	v17 =	vld [tilespmem:s10+$0x9A00]  }
0x30d: {  	v20 =	vld [tilespmem:s24+$0x9A40];
	[tilespmem:s25+$0x9A00] =	vst v16;
	v14 =	vmul.f32 v14, v9  }
0x30e: {  	v16 =	vmul.f32 v19, v11;
	v19 =	vld [tilespmem:s24+$0x9A50];
	[tilespmem:s25+$0x9A10] =	vst v13  }
0x30f: {  	v13 =	vld [tilespmem:s24+$0x9A60];
	[tilespmem:s25+$0x9A20] =	vst v14;
	v14 =	vmul.f32 v15, v9  }
0x310: {  	s21 =	sand.u32 $0x3FFFFF80, s21;
	[tilespmem:s24+$0x9A20] =	vst v16;
	v15 =	vmul.f32 v18, v11;
	v16 =	vld [tilespmem:s24+$0x9A70]  }
0x311: {  	v18 =	vld [tilespmem:s21+$0x9A10];
	[tilespmem:s25+$0x9A70] =	vst v14;
	v12 =	vmul.f32 v17, v12  }
0x312: {  	[tilespmem:s24+$0x9A30] =	vst v15;
	v14 =	vmul.f32 v20, v11;
	v15 =	vld [tilespmem:s17+$0x9A00]  }
0x313: {  	v17 =	vmul.f32 v19, v11;
	v19 =	vld [tilespmem:s21+$0x9A20];
	[tilespmem:s10+$0x9A00] =	vst v12  }
0x314: {  	[tilespmem:s24+$0x9A40] =	vst v14;
	v12 =	vmul.f32 v13, v11;
	v13 =	vld [tilespmem:s17+$0x9A10]  }
0x315: {  	[tilespmem:s24+$0x9A50] =	vst v17;
	v11 =	vmul.f32 v16, v11;
	v14 =	vld [tilespmem:s17+$0x9A20]  }
0x316: {  	[tilespmem:s24+$0x9A60] =	vst v12;
	v12 =	vmul.f32 v18, v3;
	v16 =	vld [tilespmem:s21+$0x9A30]  }
0x317: {  	[tilespmem:s24+$0x9A70] =	vst v11;
	v11 =	vmul.f32 v15, v4;
	v15 =	vld [tilespmem:s17+$0x9A40]  }
0x318: {  	[tilespmem:s21+$0x9A10] =	vst v12;
	v12 =	vmul.f32 v19, v3;
	v17 =	vld [tilespmem:s22+$0x9A00]  }
0x319: {  	[tilespmem:s17+$0x9A00] =	vst v11;
	v11 =	vmul.f32 v13, v4;
	v13 =	vld [tilespmem:s17+$0x9A50]  }
0x31a: {  	[tilespmem:s21+$0x9A20] =	vst v12;
	v12 =	vmul.f32 v14, v4;
	v14 =	vld [tilespmem:s17+$0x9A60]  }
0x31b: {  	v16 =	vmul.f32 v16, v3;
	v18 =	vld [tilespmem:s21+$0x9A40];
	[tilespmem:s17+$0x9A10] =	vst v11  }
0x31c: {  	[tilespmem:s17+$0x9A20] =	vst v12;
	v11 =	vmul.f32 v15, v4;
	v12 =	vld [tilespmem:s23+$0x9A10]  }
0x31d: {  	[tilespmem:s21+$0x9A30] =	vst v16;
	v15 =	vmul.f32 v17, v8;
	v16 =	vld [tilespmem:s22+$0x9A20]  }
0x31e: {  	[tilespmem:s17+$0x9A40] =	vst v11;
	v11 =	vmul.f32 v13, v4;
	v13 =	vld [tilespmem:s23+$0x9A00]  }
0x31f: {  	v17 =	vld [tilespmem:s21+$0x9A50];
	[tilespmem:s22+$0x9A00] =	vst v15;
	v14 =	vmul.f32 v14, v4  }
0x320: {  	v15 =	vmul.f32 v18, v3;
	v18 =	vld [tilespmem:s21+$0x9A60];
	[tilespmem:s17+$0x9A50] =	vst v11  }
0x321: {  	[tilespmem:s17+$0x9A60] =	vst v14;
	v11 =	vmul.f32 v12, v10;
	v12 =	vld [tilespmem:s23+$0x9A70]  }
0x322: {  	[tilespmem:s21+$0x9A40] =	vst v15;
	v14 =	vmul.f32 v16, v8;
	v15 =	vld [tilespmem:s22+$0x9A60]  }
0x323: {  	v16 =	vld [tilespmem:s21+$0x9A70];
	v13 =	vmul.f32 v13, v10;
	[tilespmem:s23+$0x9A10] =	vst v11  }
0x324: {  	v11 =	vmul.f32 v17, v3;
	[tilespmem:s22+$0x9A20] =	vst v14;
	v14 =	vld [tilespmem:s25+$0x9A30]  }
0x325: {  	s4 =	sand.u32 $0x3FFFFF80, s18;
	v17 =	vmul.f32 v18, v3;
	[tilespmem:s23+$0x9A00] =	vst v13;
	v13 =	vld [tilespmem:s25+$0x9A40]  }
0x326: {  	[tilespmem:s21+$0x9A50] =	vst v11;
	v11 =	vld [tilespmem:s4+$0x9A00];
	v10 =	vmul.f32 v12, v10  }
0x327: {  	v12 =	vld [tilespmem:s19+$0x9A70];
	[tilespmem:s21+$0x9A60] =	vst v17;
	v8 =	vmul.f32 v15, v8  }
0x328: {  	v15 =	vmul.f32 v16, v3;
	v16 =	vld [tilespmem:s26+$0x9A30];
	[tilespmem:s23+$0x9A70] =	vst v10  }
0x329: {  	[tilespmem:s22+$0x9A60] =	vst v8;
	v8 =	vld [tilespmem:s26+$0x9A40];
	v10 =	vmul.f32 v14, v9  }
0x32a: {  	[tilespmem:s21+$0x9A70] =	vst v15;
	v14 =	vld [tilespmem:s26+$0x9A50];
	v9 =	vmul.f32 v13, v9  }
0x32b: {  	v11 =	vmul.f32 v11, v2;
	v13 =	vld [tilespmem:s26+$0x9A60];
	[tilespmem:s25+$0x9A30] =	vst v10  }
0x32c: {  	v5 =	vmul.f32 v12, v5;
	v10 =	vld [tilespmem:s26+$0x9A70];
	[tilespmem:s25+$0x9A40] =	vst v9  }
0x32d: {  	[tilespmem:s4+$0x9A00] =	vst v11;
	v9 =	vld [tilespmem:s4+$0x9A10];
	v11 =	vmul.f32 v16, v7  }
0x32e: {  	[tilespmem:s19+$0x9A70] =	vst v5;
	v5 =	vld [tilespmem:s4+$0x9A20];
	v8 =	vmul.f32 v8, v7  }
0x32f: {  	v12 =	vld [tilespmem:s4+$0x9A30];
	[tilespmem:s26+$0x9A30] =	vst v11;
	v11 =	vmul.f32 v14, v7  }
0x330: {  	v14 =	vld [tilespmem:s4+$0x9A40];
	[tilespmem:s26+$0x9A40] =	vst v8;
	v8 =	vmul.f32 v13, v7  }
0x331: {  	v13 =	vld [tilespmem:s4+$0x9A50];
	[tilespmem:s26+$0x9A50] =	vst v11;
	v7 =	vmul.f32 v10, v7  }
0x332: {  	v9 =	vmul.f32 v9, v2;
	v10 =	vld [tilespmem:s4+$0x9A60];
	[tilespmem:s26+$0x9A60] =	vst v8  }
0x333: {  	v8 =	vld [tilespmem:s21+$0x9A00];
	v5 =	vmul.f32 v5, v2;
	[tilespmem:s26+$0x9A70] =	vst v7  }
0x334: {  	[tilespmem:s4+$0x9A10] =	vst v9;
	v7 =	vmul.f32 v12, v2;
	v9 =	vld [tilespmem:s4+$0x9A70]  }
0x335: {  	s8 =	sand.u32 $0x3FFFFF80, s16;
	[tilespmem:s4+$0x9A20] =	vst v5;
	v5 =	vmul.f32 v14, v2;
	v11 =	vld [tilespmem:s17+$0x9A30]  }
0x336: {  	[tilespmem:s4+$0x9A30] =	vst v7;
	v7 =	vmul.f32 v13, v2;
	v12 =	vld [tilespmem:s8+$0x9A00]  }
0x337: {  	[tilespmem:s4+$0x9A40] =	vst v5;
	v5 =	vmul.f32 v10, v2;
	v10 =	vld [tilespmem:s8+$0x9A10]  }
0x338: {  	v3 =	vmul.f32 v8, v3;
	[tilespmem:s4+$0x9A50] =	vst v7;
	v7 =	vld [tilespmem:s8+$0x9A20]  }
0x339: {  	[tilespmem:s4+$0x9A60] =	vst v5;
	v2 =	vmul.f32 v9, v2;
	v5 =	vld [tilespmem:s8+$0x9A30]  }
0x33a: {  	[tilespmem:s21+$0x9A00] =	vst v3;
	v3 =	vld [tilespmem:s8+$0x9A40];
	v4 =	vmul.f32 v11, v4  }
0x33b: {  	[tilespmem:s4+$0x9A70] =	vst v2;
	v2 =	vmul.f32 v12, v6;
	v8 =	vld [tilespmem:s8+$0x9A50]  }
0x33c: {  	v9 =	vmul.f32 v10, v6;
	v10 =	vld [tilespmem:s8+$0x9A60];
	[tilespmem:s17+$0x9A30] =	vst v4  }
0x33d: {  	s4 =	sand.u32 $0x3FFFFF80, s15;
	[tilespmem:s8+$0x9A00] =	vst v2;
	v2 =	vmul.f32 v7, v6;
	v4 =	vld [tilespmem:s8+$0x9A70]  }
0x33e: {  	[tilespmem:s8+$0x9A10] =	vst v9;
	v5 =	vmul.f32 v5, v6;
	v7 =	vld [tilespmem:s4+$0x9A00]  }
0x33f: {  	[tilespmem:s8+$0x9A20] =	vst v2;
	v2 =	vmul.f32 v3, v6;
	v3 =	vld [tilespmem:s4+$0x9A10]  }
0x340: {  	[tilespmem:s8+$0x9A30] =	vst v5;
	v5 =	vmul.f32 v8, v6;
	v8 =	vld [tilespmem:s4+$0x9A20]  }
0x341: {  	[tilespmem:s8+$0x9A40] =	vst v2;
	v2 =	vmul.f32 v10, v6;
	v9 =	vld [tilespmem:s4+$0x9A30]  }
0x342: {  	[tilespmem:s8+$0x9A50] =	vst v5;
	v4 =	vmul.f32 v4, v6;
	v5 =	vld [tilespmem:s4+$0x9A40]  }
0x343: {  	[tilespmem:s8+$0x9A60] =	vst v2;
	v2 =	vmul.f32 v7, v1;
	v6 =	vld [tilespmem:s4+$0x9A50]  }
0x344: {  	[tilespmem:s8+$0x9A70] =	vst v4;
	v3 =	vmul.f32 v3, v1;
	v4 =	vld [tilespmem:s4+$0x9A60]  }
0x345: {  	[tilespmem:s4+$0x9A00] =	vst v2;
	v2 =	vmul.f32 v8, v1;
	v7 =	vld [tilespmem:s4+$0x9A70]  }
0x346: {  	[tilespmem:s4+$0x9A10] =	vst v3;
	v3 =	vmul.f32 v9, v1  }
.Ltmp3:
0x347: {  	[tilespmem:s4+$0x9A20] =	vst v2;
	v2 =	vmul.f32 v5, v1;
	(pc) =	sbr.rel @p1 .LBB2_9-.Ltmp3, $4  }
0x348: {  	[tilespmem:s4+$0x9A30] =	vst v3;
	v3 =	vmul.f32 v6, v1  }
0x349: {  	[tilespmem:s4+$0x9A40] =	vst v2;
	v2 =	vmul.f32 v4, v1  }
0x34a: {  	[tilespmem:s4+$0x9A50] =	vst v3;
	v1 =	vmul.f32 v7, v1  }
0x34b: {  	s17 =	smov.u32 s14;
	[tilespmem:s4+$0x9A60] =	vst v2  }
0x34c: {  	[tilespmem:s4+$0x9A70] =	vst v1;
	s4 =	simm.s32 @p0 $0x40;
	s8 =	simm.s32 @p0 $0x7980;
	s10 =	simm.s32 @p0 $0x9A00  }
0x34d: {  	[spmem:s2] =	stream.indirect.scatter.add.f32 @p0 [tilespmem:s10], [sflag:$0x5], $0x80, s8, s4, $0xb8;
	[tilespmem:$0x1F600] =	vst v63  }
0x34e: {  	s4 =	simm.s32 @p0 $0x5  }
0x34f: {  	_ =	swait.ge @p0 [sflag:s4], $0x2000  }
0x350: {  	[sflag:s4] =	ssyncset.done @p0 $0x0  }
0x351: {  	[sflag:s4] =	ssyncadd.s32 @p0 $0xFFFFE000;
	s4 =	sadd.s32 @!p0 $0x18, s13  }
0x352: {  	s10 =	simm.s32 @!p0 $0x0;
	s13 =	simm.s32 @!p0 $0x7800;
	s8 =	sadd.s32 @!p0 s6, s4  }
0x353: {  	[tilespmem:s13], [sflag:$0x4] =	stream.linear.gather @!p0 [hbm4b:s8+s10], $0x40, $0x38;
	[tilespmem:$0x1F600] =	vst v63  }
0x354: {  	s4 =	sadd.s32 @!p0 s7, s4;
	s8 =	simm.s32 @!p0 $0x7880  }
0x355: {  	[tilespmem:s8], [sflag:$0x4] =	stream.linear.gather @!p0 [hbm4b:s4+s10], $0x40, $0x38;
	[tilespmem:$0x1F600] =	vst v63  }
0x356: {  	s13 =	simm.s32 @!p0 $0x9A00;
	s4 =	simm.s32 @!p0 $0x40;
	s10 =	simm.s32 @!p0 $0x7980  }
0x357: {  	[spmem:s2] =	stream.indirect.scatter.add.f32 @!p0 [tilespmem:s13], [sflag:$0x5], $0x80, s10, s4, $0xb8;
	[tilespmem:$0x1F600] =	vst v63  }
0x358: {  	s10 =	simm.s32 @!p0 $0x5  }
0x359: {  	_ =	swait.ge @!p0 [sflag:s10], $0x2000  }
0x35a: {  	[sflag:s10] =	ssyncset.done @!p0 $0x0  }
0x35b: {  	[sflag:s10] =	ssyncadd.s32 @!p0 $0xFFFFE000;
	s10 =	simm.s32 @!p0 $0x4  }
0x35c: {  	_ =	swait.ge @!p0 [sflag:s10], $0x40  }
0x35d: {  	[sflag:s10] =	ssyncset.done @!p0 $0x0  }
0x35e: {  	[sflag:s10] =	ssyncadd.s32 @!p0 $0xFFFFFFC0  }
0x35f: {  	_ =	swait.ge @!p0 [sflag:s10], $0x40  }
0x360: {  	[sflag:s10] =	ssyncset.done @!p0 $0x0  }
0x361: {  	s12 =	sadd.s32 $0x1, s12;
	s30 =	rddreg [dreg:$0xf];
	[sflag:s10] =	ssyncadd.s32 @!p0 $0xFFFFFFC0  }
0x362: {  	[tilespmem:s13], [sflag:$0x2] =	stream.indirect.gather @!p0 [hbm4b:s1+s4], $0x80, s8, s4, $0xb8;
	[tilespmem:$0x1F600] =	vst v63  }
0x363: {  	p0 =	sne.s32 s12, s30  }
.Ltmp4:
0x364: {  	_ = 	snop;
	(pc) =	sbr.rel @p0 .LBB2_6-.Ltmp4, $1  }
0x365: {  	_ =	sdelay $0x3  }
0x366: {  	s4 =	stileid.u32;
	[bflag:$0x0] =	sbarrier.arrive $0xFFFF  }
0x367: {  	s12 =	simm.s32 $0x5;
	s4 =	sshll.u32 s4, $0x6;
	s10 =	rddreg [dreg:$0x5]  }
0x368: {  	s11 =	rddreg [dreg:$0x12];
	s4 =	sor.u32 $0x1C05, s4;
	s8 =	sshrl.u32 s10, $0x3  }
0x369: {  	[hbm:s11], [sflag:s4] =	dma.local [spmem:s8], $0x2780  }
0x36a: {  	_ =	swait.ge [sflag:s12], $0x2780  }
0x36b: {  	[sflag:s12] =	ssyncset.done $0x0  }
0x36c: {  	s26 =	simm.s32 $0x0;
	s28 =	rddreg [dreg:$0x13];
	[sflag:s12] =	ssyncadd.s32 $0xFFFFD880  }
0x36d: {  	[hbm4b:s28+s26] =	stream.linear.scatter [tilespmem:s5], [sflag:$0x5], $0x2780, $0x38;
	[tilespmem:$0x1F600] =	vst v63  }
0x36e: {  	_ =	swait.ge [sflag:s12], $0x2780  }
0x36f: {  	s29 =	rddreg [dreg:$0x17]  }
0x370: {  	s30 =	rddreg [dreg:$0x14];
	s8 =	sadd.s32 $0x1, s29  }
0x371: {  	p0 =	sne.s32 s8, s30  }
.Ltmp5:
0x372: {  	_ = 	snop;
	(pc) =	sbr.rel @p0 .LBB2_1-.Ltmp5, $3  }
0x373: {  	_ =	sdelay $0x1  }
0x374: {  	[sflag:s12] =	ssyncset.done $0x0  }
0x375: {  	[sflag:s12] =	ssyncadd.s32 $0xFFFFD880  }
0x376: {  	_ =	sfence.sel $0x180000  }
0x377: {  	[bflag:$0x0] =	sbarrier.arrive $0xFFFF  }
0x378: {  	_ =	strace $0x90000047  }
0x379: {  	s0 =	stileid.u32;
	[bflag:$0x2] =	sbarrier.arrive $0xFFFF  }
0x37a: {  	p0 =	sne.s32 s0, $0x0;
	s0 =	rddreg [dreg:$0x3]  }
0x37b: {  	s0 =	sadd.s32 @!p0 $0x100000, s0  }
0x37c: {  	[sflag:s0] =	ssyncadd.tile.s32 @!p0 $0x1;
	_ =	shalt  }
.Lfunc_end2:
_tile_overlayer_lowered:
.L_overlay_start_2:
0x37d: {  	(tag) =	ssettag $0x2  }
0x37e: {  	s0 =	rddreg [dreg:$0x0];
	s2 =	stileid.u32  }
0x37f: {  	s1 =	rddreg [dreg:$0x1];
	p0 =	sne.s32 s2, $0x0  }
0x380: {  	s3 =	rddreg [dreg:$0x2];
	[bflag:$0x3] =	sbarrier.arrive $0xFFFF;
	s2 =	simm.s32 @!p0 $0x1C05  }
0x381: {  	[timem:s3], [sflag:s2] =	dma.local @!p0 [hbm:s0], s1  }
0x382: {  	s0 =	simm.s32 @!p0 $0x5  }
0x383: {  	_ =	swait.ge @!p0 [sflag:s0], s1  }
0x384: {  	s1 =	ssub.s32 @!p0 $0x0, s1;
	[sflag:s0] =	ssyncset.done @!p0 $0x0  }
0x385: {  	[sflag:s0] =	ssyncadd.s32 @!p0 s1  }
0x386: {  	[bflag:$0x3] =	sbarrier.arrive $0xFFFF  }
0x387: {  	_ =	shalt  }

</sc_bundles>
